<compile_context>
chip_gen: v7x
topology: tpu7x:2x2x1
jax: 0.10.2.dev20260603
libtpu: 0.0.44.dev20260713+nightly
codegen_flags: <defaults>
</compile_context>

<pallas_src>
import math

import numpy as np
import jax
import jax.numpy as jnp
from jax import lax
from jax.experimental import pallas as pl
from jax.experimental.pallas import tpu as pltpu
from jax.experimental.pallas import tpu_sc as plsc

_EMB = 64
_MAIN = 44
_B, _L = 16384, 50
_NPOS = _B * _L
_NW = 32
_ROWS = 8
_CHUNK = _ROWS * _L
_NCHUNK = _B // (_NW * _ROWS)
_NGRP = _CHUNK // 16
_N_RANKS = 14
_MSTR = 45
_LROWS = 32
_OUTW = _ROWS * _LROWS * 128
_RELAY_ROWS = 64


def _body(pk_h, main_h, quad_h, cos_h, sin_h, cmb_h,
          out_h, mask_h,
          pk_v0, pk_v1,
          out_v0, out_v1, mask_v0, mask_v1,
          main_t, quad_t, cos_t, sin_t, cmb_v,
          hist, shist,
          sem_in0, sem_in1, sem_out0, sem_out1):
    wid = lax.axis_index("s") * 2 + lax.axis_index("c")
    sems_in = (sem_in0, sem_in1)
    sems_out = (sem_out0, sem_out1)
    pks = (pk_v0, pk_v1)
    outs = (out_v0, out_v1)
    masks = (mask_v0, mask_v1)

    pltpu.sync_copy(main_h, main_t)
    pltpu.sync_copy(quad_h, quad_t)
    pltpu.sync_copy(cos_h, cos_t)
    pltpu.sync_copy(sin_h, sin_t)
    pltpu.sync_copy(cmb_h, cmb_v)

    iota = lax.iota(jnp.int32, 16)
    ones = jnp.ones((16,), jnp.float32)
    zf = jnp.zeros((16,), jnp.float32)

    def zero_body(k, carry):
        zi = k * 16 + iota
        plsc.store_scatter(out_v0, [zi], zf)
        plsc.store_scatter(out_v1, [zi], zf)
        return carry

    lax.fori_loop(0, _OUTW // 16, zero_body, 0)

    def issue_in(c, b):
        base = (wid * _NCHUNK + c) * _CHUNK
        pltpu.async_copy(pk_h.at[pl.ds(base, _CHUNK)], pks[b], sems_in[b])

    def wait_in(b):
        pltpu.make_async_copy(pk_h.at[pl.ds(0, _CHUNK)], pks[b],
                              sems_in[b]).wait()

    def issue_out(c, b):
        base = (wid * _NCHUNK + c) * _CHUNK
        pltpu.async_copy(outs[b],
                         out_h.at[pl.ds((wid * _NCHUNK + c) * _OUTW, _OUTW)],
                         sems_out[b])
        pltpu.async_copy(masks[b], mask_h.at[pl.ds(base, _CHUNK)],
                         sems_out[b])

    def wait_out(b):
        pltpu.make_async_copy(outs[b],
                              out_h.at[pl.ds(0, _OUTW)],
                              sems_out[b]).wait()
        pltpu.make_async_copy(masks[b], mask_h.at[pl.ds(0, _CHUNK)],
                              sems_out[b]).wait()

    def compute(b):
        pk_v = pks[b]
        out_v = outs[b]
        mask_v = masks[b]

        for k in range(16):
            hist[pl.ds(k * 16, 16)] = zf
        for k in range(8):
            shist[pl.ds(k * 16, 16)] = zf

        def hist_body(g, h_carry):
            s = g * 16
            pk = pk_v[pl.ds(s, 16)]
            rk = (pk >> 24) & 15
            st = (pk >> 21) & 7
            rid = cmb_v[pl.ds(s, 16)] >> 16
            plsc.addupdate_scatter(hist, [rid * 32 + rk], ones)
            plsc.addupdate_scatter(shist, [rid * 16 + st], ones)
            return h_carry

        lax.fori_loop(0, _NGRP, hist_body, 0)

        def grp_body(g, g_carry):
            s = g * 16
            pk = pk_v[pl.ds(s, 16)]
            idxv = pk & 255
            env = (pk >> 8) & 15
            edv = (pk >> 12) & 7
            slv = (pk >> 15) & 7
            sgv = (pk >> 18) & 7
            st = (pk >> 21) & 7
            rk = (pk >> 24) & 15
            cmb = cmb_v[pl.ds(s, 16)]
            rid = cmb >> 16
            pb = cmb & 0xFFFF
            hb = rid * 32
            sr = plsc.load_gather(hist, [hb + rk])
            sr = jnp.where(rk == 0, zf, sr)
            ss = plsc.load_gather(shist, [rid * 16 + st])
            ss = jnp.where(st == 0, zf, ss)
            fl = jnp.where(ss >= 5.0, ones, zf)
            up = plsc.load_gather(hist, [jnp.maximum(hb + rk - 1, 0)])
            up = jnp.where(rk == 0, zf, up)
            dn = plsc.load_gather(hist, [hb + rk + 1])
            cs = plsc.load_gather(cos_t, [rk])
            sn = plsc.load_gather(sin_t, [rk])
            mask_v[pl.ds(s, 16)] = ((idxv == 0) & (rk == 0)).astype(jnp.int32)

            feats = {37: cs, 38: sn, 39: up, 40: dn, 41: fl, 42: ss, 43: sr}
            m = idxv * _MSTR
            col = iota - iota
            one_i = col + 1
            for d in range(_MAIN):
                v = plsc.load_gather(main_t, [m])
                f = feats.get(d)
                if f is not None:
                    v = v + f
                plsc.store_scatter(out_v, [pb + col], v)
                m = m + 1
                col = col + one_i
            plsc.addupdate_scatter(out_v, [pb + st], ones)
            plsc.addupdate_scatter(out_v, [pb + 5 + rk], ones)

            col = col + 4
            for t, ivec in enumerate((sgv, env, edv, slv)):
                q = ivec * 5 + t * 80
                for k in range(4):
                    v = plsc.load_gather(quad_t, [q])
                    plsc.store_scatter(out_v, [pb + col], v)
                    q = q + 1
                    col = col + one_i
            return g_carry

        lax.fori_loop(0, _NGRP, grp_body, 0)

    issue_in(0, 0)

    def pair_body(p, carry):
        c = 2 * p
        issue_in(c + 1, 1)
        wait_in(0)

        @pl.when(p >= 1)
        def _():
            wait_out(0)

        compute(0)
        issue_out(c, 0)

        @pl.when(p <= _NCHUNK // 2 - 2)
        def _():
            issue_in(c + 2, 0)

        wait_in(1)

        @pl.when(p >= 1)
        def _():
            wait_out(1)

        compute(1)
        issue_out(c + 1, 1)
        return carry

    lax.fori_loop(0, _NCHUNK // 2, pair_body, 0)
    wait_out(0)
    wait_out(1)


def _pad_rows(t, n):
    return jnp.zeros((n, t.shape[1]), t.dtype).at[: t.shape[0]].set(t)


def kernel(indices, enhancement, edition, seal, debuffed, segment, suit, rank,
           scalar_properties, general_index_table, enhancement_table,
           edition_table, seal_table, segment_table, debuffed_table,
           suit_table, rank_table):
    del debuffed, debuffed_table, suit_table, rank_table
    packed = (indices | (enhancement << 8) | (edition << 12) | (seal << 15)
              | (segment << 18) | (suit << 21) | (rank << 24))
    pk_f = packed.reshape(-1)

    ph = (np.arange(16, dtype=np.float64) + 1.0) * math.pi / _N_RANKS
    cos_t = jnp.asarray(np.cos(ph), jnp.float32)
    sin_t = jnp.asarray(np.sin(ph), jnp.float32)
    p = np.arange(_CHUNK)
    r, l = p // _L, p % _L
    offw = (r * _LROWS + l % 25) * 128 + (l // 25) * _EMB
    cmb_t = jnp.asarray((r << 16) | offw, jnp.int32)

    def _pad5(t):
        q = _pad_rows(t, 16)
        return jnp.pad(q, ((0, 0), (0, 1))).reshape(-1)

    quad = jnp.concatenate([
        _pad5(segment_table), _pad5(enhancement_table),
        _pad5(edition_table), _pad5(seal_table),
    ])
    main_flat = jnp.pad(general_index_table,
                        ((0, 0), (0, _MSTR - _MAIN))).reshape(-1)

    mesh = plsc.VectorSubcoreMesh(core_axis_name="c", subcore_axis_name="s")
    out, mask = pl.kernel(
        _body,
        out_type=(
            jax.ShapeDtypeStruct((_B * _LROWS * 128,), jnp.float32),
            jax.ShapeDtypeStruct((_NPOS,), jnp.int32),
        ),
        mesh=mesh,
        compiler_params=pltpu.CompilerParams(needs_layout_passes=False),
        scratch_types=(
            (pltpu.VMEM((_CHUNK,), jnp.int32),) * 2
            + (pltpu.VMEM((_OUTW,), jnp.float32),) * 2
            + (pltpu.VMEM((_CHUNK,), jnp.int32),) * 2
            + (
                pltpu.VMEM((160 * _MSTR,), jnp.float32),
                pltpu.VMEM((320,), jnp.float32),
                pltpu.VMEM((16,), jnp.float32),
                pltpu.VMEM((16,), jnp.float32),
                pltpu.VMEM((_CHUNK,), jnp.int32),
                pltpu.VMEM((256,), jnp.float32),
                pltpu.VMEM((128,), jnp.float32),
                pltpu.SemaphoreType.DMA,
                pltpu.SemaphoreType.DMA,
                pltpu.SemaphoreType.DMA,
                pltpu.SemaphoreType.DMA,
            )
        ),
    )(pk_f, main_flat, quad, cos_t, sin_t, cmb_t)

    def _relayout(in_ref, scal_ref, out_ref):
        x = in_ref[...].reshape(_RELAY_ROWS, _LROWS, 128)
        lo = x[:, :25, :_EMB]
        hi = x[:, :25, _EMB:]
        y = jnp.concatenate([lo, hi], axis=1)
        s = scal_ref[...]
        out_ref[...] = jnp.concatenate(
            [y[:, :, :_MAIN], s, y[:, :, _MAIN + 4:]], axis=2)

    embeddings = pl.pallas_call(
        _relayout,
        grid=(_B // _RELAY_ROWS,),
        in_specs=[
            pl.BlockSpec((_RELAY_ROWS * _LROWS * 128,), lambda i: (i,)),
            pl.BlockSpec((_RELAY_ROWS, _L, 4), lambda i: (i, 0, 0)),
        ],
        out_specs=pl.BlockSpec((_RELAY_ROWS, _L, _EMB), lambda i: (i, 0, 0)),
        out_shape=jax.ShapeDtypeStruct((_B, _L, _EMB), jnp.float32),
    )(out, scalar_properties.astype(jnp.float32))
    padding_mask = mask.reshape(_B, _L).astype(bool)
    return embeddings, padding_mask

# --- scband reference (transcript-rebuilt; emitter-appended) ---
"""Pipeline reference for scband-universal-card-encoder-44186623541361 (READ-ONLY COPY).

The authoritative reference and input builder live on the scoring server;
editing this copy changes nothing except your own understanding.
"""

import jax, jax.numpy as jnp
import numpy as np
import math

EMB = 64
SEG_SZ = 4; ED_SZ = 4; SEAL_SZ = 4; ENH_SZ = 4; SCAL_SZ = 4
MAIN = EMB - SEG_SZ - SCAL_SZ - ED_SZ - SEAL_SZ - ENH_SZ  # 44
TOTAL_CARDS = 160; N_ENH = 9; N_ED = 5; N_SEAL = 5; N_SEG = 8
N_SUITS = 5; N_RANKS = 14
SUIT_DIM = N_SUITS            # fixed_rank_suit_embeddings=True
RANK_DIM = MAIN - SUIT_DIM    # 39 >= N_RANKS + 7
B, L = 16384, 50

def _padded_table(key, n, d):
    w = jax.random.normal(key, (n, d), dtype=jnp.float32) * 0.02
    return w.at[0].set(0.0)  # padding_idx=0

def setup_inputs(seed: int = 0):
    key = jax.random.key(seed)
    ks = jax.random.split(key, 16)
    suit_w = jnp.zeros((N_SUITS, SUIT_DIM), jnp.float32)
    suit_w = suit_w.at[jnp.arange(N_SUITS), jnp.arange(N_SUITS)].set(1.0)
    rank_w = jnp.zeros((N_RANKS, RANK_DIM), jnp.float32)
    rank_w = rank_w.at[jnp.arange(N_RANKS), jnp.arange(N_RANKS)].set(1.0)
    return {
        'indices': jax.random.randint(ks[0], (B, L), 0, TOTAL_CARDS),
        'enhancement': jax.random.randint(ks[1], (B, L), 0, N_ENH),
        'edition': jax.random.randint(ks[2], (B, L), 0, N_ED),
        'seal': jax.random.randint(ks[3], (B, L), 0, N_SEAL),
        'debuffed': jax.random.randint(ks[4], (B, L), 0, 2),
        'segment': jax.random.randint(ks[5], (B, L), 0, N_SEG),
        'suit': jax.random.randint(ks[6], (B, L), 0, N_SUITS),
        'rank': jax.random.randint(ks[7], (B, L), 0, N_RANKS),
        'scalar_properties': jax.random.normal(ks[8], (B, L, SCAL_SZ), dtype=jnp.float32),
        'general_index_table': _padded_table(ks[9], TOTAL_CARDS, MAIN),
        'enhancement_table': _padded_table(ks[10], N_ENH, ENH_SZ),
        'edition_table': _padded_table(ks[11], N_ED, ED_SZ),
        'seal_table': _padded_table(ks[12], N_SEAL, SEAL_SZ),
        'segment_table': _padded_table(ks[13], N_SEG, SEG_SZ),
        'debuffed_table': _padded_table(ks[14], 2, MAIN),
        'suit_table': suit_w,
        'rank_table': rank_w,
    }

def reference(indices, enhancement, edition, seal, debuffed, segment, suit, rank,
              scalar_properties, general_index_table, enhancement_table, edition_table,
              seal_table, segment_table, debuffed_table, suit_table, rank_table):
    index_embeddings = jnp.take(general_index_table, indices, axis=0)
    enhancement_embeddings = jnp.take(enhancement_table, enhancement, axis=0)
    edition_embeddings = jnp.take(edition_table, edition, axis=0)
    seal_embeddings = jnp.take(seal_table, seal, axis=0)
    debuffed_embeddings = jnp.take(debuffed_table, debuffed, axis=0)  # computed, unused downstream (faithful to torch)
    segment_embeddings = jnp.take(segment_table, segment, axis=0)
    suit_embeddings = jnp.take(suit_table, suit, axis=0)
    rank_embeddings = jnp.take(rank_table, rank, axis=0)
    # relational features (fixed_rank_suit_embeddings branch)
    same_rank_counts = (rank[:, :, None] == rank[:, None, :]).sum(axis=-1)
    same_suit_counts = (suit[:, :, None] == suit[:, None, :]).sum(axis=-1)
    same_rank_counts = jnp.where(rank == 0, jnp.zeros_like(same_rank_counts), same_rank_counts)
    same_suit_counts = jnp.where(suit == 0, jnp.zeros_like(same_suit_counts), same_suit_counts)
    in_flush = same_suit_counts >= 5
    rank_up_counts = (rank[:, :, None] == (rank[:, None, :] + 1)).sum(axis=-1)
    rank_down_counts = (rank[:, :, None] == (rank[:, None, :] - 1)).sum(axis=-1)
    rank_sin = jnp.sin((rank + 1) * math.pi / N_RANKS)
    rank_cos = jnp.cos((rank + 1) * math.pi / N_RANKS)
    rank_embeddings = rank_embeddings.at[:, :, -1].set(same_rank_counts.astype(jnp.float32))
    rank_embeddings = rank_embeddings.at[:, :, -2].set(same_suit_counts.astype(jnp.float32))
    rank_embeddings = rank_embeddings.at[:, :, -3].set(in_flush.astype(jnp.float32))
    rank_embeddings = rank_embeddings.at[:, :, -4].set(rank_down_counts.astype(jnp.float32))
    rank_embeddings = rank_embeddings.at[:, :, -5].set(rank_up_counts.astype(jnp.float32))
    rank_embeddings = rank_embeddings.at[:, :, -6].set(rank_sin.astype(jnp.float32))
    rank_embeddings = rank_embeddings.at[:, :, -7].set(rank_cos.astype(jnp.float32))
    suit_rank_embeddings = jnp.concatenate([suit_embeddings, rank_embeddings], axis=-1)
    scalar_props = scalar_properties.astype(jnp.float32)
    padding_mask = (indices == 0) & (rank == 0)
    embeddings = jnp.concatenate([index_embeddings + suit_rank_embeddings, scalar_props,
                                  segment_embeddings, enhancement_embeddings,
                                  edition_embeddings, seal_embeddings], axis=-1)
    return embeddings, padding_mask

if __name__ == "__main__":
    import jax
    _d = setup_inputs()
    print(jax.jit(kernel)(*tuple(_d.values())))

</pallas_src>

<mosaic_0001>
#map = affine_map<(d0, d1) -> (0)>
module attributes {stable_mosaic.version = 14 : i64} {
  func.func @_body(%arg0: i32, %arg1: i32, %arg2: memref<819200xi32, #tpu.memory_space<hbm>>, %arg3: memref<7200xf32, #tpu.memory_space<hbm>>, %arg4: memref<320xf32, #tpu.memory_space<hbm>>, %arg5: memref<16xf32, #tpu.memory_space<hbm>>, %arg6: memref<16xf32, #tpu.memory_space<hbm>>, %arg7: memref<400xi32, #tpu.memory_space<hbm>>, %arg8: memref<67108864xf32, #tpu.memory_space<hbm>>, %arg9: memref<819200xi32, #tpu.memory_space<hbm>>, %arg10: memref<400xi32, #tpu.memory_space<vmem>>, %arg11: memref<400xi32, #tpu.memory_space<vmem>>, %arg12: memref<32768xf32, #tpu.memory_space<vmem>>, %arg13: memref<32768xf32, #tpu.memory_space<vmem>>, %arg14: memref<400xi32, #tpu.memory_space<vmem>>, %arg15: memref<400xi32, #tpu.memory_space<vmem>>, %arg16: memref<7200xf32, #tpu.memory_space<vmem>>, %arg17: memref<320xf32, #tpu.memory_space<vmem>>, %arg18: memref<16xf32, #tpu.memory_space<vmem>>, %arg19: memref<16xf32, #tpu.memory_space<vmem>>, %arg20: memref<400xi32, #tpu.memory_space<vmem>>, %arg21: memref<256xf32, #tpu.memory_space<vmem>>, %arg22: memref<128xf32, #tpu.memory_space<vmem>>, %arg23: memref<!tpu.dma_semaphore, #tpu.memory_space<semaphore_mem>>, %arg24: memref<!tpu.dma_semaphore, #tpu.memory_space<semaphore_mem>>, %arg25: memref<!tpu.dma_semaphore, #tpu.memory_space<semaphore_mem>>, %arg26: memref<!tpu.dma_semaphore, #tpu.memory_space<semaphore_mem>>) attributes {dimension_semantics = [#tpu.dimension_semantics<core_parallel>, #tpu.dimension_semantics<subcore_parallel>], iteration_bounds = array<i64: 2, 16>, scalar_prefetch = 0 : i64, scratch_operands = 17 : i64, tpu.core_type = #tpu.core_type<sc_vector_subcore>, window_params = [{transform_indices = #map}, {transform_indices = #map}, {transform_indices = #map}, {transform_indices = #map}, {transform_indices = #map}, {transform_indices = #map}, {transform_indices = #map}, {transform_indices = #map}]} {
    %mul3A = arith.constant 2 : i32
    %mul3A_0 = arith.muli %arg1, %mul3A : i32
    %add3A = arith.addi %mul3A_0, %arg0 : i32
    "tpu.region"() ({
      %run_scoped3A = tpu.sem_alloc : memref<!tpu.dma_semaphore, #tpu.memory_space<semaphore_mem>>
      tpu.enqueue_dma source(%arg3 : memref<7200xf32, #tpu.memory_space<hbm>>) target(%arg16 : memref<7200xf32, #tpu.memory_space<vmem>>) target_semaphore(%run_scoped3A : memref<!tpu.dma_semaphore, #tpu.memory_space<semaphore_mem>>)
      tpu.wait_dma2 semaphore(%run_scoped3A : memref<!tpu.dma_semaphore, #tpu.memory_space<semaphore_mem>>) src(%arg3 : memref<7200xf32, #tpu.memory_space<hbm>>) dst(%arg16 : memref<7200xf32, #tpu.memory_space<vmem>>)
      tpu.yield
    }) : () -> ()
    "tpu.region"() ({
      %run_scoped3A = tpu.sem_alloc : memref<!tpu.dma_semaphore, #tpu.memory_space<semaphore_mem>>
      tpu.enqueue_dma source(%arg4 : memref<320xf32, #tpu.memory_space<hbm>>) target(%arg17 : memref<320xf32, #tpu.memory_space<vmem>>) target_semaphore(%run_scoped3A : memref<!tpu.dma_semaphore, #tpu.memory_space<semaphore_mem>>)
      tpu.wait_dma2 semaphore(%run_scoped3A : memref<!tpu.dma_semaphore, #tpu.memory_space<semaphore_mem>>) src(%arg4 : memref<320xf32, #tpu.memory_space<hbm>>) dst(%arg17 : memref<320xf32, #tpu.memory_space<vmem>>)
      tpu.yield
    }) : () -> ()
    "tpu.region"() ({
      %run_scoped3A = tpu.sem_alloc : memref<!tpu.dma_semaphore, #tpu.memory_space<semaphore_mem>>
      tpu.enqueue_dma source(%arg5 : memref<16xf32, #tpu.memory_space<hbm>>) target(%arg18 : memref<16xf32, #tpu.memory_space<vmem>>) target_semaphore(%run_scoped3A : memref<!tpu.dma_semaphore, #tpu.memory_space<semaphore_mem>>)
      tpu.wait_dma2 semaphore(%run_scoped3A : memref<!tpu.dma_semaphore, #tpu.memory_space<semaphore_mem>>) src(%arg5 : memref<16xf32, #tpu.memory_space<hbm>>) dst(%arg18 : memref<16xf32, #tpu.memory_space<vmem>>)
      tpu.yield
    }) : () -> ()
    "tpu.region"() ({
      %run_scoped3A = tpu.sem_alloc : memref<!tpu.dma_semaphore, #tpu.memory_space<semaphore_mem>>
      tpu.enqueue_dma source(%arg6 : memref<16xf32, #tpu.memory_space<hbm>>) target(%arg19 : memref<16xf32, #tpu.memory_space<vmem>>) target_semaphore(%run_scoped3A : memref<!tpu.dma_semaphore, #tpu.memory_space<semaphore_mem>>)
      tpu.wait_dma2 semaphore(%run_scoped3A : memref<!tpu.dma_semaphore, #tpu.memory_space<semaphore_mem>>) src(%arg6 : memref<16xf32, #tpu.memory_space<hbm>>) dst(%arg19 : memref<16xf32, #tpu.memory_space<vmem>>)
      tpu.yield
    }) : () -> ()
    "tpu.region"() ({
      %run_scoped3A = tpu.sem_alloc : memref<!tpu.dma_semaphore, #tpu.memory_space<semaphore_mem>>
      tpu.enqueue_dma source(%arg7 : memref<400xi32, #tpu.memory_space<hbm>>) target(%arg20 : memref<400xi32, #tpu.memory_space<vmem>>) target_semaphore(%run_scoped3A : memref<!tpu.dma_semaphore, #tpu.memory_space<semaphore_mem>>)
      tpu.wait_dma2 semaphore(%run_scoped3A : memref<!tpu.dma_semaphore, #tpu.memory_space<semaphore_mem>>) src(%arg7 : memref<400xi32, #tpu.memory_space<hbm>>) dst(%arg20 : memref<400xi32, #tpu.memory_space<vmem>>)
      tpu.yield
    }) : () -> ()
    %iota3A = tpu.iota {dimensions = array<i32: 0>} : vector<16xi32>
    %broadcast_in_dim3A = arith.constant 1.000000e+00 : f32
    %broadcast_in_dim3A_1 = vector.broadcast %broadcast_in_dim3A : f32 to vector<16xf32>
    %broadcast_in_dim3A_2 = arith.constant 0.000000e+00 : f32
    %broadcast_in_dim3A_3 = vector.broadcast %broadcast_in_dim3A_2 : f32 to vector<16xf32>
    %scan3A = arith.constant 0 : i32
    %scan3A_4 = arith.constant 0 : i32
    %scan3A_5 = arith.constant 2048 : i32
    %scan3A_6 = arith.addi %scan3A_4, %scan3A_5 : i32
    %scan3A_7 = arith.constant 1 : i32
    scf.for %scan3A_37 = %scan3A_4 to %scan3A_6 step %scan3A_7  : i32 {
      %mul3A_38 = arith.constant 16 : i32
      %mul3A_39 = arith.muli %scan3A_37, %mul3A_38 : i32
      %add3A_40 = vector.broadcast %mul3A_39 : i32 to vector<16xi32>
      %add3A_41 = arith.addi %add3A_40, %iota3A : vector<16xi32>
      tpu.vector_store_idx %arg12[%add3A_41], %broadcast_in_dim3A_3 : memref<32768xf32, #tpu.memory_space<vmem>>[vector<16xi32>], vector<16xf32>,
      tpu.vector_store_idx %arg13[%add3A_41], %broadcast_in_dim3A_3 : memref<32768xf32, #tpu.memory_space<vmem>>[vector<16xi32>], vector<16xf32>,
    }
    %scan3A_8 = arith.constant 2048 : i32
    %mul3A_9 = arith.constant 64 : i32
    %mul3A_10 = arith.muli %add3A, %mul3A_9 : i32
    %add3A_11 = arith.constant 0 : i32
    %add3A_12 = arith.addi %mul3A_10, %add3A_11 : i32
    %mul3A_13 = arith.constant 400 : i32
    %mul3A_14 = arith.muli %add3A_12, %mul3A_13 : i32
    %dma_start3A = tpu.memref_slice %arg2[%mul3A_14] : memref<819200xi32, #tpu.memory_space<hbm>> -> memref<400xi32, #tpu.memory_space<hbm>>
    %dma_start3A_15 = tpu.memref_slice %arg2[%mul3A_14] : memref<819200xi32, #tpu.memory_space<hbm>> -> memref<400xi32, #tpu.memory_space<hbm>>
    tpu.enqueue_dma source(%dma_start3A_15 : memref<400xi32, #tpu.memory_space<hbm>>) target(%arg10 : memref<400xi32, #tpu.memory_space<vmem>>) target_semaphore(%arg23 : memref<!tpu.dma_semaphore, #tpu.memory_space<semaphore_mem>>)
    %scan3A_16 = arith.constant 0 : i32
    %scan3A_17 = arith.constant 0 : i32
    %scan3A_18 = arith.constant 32 : i32
    %scan3A_19 = arith.addi %scan3A_17, %scan3A_18 : i32
    %scan3A_20 = arith.constant 1 : i32
    scf.for %scan3A_37 = %scan3A_17 to %scan3A_19 step %scan3A_20  : i32 {
      %mul3A_38 = arith.constant 2 : i32
      %mul3A_39 = arith.muli %mul3A_38, %scan3A_37 : i32
      %add3A_40 = arith.constant 1 : i32
      %add3A_41 = arith.addi %mul3A_39, %add3A_40 : i32
      %mul3A_42 = arith.constant 64 : i32
      %mul3A_43 = arith.muli %add3A, %mul3A_42 : i32
      %add3A_44 = arith.addi %mul3A_43, %add3A_41 : i32
      %mul3A_45 = arith.constant 400 : i32
      %mul3A_46 = arith.muli %add3A_44, %mul3A_45 : i32
      %dma_start3A_47 = tpu.memref_slice %arg2[%mul3A_46] : memref<819200xi32, #tpu.memory_space<hbm>> -> memref<400xi32, #tpu.memory_space<hbm>>
      %dma_start3A_48 = tpu.memref_slice %arg2[%mul3A_46] : memref<819200xi32, #tpu.memory_space<hbm>> -> memref<400xi32, #tpu.memory_space<hbm>>
      tpu.enqueue_dma source(%dma_start3A_48 : memref<400xi32, #tpu.memory_space<hbm>>) target(%arg11 : memref<400xi32, #tpu.memory_space<vmem>>) target_semaphore(%arg24 : memref<!tpu.dma_semaphore, #tpu.memory_space<semaphore_mem>>)
      %dma_wait3A_49 = arith.constant 0 : i32
      %dma_wait3A_50 = tpu.memref_slice %arg2[%dma_wait3A_49] : memref<819200xi32, #tpu.memory_space<hbm>> -> memref<400xi32, #tpu.memory_space<hbm>>
      %dma_wait3A_51 = arith.constant 0 : i32
      %dma_wait3A_52 = tpu.memref_slice %arg2[%dma_wait3A_51] : memref<819200xi32, #tpu.memory_space<hbm>> -> memref<400xi32, #tpu.memory_space<hbm>>
      tpu.wait_dma2 semaphore(%arg23 : memref<!tpu.dma_semaphore, #tpu.memory_space<semaphore_mem>>) src(%dma_wait3A_52 : memref<400xi32, #tpu.memory_space<hbm>>) dst(%arg10 : memref<400xi32, #tpu.memory_space<vmem>>)
      %ge3A = arith.constant 1 : i32
      %ge3A_53 = arith.cmpi sge, %scan3A_37, %ge3A : i32
      %convert_element_type3A = arith.extui %ge3A_53 : i1 to i32
      %cond3A = arith.constant 0 : i32
      %cond3A_54 = arith.cmpi ne, %convert_element_type3A, %cond3A : i32
      scf.if %cond3A_54 {
        %dma_wait3A_217 = arith.constant 0 : i32
        %dma_wait3A_218 = tpu.memref_slice %arg8[%dma_wait3A_217] : memref<67108864xf32, #tpu.memory_space<hbm>> -> memref<32768xf32, #tpu.memory_space<hbm>>
        %dma_wait3A_219 = arith.constant 0 : i32
        %dma_wait3A_220 = tpu.memref_slice %arg8[%dma_wait3A_219] : memref<67108864xf32, #tpu.memory_space<hbm>> -> memref<32768xf32, #tpu.memory_space<hbm>>
        tpu.wait_dma2 semaphore(%arg25 : memref<!tpu.dma_semaphore, #tpu.memory_space<semaphore_mem>>) src(%arg12 : memref<32768xf32, #tpu.memory_space<vmem>>) dst(%dma_wait3A_220 : memref<32768xf32, #tpu.memory_space<hbm>>)
        %dma_wait3A_221 = arith.constant 0 : i32
        %dma_wait3A_222 = tpu.memref_slice %arg9[%dma_wait3A_221] : memref<819200xi32, #tpu.memory_space<hbm>> -> memref<400xi32, #tpu.memory_space<hbm>>
        %dma_wait3A_223 = arith.constant 0 : i32
        %dma_wait3A_224 = tpu.memref_slice %arg9[%dma_wait3A_223] : memref<819200xi32, #tpu.memory_space<hbm>> -> memref<400xi32, #tpu.memory_space<hbm>>
        tpu.wait_dma2 semaphore(%arg25 : memref<!tpu.dma_semaphore, #tpu.memory_space<semaphore_mem>>) src(%arg14 : memref<400xi32, #tpu.memory_space<vmem>>) dst(%dma_wait3A_224 : memref<400xi32, #tpu.memory_space<hbm>>)
      } else {
      }
      %swap3A = arith.constant 0 : index
      %swap3A_55 = tpu.vector_load %arg21[%swap3A] {strides = array<i32>} : memref<256xf32, #tpu.memory_space<vmem>>, vector<16xf32>,
      tpu.vector_store %arg21[%swap3A], %broadcast_in_dim3A_3 {strides = array<i32>} : memref<256xf32, #tpu.memory_space<vmem>>, vector<16xf32>,
      %swap3A_56 = arith.constant 16 : index
      %swap3A_57 = tpu.vector_load %arg21[%swap3A_56] {strides = array<i32>} : memref<256xf32, #tpu.memory_space<vmem>>, vector<16xf32>,
      tpu.vector_store %arg21[%swap3A_56], %broadcast_in_dim3A_3 {strides = array<i32>} : memref<256xf32, #tpu.memory_space<vmem>>, vector<16xf32>,
      %swap3A_58 = arith.constant 32 : index
      %swap3A_59 = tpu.vector_load %arg21[%swap3A_58] {strides = array<i32>} : memref<256xf32, #tpu.memory_space<vmem>>, vector<16xf32>,
      tpu.vector_store %arg21[%swap3A_58], %broadcast_in_dim3A_3 {strides = array<i32>} : memref<256xf32, #tpu.memory_space<vmem>>, vector<16xf32>,
      %swap3A_60 = arith.constant 48 : index
      %swap3A_61 = tpu.vector_load %arg21[%swap3A_60] {strides = array<i32>} : memref<256xf32, #tpu.memory_space<vmem>>, vector<16xf32>,
      tpu.vector_store %arg21[%swap3A_60], %broadcast_in_dim3A_3 {strides = array<i32>} : memref<256xf32, #tpu.memory_space<vmem>>, vector<16xf32>,
      %swap3A_62 = arith.constant 64 : index
      %swap3A_63 = tpu.vector_load %arg21[%swap3A_62] {strides = array<i32>} : memref<256xf32, #tpu.memory_space<vmem>>, vector<16xf32>,
      tpu.vector_store %arg21[%swap3A_62], %broadcast_in_dim3A_3 {strides = array<i32>} : memref<256xf32, #tpu.memory_space<vmem>>, vector<16xf32>,
      %swap3A_64 = arith.constant 80 : index
      %swap3A_65 = tpu.vector_load %arg21[%swap3A_64] {strides = array<i32>} : memref<256xf32, #tpu.memory_space<vmem>>, vector<16xf32>,
      tpu.vector_store %arg21[%swap3A_64], %broadcast_in_dim3A_3 {strides = array<i32>} : memref<256xf32, #tpu.memory_space<vmem>>, vector<16xf32>,
      %swap3A_66 = arith.constant 96 : index
      %swap3A_67 = tpu.vector_load %arg21[%swap3A_66] {strides = array<i32>} : memref<256xf32, #tpu.memory_space<vmem>>, vector<16xf32>,
      tpu.vector_store %arg21[%swap3A_66], %broadcast_in_dim3A_3 {strides = array<i32>} : memref<256xf32, #tpu.memory_space<vmem>>, vector<16xf32>,
      %swap3A_68 = arith.constant 112 : index
      %swap3A_69 = tpu.vector_load %arg21[%swap3A_68] {strides = array<i32>} : memref<256xf32, #tpu.memory_space<vmem>>, vector<16xf32>,
      tpu.vector_store %arg21[%swap3A_68], %broadcast_in_dim3A_3 {strides = array<i32>} : memref<256xf32, #tpu.memory_space<vmem>>, vector<16xf32>,
      %swap3A_70 = arith.constant 128 : index
      %swap3A_71 = tpu.vector_load %arg21[%swap3A_70] {strides = array<i32>} : memref<256xf32, #tpu.memory_space<vmem>>, vector<16xf32>,
      tpu.vector_store %arg21[%swap3A_70], %broadcast_in_dim3A_3 {strides = array<i32>} : memref<256xf32, #tpu.memory_space<vmem>>, vector<16xf32>,
      %swap3A_72 = arith.constant 144 : index
      %swap3A_73 = tpu.vector_load %arg21[%swap3A_72] {strides = array<i32>} : memref<256xf32, #tpu.memory_space<vmem>>, vector<16xf32>,
      tpu.vector_store %arg21[%swap3A_72], %broadcast_in_dim3A_3 {strides = array<i32>} : memref<256xf32, #tpu.memory_space<vmem>>, vector<16xf32>,
      %swap3A_74 = arith.constant 160 : index
      %swap3A_75 = tpu.vector_load %arg21[%swap3A_74] {strides = array<i32>} : memref<256xf32, #tpu.memory_space<vmem>>, vector<16xf32>,
      tpu.vector_store %arg21[%swap3A_74], %broadcast_in_dim3A_3 {strides = array<i32>} : memref<256xf32, #tpu.memory_space<vmem>>, vector<16xf32>,
      %swap3A_76 = arith.constant 176 : index
      %swap3A_77 = tpu.vector_load %arg21[%swap3A_76] {strides = array<i32>} : memref<256xf32, #tpu.memory_space<vmem>>, vector<16xf32>,
      tpu.vector_store %arg21[%swap3A_76], %broadcast_in_dim3A_3 {strides = array<i32>} : memref<256xf32, #tpu.memory_space<vmem>>, vector<16xf32>,
      %swap3A_78 = arith.constant 192 : index
      %swap3A_79 = tpu.vector_load %arg21[%swap3A_78] {strides = array<i32>} : memref<256xf32, #tpu.memory_space<vmem>>, vector<16xf32>,
      tpu.vector_store %arg21[%swap3A_78], %broadcast_in_dim3A_3 {strides = array<i32>} : memref<256xf32, #tpu.memory_space<vmem>>, vector<16xf32>,
      %swap3A_80 = arith.constant 208 : index
      %swap3A_81 = tpu.vector_load %arg21[%swap3A_80] {strides = array<i32>} : memref<256xf32, #tpu.memory_space<vmem>>, vector<16xf32>,
      tpu.vector_store %arg21[%swap3A_80], %broadcast_in_dim3A_3 {strides = array<i32>} : memref<256xf32, #tpu.memory_space<vmem>>, vector<16xf32>,
      %swap3A_82 = arith.constant 224 : index
      %swap3A_83 = tpu.vector_load %arg21[%swap3A_82] {strides = array<i32>} : memref<256xf32, #tpu.memory_space<vmem>>, vector<16xf32>,
      tpu.vector_store %arg21[%swap3A_82], %broadcast_in_dim3A_3 {strides = array<i32>} : memref<256xf32, #tpu.memory_space<vmem>>, vector<16xf32>,
      %swap3A_84 = arith.constant 240 : index
      %swap3A_85 = tpu.vector_load %arg21[%swap3A_84] {strides = array<i32>} : memref<256xf32, #tpu.memory_space<vmem>>, vector<16xf32>,
      tpu.vector_store %arg21[%swap3A_84], %broadcast_in_dim3A_3 {strides = array<i32>} : memref<256xf32, #tpu.memory_space<vmem>>, vector<16xf32>,
      %swap3A_86 = arith.constant 0 : index
      %swap3A_87 = tpu.vector_load %arg22[%swap3A_86] {strides = array<i32>} : memref<128xf32, #tpu.memory_space<vmem>>, vector<16xf32>,
      tpu.vector_store %arg22[%swap3A_86], %broadcast_in_dim3A_3 {strides = array<i32>} : memref<128xf32, #tpu.memory_space<vmem>>, vector<16xf32>,
      %swap3A_88 = arith.constant 16 : index
      %swap3A_89 = tpu.vector_load %arg22[%swap3A_88] {strides = array<i32>} : memref<128xf32, #tpu.memory_space<vmem>>, vector<16xf32>,
      tpu.vector_store %arg22[%swap3A_88], %broadcast_in_dim3A_3 {strides = array<i32>} : memref<128xf32, #tpu.memory_space<vmem>>, vector<16xf32>,
      %swap3A_90 = arith.constant 32 : index
      %swap3A_91 = tpu.vector_load %arg22[%swap3A_90] {strides = array<i32>} : memref<128xf32, #tpu.memory_space<vmem>>, vector<16xf32>,
      tpu.vector_store %arg22[%swap3A_90], %broadcast_in_dim3A_3 {strides = array<i32>} : memref<128xf32, #tpu.memory_space<vmem>>, vector<16xf32>,
      %swap3A_92 = arith.constant 48 : index
      %swap3A_93 = tpu.vector_load %arg22[%swap3A_92] {strides = array<i32>} : memref<128xf32, #tpu.memory_space<vmem>>, vector<16xf32>,
      tpu.vector_store %arg22[%swap3A_92], %broadcast_in_dim3A_3 {strides = array<i32>} : memref<128xf32, #tpu.memory_space<vmem>>, vector<16xf32>,
      %swap3A_94 = arith.constant 64 : index
      %swap3A_95 = tpu.vector_load %arg22[%swap3A_94] {strides = array<i32>} : memref<128xf32, #tpu.memory_space<vmem>>, vector<16xf32>,
      tpu.vector_store %arg22[%swap3A_94], %broadcast_in_dim3A_3 {strides = array<i32>} : memref<128xf32, #tpu.memory_space<vmem>>, vector<16xf32>,
      %swap3A_96 = arith.constant 80 : index
      %swap3A_97 = tpu.vector_load %arg22[%swap3A_96] {strides = array<i32>} : memref<128xf32, #tpu.memory_space<vmem>>, vector<16xf32>,
      tpu.vector_store %arg22[%swap3A_96], %broadcast_in_dim3A_3 {strides = array<i32>} : memref<128xf32, #tpu.memory_space<vmem>>, vector<16xf32>,
      %swap3A_98 = arith.constant 96 : index
      %swap3A_99 = tpu.vector_load %arg22[%swap3A_98] {strides = array<i32>} : memref<128xf32, #tpu.memory_space<vmem>>, vector<16xf32>,
      tpu.vector_store %arg22[%swap3A_98], %broadcast_in_dim3A_3 {strides = array<i32>} : memref<128xf32, #tpu.memory_space<vmem>>, vector<16xf32>,
      %swap3A_100 = arith.constant 112 : index
      %swap3A_101 = tpu.vector_load %arg22[%swap3A_100] {strides = array<i32>} : memref<128xf32, #tpu.memory_space<vmem>>, vector<16xf32>,
      tpu.vector_store %arg22[%swap3A_100], %broadcast_in_dim3A_3 {strides = array<i32>} : memref<128xf32, #tpu.memory_space<vmem>>, vector<16xf32>,
      %scan3A_102 = arith.constant 0 : i32
      %scan3A_103 = arith.constant 0 : i32
      %scan3A_104 = arith.constant 25 : i32
      %scan3A_105 = arith.addi %scan3A_103, %scan3A_104 : i32
      %scan3A_106 = arith.constant 1 : i32
      scf.for %scan3A_217 = %scan3A_103 to %scan3A_105 step %scan3A_106  : i32 {
        %mul3A_218 = arith.constant 16 : i32
        %mul3A_219 = arith.muli %scan3A_217, %mul3A_218 : i32
        %get3A = arith.index_cast %mul3A_219 : i32 to index
        %get3A_220 = tpu.vector_load %arg10[%get3A] {strides = array<i32>} : memref<400xi32, #tpu.memory_space<vmem>>, vector<16xi32>,
        %shift_right_arithmetic3A = arith.constant 24 : i32
        %shift_right_arithmetic3A_221 = vector.broadcast %shift_right_arithmetic3A : i32 to vector<16xi32>
        %shift_right_arithmetic3A_222 = arith.shrsi %get3A_220, %shift_right_arithmetic3A_221 : vector<16xi32>
        %and3A = arith.constant 15 : i32
        %and3A_223 = vector.broadcast %and3A : i32 to vector<16xi32>
        %and3A_224 = arith.andi %shift_right_arithmetic3A_222, %and3A_223 : vector<16xi32>
        %shift_right_arithmetic3A_225 = arith.constant 21 : i32
        %shift_right_arithmetic3A_226 = vector.broadcast %shift_right_arithmetic3A_225 : i32 to vector<16xi32>
        %shift_right_arithmetic3A_227 = arith.shrsi %get3A_220, %shift_right_arithmetic3A_226 : vector<16xi32>
        %and3A_228 = arith.constant 7 : i32
        %and3A_229 = vector.broadcast %and3A_228 : i32 to vector<16xi32>
        %and3A_230 = arith.andi %shift_right_arithmetic3A_227, %and3A_229 : vector<16xi32>
        %get3A_231 = arith.index_cast %mul3A_219 : i32 to index
        %get3A_232 = tpu.vector_load %arg20[%get3A_231] {strides = array<i32>} : memref<400xi32, #tpu.memory_space<vmem>>, vector<16xi32>,
        %shift_right_arithmetic3A_233 = arith.constant 16 : i32
        %shift_right_arithmetic3A_234 = vector.broadcast %shift_right_arithmetic3A_233 : i32 to vector<16xi32>
        %shift_right_arithmetic3A_235 = arith.shrsi %get3A_232, %shift_right_arithmetic3A_234 : vector<16xi32>
        %mul3A_236 = arith.constant 32 : i32
        %mul3A_237 = vector.broadcast %mul3A_236 : i32 to vector<16xi32>
        %mul3A_238 = arith.muli %shift_right_arithmetic3A_235, %mul3A_237 : vector<16xi32>
        %add3A_239 = arith.addi %mul3A_238, %and3A_224 : vector<16xi32>
        tpu.vector_store_idx %arg21[%add3A_239], %broadcast_in_dim3A_1 {add = true} : memref<256xf32, #tpu.memory_space<vmem>>[vector<16xi32>], vector<16xf32>,
        %mul3A_240 = arith.constant 16 : i32
        %mul3A_241 = vector.broadcast %mul3A_240 : i32 to vector<16xi32>
        %mul3A_242 = arith.muli %shift_right_arithmetic3A_235, %mul3A_241 : vector<16xi32>
        %add3A_243 = arith.addi %mul3A_242, %and3A_230 : vector<16xi32>
        tpu.vector_store_idx %arg22[%add3A_243], %broadcast_in_dim3A_1 {add = true} : memref<128xf32, #tpu.memory_space<vmem>>[vector<16xi32>], vector<16xf32>,
      }
      %scan3A_107 = arith.constant 25 : i32
      %scan3A_108 = arith.constant 0 : i32
      %scan3A_109 = arith.constant 0 : i32
      %scan3A_110 = arith.constant 25 : i32
      %scan3A_111 = arith.addi %scan3A_109, %scan3A_110 : i32
      %scan3A_112 = arith.constant 1 : i32
      scf.for %scan3A_217 = %scan3A_109 to %scan3A_111 step %scan3A_112  : i32 {
        %mul3A_218 = arith.constant 16 : i32
        %mul3A_219 = arith.muli %scan3A_217, %mul3A_218 : i32
        %get3A = arith.index_cast %mul3A_219 : i32 to index
        %get3A_220 = tpu.vector_load %arg10[%get3A] {strides = array<i32>} : memref<400xi32, #tpu.memory_space<vmem>>, vector<16xi32>,
        %and3A = arith.constant 255 : i32
        %and3A_221 = vector.broadcast %and3A : i32 to vector<16xi32>
        %and3A_222 = arith.andi %get3A_220, %and3A_221 : vector<16xi32>
        %shift_right_arithmetic3A = arith.constant 8 : i32
        %shift_right_arithmetic3A_223 = vector.broadcast %shift_right_arithmetic3A : i32 to vector<16xi32>
        %shift_right_arithmetic3A_224 = arith.shrsi %get3A_220, %shift_right_arithmetic3A_223 : vector<16xi32>
        %and3A_225 = arith.constant 15 : i32
        %and3A_226 = vector.broadcast %and3A_225 : i32 to vector<16xi32>
        %and3A_227 = arith.andi %shift_right_arithmetic3A_224, %and3A_226 : vector<16xi32>
        %shift_right_arithmetic3A_228 = arith.constant 12 : i32
        %shift_right_arithmetic3A_229 = vector.broadcast %shift_right_arithmetic3A_228 : i32 to vector<16xi32>
        %shift_right_arithmetic3A_230 = arith.shrsi %get3A_220, %shift_right_arithmetic3A_229 : vector<16xi32>
        %and3A_231 = arith.constant 7 : i32
        %and3A_232 = vector.broadcast %and3A_231 : i32 to vector<16xi32>
        %and3A_233 = arith.andi %shift_right_arithmetic3A_230, %and3A_232 : vector<16xi32>
        %shift_right_arithmetic3A_234 = arith.constant 15 : i32
        %shift_right_arithmetic3A_235 = vector.broadcast %shift_right_arithmetic3A_234 : i32 to vector<16xi32>
        %shift_right_arithmetic3A_236 = arith.shrsi %get3A_220, %shift_right_arithmetic3A_235 : vector<16xi32>
        %and3A_237 = arith.constant 7 : i32
        %and3A_238 = vector.broadcast %and3A_237 : i32 to vector<16xi32>
        %and3A_239 = arith.andi %shift_right_arithmetic3A_236, %and3A_238 : vector<16xi32>
        %shift_right_arithmetic3A_240 = arith.constant 18 : i32
        %shift_right_arithmetic3A_241 = vector.broadcast %shift_right_arithmetic3A_240 : i32 to vector<16xi32>
        %shift_right_arithmetic3A_242 = arith.shrsi %get3A_220, %shift_right_arithmetic3A_241 : vector<16xi32>
        %and3A_243 = arith.constant 7 : i32
        %and3A_244 = vector.broadcast %and3A_243 : i32 to vector<16xi32>
        %and3A_245 = arith.andi %shift_right_arithmetic3A_242, %and3A_244 : vector<16xi32>
        %shift_right_arithmetic3A_246 = arith.constant 21 : i32
        %shift_right_arithmetic3A_247 = vector.broadcast %shift_right_arithmetic3A_246 : i32 to vector<16xi32>
        %shift_right_arithmetic3A_248 = arith.shrsi %get3A_220, %shift_right_arithmetic3A_247 : vector<16xi32>
        %and3A_249 = arith.constant 7 : i32
        %and3A_250 = vector.broadcast %and3A_249 : i32 to vector<16xi32>
        %and3A_251 = arith.andi %shift_right_arithmetic3A_248, %and3A_250 : vector<16xi32>
        %shift_right_arithmetic3A_252 = arith.constant 24 : i32
        %shift_right_arithmetic3A_253 = vector.broadcast %shift_right_arithmetic3A_252 : i32 to vector<16xi32>
        %shift_right_arithmetic3A_254 = arith.shrsi %get3A_220, %shift_right_arithmetic3A_253 : vector<16xi32>
        %and3A_255 = arith.constant 15 : i32
        %and3A_256 = vector.broadcast %and3A_255 : i32 to vector<16xi32>
        %and3A_257 = arith.andi %shift_right_arithmetic3A_254, %and3A_256 : vector<16xi32>
        %get3A_258 = arith.index_cast %mul3A_219 : i32 to index
        %get3A_259 = tpu.vector_load %arg20[%get3A_258] {strides = array<i32>} : memref<400xi32, #tpu.memory_space<vmem>>, vector<16xi32>,
        %shift_right_arithmetic3A_260 = arith.constant 16 : i32
        %shift_right_arithmetic3A_261 = vector.broadcast %shift_right_arithmetic3A_260 : i32 to vector<16xi32>
        %shift_right_arithmetic3A_262 = arith.shrsi %get3A_259, %shift_right_arithmetic3A_261 : vector<16xi32>
        %and3A_263 = arith.constant 65535 : i32
        %and3A_264 = vector.broadcast %and3A_263 : i32 to vector<16xi32>
        %and3A_265 = arith.andi %get3A_259, %and3A_264 : vector<16xi32>
        %mul3A_266 = arith.constant 32 : i32
        %mul3A_267 = vector.broadcast %mul3A_266 : i32 to vector<16xi32>
        %mul3A_268 = arith.muli %shift_right_arithmetic3A_262, %mul3A_267 : vector<16xi32>
        %add3A_269 = arith.addi %mul3A_268, %and3A_257 : vector<16xi32>
        %gather3A = tpu.vector_load_idx %arg21[%add3A_269] : memref<256xf32, #tpu.memory_space<vmem>>[vector<16xi32>], vector<16xf32>,
        %eq3A = arith.constant 0 : i32
        %eq3A_270 = vector.broadcast %eq3A : i32 to vector<16xi32>
        %eq3A_271 = arith.cmpi eq, %and3A_257, %eq3A_270 : vector<16xi32>
        %select_n3A = arith.select %eq3A_271, %broadcast_in_dim3A_3, %gather3A : vector<16xi1>, vector<16xf32>
        %mul3A_272 = arith.constant 16 : i32
        %mul3A_273 = vector.broadcast %mul3A_272 : i32 to vector<16xi32>
        %mul3A_274 = arith.muli %shift_right_arithmetic3A_262, %mul3A_273 : vector<16xi32>
        %add3A_275 = arith.addi %mul3A_274, %and3A_251 : vector<16xi32>
        %gather3A_276 = tpu.vector_load_idx %arg22[%add3A_275] : memref<128xf32, #tpu.memory_space<vmem>>[vector<16xi32>], vector<16xf32>,
        %eq3A_277 = arith.constant 0 : i32
        %eq3A_278 = vector.broadcast %eq3A_277 : i32 to vector<16xi32>
        %eq3A_279 = arith.cmpi eq, %and3A_251, %eq3A_278 : vector<16xi32>
        %select_n3A_280 = arith.select %eq3A_279, %broadcast_in_dim3A_3, %gather3A_276 : vector<16xi1>, vector<16xf32>
        %ge3A_281 = arith.constant 5.000000e+00 : f32
        %ge3A_282 = vector.broadcast %ge3A_281 : f32 to vector<16xf32>
        %ge3A_283 = arith.cmpf oge, %select_n3A_280, %ge3A_282 : vector<16xf32>
        %select_n3A_284 = arith.select %ge3A_283, %broadcast_in_dim3A_1, %broadcast_in_dim3A_3 : vector<16xi1>, vector<16xf32>
        %add3A_285 = arith.addi %mul3A_268, %and3A_257 : vector<16xi32>
        %sub3A = arith.constant 1 : i32
        %sub3A_286 = vector.broadcast %sub3A : i32 to vector<16xi32>
        %sub3A_287 = arith.subi %add3A_285, %sub3A_286 : vector<16xi32>
        %max3A = arith.constant 0 : i32
        %max3A_288 = vector.broadcast %max3A : i32 to vector<16xi32>
        %max3A_289 = arith.maxsi %sub3A_287, %max3A_288 : vector<16xi32>
        %gather3A_290 = tpu.vector_load_idx %arg21[%max3A_289] : memref<256xf32, #tpu.memory_space<vmem>>[vector<16xi32>], vector<16xf32>,
        %eq3A_291 = arith.constant 0 : i32
        %eq3A_292 = vector.broadcast %eq3A_291 : i32 to vector<16xi32>
        %eq3A_293 = arith.cmpi eq, %and3A_257, %eq3A_292 : vector<16xi32>
        %select_n3A_294 = arith.select %eq3A_293, %broadcast_in_dim3A_3, %gather3A_290 : vector<16xi1>, vector<16xf32>
        %add3A_295 = arith.addi %mul3A_268, %and3A_257 : vector<16xi32>
        %add3A_296 = arith.constant 1 : i32
        %add3A_297 = vector.broadcast %add3A_296 : i32 to vector<16xi32>
        %add3A_298 = arith.addi %add3A_295, %add3A_297 : vector<16xi32>
        %gather3A_299 = tpu.vector_load_idx %arg21[%add3A_298] : memref<256xf32, #tpu.memory_space<vmem>>[vector<16xi32>], vector<16xf32>,
        %gather3A_300 = tpu.vector_load_idx %arg18[%and3A_257] : memref<16xf32, #tpu.memory_space<vmem>>[vector<16xi32>], vector<16xf32>,
        %gather3A_301 = tpu.vector_load_idx %arg19[%and3A_257] : memref<16xf32, #tpu.memory_space<vmem>>[vector<16xi32>], vector<16xf32>,
        %eq3A_302 = arith.constant 0 : i32
        %eq3A_303 = vector.broadcast %eq3A_302 : i32 to vector<16xi32>
        %eq3A_304 = arith.cmpi eq, %and3A_222, %eq3A_303 : vector<16xi32>
        %eq3A_305 = arith.constant 0 : i32
        %eq3A_306 = vector.broadcast %eq3A_305 : i32 to vector<16xi32>
        %eq3A_307 = arith.cmpi eq, %and3A_257, %eq3A_306 : vector<16xi32>
        %and3A_308 = arith.andi %eq3A_304, %eq3A_307 : vector<16xi1>
        %convert_element_type3A_309 = arith.extui %and3A_308 : vector<16xi1> to vector<16xi32>
        %swap3A_310 = arith.index_cast %mul3A_219 : i32 to index
        %swap3A_311 = tpu.vector_load %arg14[%swap3A_310] {strides = array<i32>} : memref<400xi32, #tpu.memory_space<vmem>>, vector<16xi32>,
        tpu.vector_store %arg14[%swap3A_310], %convert_element_type3A_309 {strides = array<i32>} : memref<400xi32, #tpu.memory_space<vmem>>, vector<16xi32>,
        %mul3A_312 = arith.constant 45 : i32
        %mul3A_313 = vector.broadcast %mul3A_312 : i32 to vector<16xi32>
        %mul3A_314 = arith.muli %and3A_222, %mul3A_313 : vector<16xi32>
        %sub3A_315 = arith.subi %iota3A, %iota3A : vector<16xi32>
        %add3A_316 = arith.constant 1 : i32
        %add3A_317 = vector.broadcast %add3A_316 : i32 to vector<16xi32>
        %add3A_318 = arith.addi %sub3A_315, %add3A_317 : vector<16xi32>
        %gather3A_319 = tpu.vector_load_idx %arg16[%mul3A_314] : memref<7200xf32, #tpu.memory_space<vmem>>[vector<16xi32>], vector<16xf32>,
        %add3A_320 = arith.addi %and3A_265, %sub3A_315 : vector<16xi32>
        tpu.vector_store_idx %arg12[%add3A_320], %gather3A_319 : memref<32768xf32, #tpu.memory_space<vmem>>[vector<16xi32>], vector<16xf32>,
        %add3A_321 = arith.constant 1 : i32
        %add3A_322 = vector.broadcast %add3A_321 : i32 to vector<16xi32>
        %add3A_323 = arith.addi %mul3A_314, %add3A_322 : vector<16xi32>
        %add3A_324 = arith.addi %sub3A_315, %add3A_318 : vector<16xi32>
        %gather3A_325 = tpu.vector_load_idx %arg16[%add3A_323] : memref<7200xf32, #tpu.memory_space<vmem>>[vector<16xi32>], vector<16xf32>,
        %add3A_326 = arith.addi %and3A_265, %add3A_324 : vector<16xi32>
        tpu.vector_store_idx %arg12[%add3A_326], %gather3A_325 : memref<32768xf32, #tpu.memory_space<vmem>>[vector<16xi32>], vector<16xf32>,
        %add3A_327 = arith.constant 1 : i32
        %add3A_328 = vector.broadcast %add3A_327 : i32 to vector<16xi32>
        %add3A_329 = arith.addi %add3A_323, %add3A_328 : vector<16xi32>
        %add3A_330 = arith.addi %add3A_324, %add3A_318 : vector<16xi32>
        %gather3A_331 = tpu.vector_load_idx %arg16[%add3A_329] : memref<7200xf32, #tpu.memory_space<vmem>>[vector<16xi32>], vector<16xf32>,
        %add3A_332 = arith.addi %and3A_265, %add3A_330 : vector<16xi32>
        tpu.vector_store_idx %arg12[%add3A_332], %gather3A_331 : memref<32768xf32, #tpu.memory_space<vmem>>[vector<16xi32>], vector<16xf32>,
        %add3A_333 = arith.constant 1 : i32
        %add3A_334 = vector.broadcast %add3A_333 : i32 to vector<16xi32>
        %add3A_335 = arith.addi %add3A_329, %add3A_334 : vector<16xi32>
        %add3A_336 = arith.addi %add3A_330, %add3A_318 : vector<16xi32>
        %gather3A_337 = tpu.vector_load_idx %arg16[%add3A_335] : memref<7200xf32, #tpu.memory_space<vmem>>[vector<16xi32>], vector<16xf32>,
        %add3A_338 = arith.addi %and3A_265, %add3A_336 : vector<16xi32>
        tpu.vector_store_idx %arg12[%add3A_338], %gather3A_337 : memref<32768xf32, #tpu.memory_space<vmem>>[vector<16xi32>], vector<16xf32>,
        %add3A_339 = arith.constant 1 : i32
        %add3A_340 = vector.broadcast %add3A_339 : i32 to vector<16xi32>
        %add3A_341 = arith.addi %add3A_335, %add3A_340 : vector<16xi32>
        %add3A_342 = arith.addi %add3A_336, %add3A_318 : vector<16xi32>
        %gather3A_343 = tpu.vector_load_idx %arg16[%add3A_341] : memref<7200xf32, #tpu.memory_space<vmem>>[vector<16xi32>], vector<16xf32>,
        %add3A_344 = arith.addi %and3A_265, %add3A_342 : vector<16xi32>
        tpu.vector_store_idx %arg12[%add3A_344], %gather3A_343 : memref<32768xf32, #tpu.memory_space<vmem>>[vector<16xi32>], vector<16xf32>,
        %add3A_345 = arith.constant 1 : i32
        %add3A_346 = vector.broadcast %add3A_345 : i32 to vector<16xi32>
        %add3A_347 = arith.addi %add3A_341, %add3A_346 : vector<16xi32>
        %add3A_348 = arith.addi %add3A_342, %add3A_318 : vector<16xi32>
        %gather3A_349 = tpu.vector_load_idx %arg16[%add3A_347] : memref<7200xf32, #tpu.memory_space<vmem>>[vector<16xi32>], vector<16xf32>,
        %add3A_350 = arith.addi %and3A_265, %add3A_348 : vector<16xi32>
        tpu.vector_store_idx %arg12[%add3A_350], %gather3A_349 : memref<32768xf32, #tpu.memory_space<vmem>>[vector<16xi32>], vector<16xf32>,
        %add3A_351 = arith.constant 1 : i32
        %add3A_352 = vector.broadcast %add3A_351 : i32 to vector<16xi32>
        %add3A_353 = arith.addi %add3A_347, %add3A_352 : vector<16xi32>
        %add3A_354 = arith.addi %add3A_348, %add3A_318 : vector<16xi32>
        %gather3A_355 = tpu.vector_load_idx %arg16[%add3A_353] : memref<7200xf32, #tpu.memory_space<vmem>>[vector<16xi32>], vector<16xf32>,
        %add3A_356 = arith.addi %and3A_265, %add3A_354 : vector<16xi32>
        tpu.vector_store_idx %arg12[%add3A_356], %gather3A_355 : memref<32768xf32, #tpu.memory_space<vmem>>[vector<16xi32>], vector<16xf32>,
        %add3A_357 = arith.constant 1 : i32
        %add3A_358 = vector.broadcast %add3A_357 : i32 to vector<16xi32>
        %add3A_359 = arith.addi %add3A_353, %add3A_358 : vector<16xi32>
        %add3A_360 = arith.addi %add3A_354, %add3A_318 : vector<16xi32>
        %gather3A_361 = tpu.vector_load_idx %arg16[%add3A_359] : memref<7200xf32, #tpu.memory_space<vmem>>[vector<16xi32>], vector<16xf32>,
        %add3A_362 = arith.addi %and3A_265, %add3A_360 : vector<16xi32>
        tpu.vector_store_idx %arg12[%add3A_362], %gather3A_361 : memref<32768xf32, #tpu.memory_space<vmem>>[vector<16xi32>], vector<16xf32>,
        %add3A_363 = arith.constant 1 : i32
        %add3A_364 = vector.broadcast %add3A_363 : i32 to vector<16xi32>
        %add3A_365 = arith.addi %add3A_359, %add3A_364 : vector<16xi32>
        %add3A_366 = arith.addi %add3A_360, %add3A_318 : vector<16xi32>
        %gather3A_367 = tpu.vector_load_idx %arg16[%add3A_365] : memref<7200xf32, #tpu.memory_space<vmem>>[vector<16xi32>], vector<16xf32>,
        %add3A_368 = arith.addi %and3A_265, %add3A_366 : vector<16xi32>
        tpu.vector_store_idx %arg12[%add3A_368], %gather3A_367 : memref<32768xf32, #tpu.memory_space<vmem>>[vector<16xi32>], vector<16xf32>,
        %add3A_369 = arith.constant 1 : i32
        %add3A_370 = vector.broadcast %add3A_369 : i32 to vector<16xi32>
        %add3A_371 = arith.addi %add3A_365, %add3A_370 : vector<16xi32>
        %add3A_372 = arith.addi %add3A_366, %add3A_318 : vector<16xi32>
        %gather3A_373 = tpu.vector_load_idx %arg16[%add3A_371] : memref<7200xf32, #tpu.memory_space<vmem>>[vector<16xi32>], vector<16xf32>,
        %add3A_374 = arith.addi %and3A_265, %add3A_372 : vector<16xi32>
        tpu.vector_store_idx %arg12[%add3A_374], %gather3A_373 : memref<32768xf32, #tpu.memory_space<vmem>>[vector<16xi32>], vector<16xf32>,
        %add3A_375 = arith.constant 1 : i32
        %add3A_376 = vector.broadcast %add3A_375 : i32 to vector<16xi32>
        %add3A_377 = arith.addi %add3A_371, %add3A_376 : vector<16xi32>
        %add3A_378 = arith.addi %add3A_372, %add3A_318 : vector<16xi32>
        %gather3A_379 = tpu.vector_load_idx %arg16[%add3A_377] : memref<7200xf32, #tpu.memory_space<vmem>>[vector<16xi32>], vector<16xf32>,
        %add3A_380 = arith.addi %and3A_265, %add3A_378 : vector<16xi32>
        tpu.vector_store_idx %arg12[%add3A_380], %gather3A_379 : memref<32768xf32, #tpu.memory_space<vmem>>[vector<16xi32>], vector<16xf32>,
        %add3A_381 = arith.constant 1 : i32
        %add3A_382 = vector.broadcast %add3A_381 : i32 to vector<16xi32>
        %add3A_383 = arith.addi %add3A_377, %add3A_382 : vector<16xi32>
        %add3A_384 = arith.addi %add3A_378, %add3A_318 : vector<16xi32>
        %gather3A_385 = tpu.vector_load_idx %arg16[%add3A_383] : memref<7200xf32, #tpu.memory_space<vmem>>[vector<16xi32>], vector<16xf32>,
        %add3A_386 = arith.addi %and3A_265, %add3A_384 : vector<16xi32>
        tpu.vector_store_idx %arg12[%add3A_386], %gather3A_385 : memref<32768xf32, #tpu.memory_space<vmem>>[vector<16xi32>], vector<16xf32>,
        %add3A_387 = arith.constant 1 : i32
        %add3A_388 = vector.broadcast %add3A_387 : i32 to vector<16xi32>
        %add3A_389 = arith.addi %add3A_383, %add3A_388 : vector<16xi32>
        %add3A_390 = arith.addi %add3A_384, %add3A_318 : vector<16xi32>
        %gather3A_391 = tpu.vector_load_idx %arg16[%add3A_389] : memref<7200xf32, #tpu.memory_space<vmem>>[vector<16xi32>], vector<16xf32>,
        %add3A_392 = arith.addi %and3A_265, %add3A_390 : vector<16xi32>
        tpu.vector_store_idx %arg12[%add3A_392], %gather3A_391 : memref<32768xf32, #tpu.memory_space<vmem>>[vector<16xi32>], vector<16xf32>,
        %add3A_393 = arith.constant 1 : i32
        %add3A_394 = vector.broadcast %add3A_393 : i32 to vector<16xi32>
        %add3A_395 = arith.addi %add3A_389, %add3A_394 : vector<16xi32>
        %add3A_396 = arith.addi %add3A_390, %add3A_318 : vector<16xi32>
        %gather3A_397 = tpu.vector_load_idx %arg16[%add3A_395] : memref<7200xf32, #tpu.memory_space<vmem>>[vector<16xi32>], vector<16xf32>,
        %add3A_398 = arith.addi %and3A_265, %add3A_396 : vector<16xi32>
        tpu.vector_store_idx %arg12[%add3A_398], %gather3A_397 : memref<32768xf32, #tpu.memory_space<vmem>>[vector<16xi32>], vector<16xf32>,
        %add3A_399 = arith.constant 1 : i32
        %add3A_400 = vector.broadcast %add3A_399 : i32 to vector<16xi32>
        %add3A_401 = arith.addi %add3A_395, %add3A_400 : vector<16xi32>
        %add3A_402 = arith.addi %add3A_396, %add3A_318 : vector<16xi32>
        %gather3A_403 = tpu.vector_load_idx %arg16[%add3A_401] : memref<7200xf32, #tpu.memory_space<vmem>>[vector<16xi32>], vector<16xf32>,
        %add3A_404 = arith.addi %and3A_265, %add3A_402 : vector<16xi32>
        tpu.vector_store_idx %arg12[%add3A_404], %gather3A_403 : memref<32768xf32, #tpu.memory_space<vmem>>[vector<16xi32>], vector<16xf32>,
        %add3A_405 = arith.constant 1 : i32
        %add3A_406 = vector.broadcast %add3A_405 : i32 to vector<16xi32>
        %add3A_407 = arith.addi %add3A_401, %add3A_406 : vector<16xi32>
        %add3A_408 = arith.addi %add3A_402, %add3A_318 : vector<16xi32>
        %gather3A_409 = tpu.vector_load_idx %arg16[%add3A_407] : memref<7200xf32, #tpu.memory_space<vmem>>[vector<16xi32>], vector<16xf32>,
        %add3A_410 = arith.addi %and3A_265, %add3A_408 : vector<16xi32>
        tpu.vector_store_idx %arg12[%add3A_410], %gather3A_409 : memref<32768xf32, #tpu.memory_space<vmem>>[vector<16xi32>], vector<16xf32>,
        %add3A_411 = arith.constant 1 : i32
        %add3A_412 = vector.broadcast %add3A_411 : i32 to vector<16xi32>
        %add3A_413 = arith.addi %add3A_407, %add3A_412 : vector<16xi32>
        %add3A_414 = arith.addi %add3A_408, %add3A_318 : vector<16xi32>
        %gather3A_415 = tpu.vector_load_idx %arg16[%add3A_413] : memref<7200xf32, #tpu.memory_space<vmem>>[vector<16xi32>], vector<16xf32>,
        %add3A_416 = arith.addi %and3A_265, %add3A_414 : vector<16xi32>
        tpu.vector_store_idx %arg12[%add3A_416], %gather3A_415 : memref<32768xf32, #tpu.memory_space<vmem>>[vector<16xi32>], vector<16xf32>,
        %add3A_417 = arith.constant 1 : i32
        %add3A_418 = vector.broadcast %add3A_417 : i32 to vector<16xi32>
        %add3A_419 = arith.addi %add3A_413, %add3A_418 : vector<16xi32>
        %add3A_420 = arith.addi %add3A_414, %add3A_318 : vector<16xi32>
        %gather3A_421 = tpu.vector_load_idx %arg16[%add3A_419] : memref<7200xf32, #tpu.memory_space<vmem>>[vector<16xi32>], vector<16xf32>,
        %add3A_422 = arith.addi %and3A_265, %add3A_420 : vector<16xi32>
        tpu.vector_store_idx %arg12[%add3A_422], %gather3A_421 : memref<32768xf32, #tpu.memory_space<vmem>>[vector<16xi32>], vector<16xf32>,
        %add3A_423 = arith.constant 1 : i32
        %add3A_424 = vector.broadcast %add3A_423 : i32 to vector<16xi32>
        %add3A_425 = arith.addi %add3A_419, %add3A_424 : vector<16xi32>
        %add3A_426 = arith.addi %add3A_420, %add3A_318 : vector<16xi32>
        %gather3A_427 = tpu.vector_load_idx %arg16[%add3A_425] : memref<7200xf32, #tpu.memory_space<vmem>>[vector<16xi32>], vector<16xf32>,
        %add3A_428 = arith.addi %and3A_265, %add3A_426 : vector<16xi32>
        tpu.vector_store_idx %arg12[%add3A_428], %gather3A_427 : memref<32768xf32, #tpu.memory_space<vmem>>[vector<16xi32>], vector<16xf32>,
        %add3A_429 = arith.constant 1 : i32
        %add3A_430 = vector.broadcast %add3A_429 : i32 to vector<16xi32>
        %add3A_431 = arith.addi %add3A_425, %add3A_430 : vector<16xi32>
        %add3A_432 = arith.addi %add3A_426, %add3A_318 : vector<16xi32>
        %gather3A_433 = tpu.vector_load_idx %arg16[%add3A_431] : memref<7200xf32, #tpu.memory_space<vmem>>[vector<16xi32>], vector<16xf32>,
        %add3A_434 = arith.addi %and3A_265, %add3A_432 : vector<16xi32>
        tpu.vector_store_idx %arg12[%add3A_434], %gather3A_433 : memref<32768xf32, #tpu.memory_space<vmem>>[vector<16xi32>], vector<16xf32>,
        %add3A_435 = arith.constant 1 : i32
        %add3A_436 = vector.broadcast %add3A_435 : i32 to vector<16xi32>
        %add3A_437 = arith.addi %add3A_431, %add3A_436 : vector<16xi32>
        %add3A_438 = arith.addi %add3A_432, %add3A_318 : vector<16xi32>
        %gather3A_439 = tpu.vector_load_idx %arg16[%add3A_437] : memref<7200xf32, #tpu.memory_space<vmem>>[vector<16xi32>], vector<16xf32>,
        %add3A_440 = arith.addi %and3A_265, %add3A_438 : vector<16xi32>
        tpu.vector_store_idx %arg12[%add3A_440], %gather3A_439 : memref<32768xf32, #tpu.memory_space<vmem>>[vector<16xi32>], vector<16xf32>,
        %add3A_441 = arith.constant 1 : i32
        %add3A_442 = vector.broadcast %add3A_441 : i32 to vector<16xi32>
        %add3A_443 = arith.addi %add3A_437, %add3A_442 : vector<16xi32>
        %add3A_444 = arith.addi %add3A_438, %add3A_318 : vector<16xi32>
        %gather3A_445 = tpu.vector_load_idx %arg16[%add3A_443] : memref<7200xf32, #tpu.memory_space<vmem>>[vector<16xi32>], vector<16xf32>,
        %add3A_446 = arith.addi %and3A_265, %add3A_444 : vector<16xi32>
        tpu.vector_store_idx %arg12[%add3A_446], %gather3A_445 : memref<32768xf32, #tpu.memory_space<vmem>>[vector<16xi32>], vector<16xf32>,
        %add3A_447 = arith.constant 1 : i32
        %add3A_448 = vector.broadcast %add3A_447 : i32 to vector<16xi32>
        %add3A_449 = arith.addi %add3A_443, %add3A_448 : vector<16xi32>
        %add3A_450 = arith.addi %add3A_444, %add3A_318 : vector<16xi32>
        %gather3A_451 = tpu.vector_load_idx %arg16[%add3A_449] : memref<7200xf32, #tpu.memory_space<vmem>>[vector<16xi32>], vector<16xf32>,
        %add3A_452 = arith.addi %and3A_265, %add3A_450 : vector<16xi32>
        tpu.vector_store_idx %arg12[%add3A_452], %gather3A_451 : memref<32768xf32, #tpu.memory_space<vmem>>[vector<16xi32>], vector<16xf32>,
        %add3A_453 = arith.constant 1 : i32
        %add3A_454 = vector.broadcast %add3A_453 : i32 to vector<16xi32>
        %add3A_455 = arith.addi %add3A_449, %add3A_454 : vector<16xi32>
        %add3A_456 = arith.addi %add3A_450, %add3A_318 : vector<16xi32>
        %gather3A_457 = tpu.vector_load_idx %arg16[%add3A_455] : memref<7200xf32, #tpu.memory_space<vmem>>[vector<16xi32>], vector<16xf32>,
        %add3A_458 = arith.addi %and3A_265, %add3A_456 : vector<16xi32>
        tpu.vector_store_idx %arg12[%add3A_458], %gather3A_457 : memref<32768xf32, #tpu.memory_space<vmem>>[vector<16xi32>], vector<16xf32>,
        %add3A_459 = arith.constant 1 : i32
        %add3A_460 = vector.broadcast %add3A_459 : i32 to vector<16xi32>
        %add3A_461 = arith.addi %add3A_455, %add3A_460 : vector<16xi32>
        %add3A_462 = arith.addi %add3A_456, %add3A_318 : vector<16xi32>
        %gather3A_463 = tpu.vector_load_idx %arg16[%add3A_461] : memref<7200xf32, #tpu.memory_space<vmem>>[vector<16xi32>], vector<16xf32>,
        %add3A_464 = arith.addi %and3A_265, %add3A_462 : vector<16xi32>
        tpu.vector_store_idx %arg12[%add3A_464], %gather3A_463 : memref<32768xf32, #tpu.memory_space<vmem>>[vector<16xi32>], vector<16xf32>,
        %add3A_465 = arith.constant 1 : i32
        %add3A_466 = vector.broadcast %add3A_465 : i32 to vector<16xi32>
        %add3A_467 = arith.addi %add3A_461, %add3A_466 : vector<16xi32>
        %add3A_468 = arith.addi %add3A_462, %add3A_318 : vector<16xi32>
        %gather3A_469 = tpu.vector_load_idx %arg16[%add3A_467] : memref<7200xf32, #tpu.memory_space<vmem>>[vector<16xi32>], vector<16xf32>,
        %add3A_470 = arith.addi %and3A_265, %add3A_468 : vector<16xi32>
        tpu.vector_store_idx %arg12[%add3A_470], %gather3A_469 : memref<32768xf32, #tpu.memory_space<vmem>>[vector<16xi32>], vector<16xf32>,
        %add3A_471 = arith.constant 1 : i32
        %add3A_472 = vector.broadcast %add3A_471 : i32 to vector<16xi32>
        %add3A_473 = arith.addi %add3A_467, %add3A_472 : vector<16xi32>
        %add3A_474 = arith.addi %add3A_468, %add3A_318 : vector<16xi32>
        %gather3A_475 = tpu.vector_load_idx %arg16[%add3A_473] : memref<7200xf32, #tpu.memory_space<vmem>>[vector<16xi32>], vector<16xf32>,
        %add3A_476 = arith.addi %and3A_265, %add3A_474 : vector<16xi32>
        tpu.vector_store_idx %arg12[%add3A_476], %gather3A_475 : memref<32768xf32, #tpu.memory_space<vmem>>[vector<16xi32>], vector<16xf32>,
        %add3A_477 = arith.constant 1 : i32
        %add3A_478 = vector.broadcast %add3A_477 : i32 to vector<16xi32>
        %add3A_479 = arith.addi %add3A_473, %add3A_478 : vector<16xi32>
        %add3A_480 = arith.addi %add3A_474, %add3A_318 : vector<16xi32>
        %gather3A_481 = tpu.vector_load_idx %arg16[%add3A_479] : memref<7200xf32, #tpu.memory_space<vmem>>[vector<16xi32>], vector<16xf32>,
        %add3A_482 = arith.addi %and3A_265, %add3A_480 : vector<16xi32>
        tpu.vector_store_idx %arg12[%add3A_482], %gather3A_481 : memref<32768xf32, #tpu.memory_space<vmem>>[vector<16xi32>], vector<16xf32>,
        %add3A_483 = arith.constant 1 : i32
        %add3A_484 = vector.broadcast %add3A_483 : i32 to vector<16xi32>
        %add3A_485 = arith.addi %add3A_479, %add3A_484 : vector<16xi32>
        %add3A_486 = arith.addi %add3A_480, %add3A_318 : vector<16xi32>
        %gather3A_487 = tpu.vector_load_idx %arg16[%add3A_485] : memref<7200xf32, #tpu.memory_space<vmem>>[vector<16xi32>], vector<16xf32>,
        %add3A_488 = arith.addi %and3A_265, %add3A_486 : vector<16xi32>
        tpu.vector_store_idx %arg12[%add3A_488], %gather3A_487 : memref<32768xf32, #tpu.memory_space<vmem>>[vector<16xi32>], vector<16xf32>,
        %add3A_489 = arith.constant 1 : i32
        %add3A_490 = vector.broadcast %add3A_489 : i32 to vector<16xi32>
        %add3A_491 = arith.addi %add3A_485, %add3A_490 : vector<16xi32>
        %add3A_492 = arith.addi %add3A_486, %add3A_318 : vector<16xi32>
        %gather3A_493 = tpu.vector_load_idx %arg16[%add3A_491] : memref<7200xf32, #tpu.memory_space<vmem>>[vector<16xi32>], vector<16xf32>,
        %add3A_494 = arith.addi %and3A_265, %add3A_492 : vector<16xi32>
        tpu.vector_store_idx %arg12[%add3A_494], %gather3A_493 : memref<32768xf32, #tpu.memory_space<vmem>>[vector<16xi32>], vector<16xf32>,
        %add3A_495 = arith.constant 1 : i32
        %add3A_496 = vector.broadcast %add3A_495 : i32 to vector<16xi32>
        %add3A_497 = arith.addi %add3A_491, %add3A_496 : vector<16xi32>
        %add3A_498 = arith.addi %add3A_492, %add3A_318 : vector<16xi32>
        %gather3A_499 = tpu.vector_load_idx %arg16[%add3A_497] : memref<7200xf32, #tpu.memory_space<vmem>>[vector<16xi32>], vector<16xf32>,
        %add3A_500 = arith.addi %and3A_265, %add3A_498 : vector<16xi32>
        tpu.vector_store_idx %arg12[%add3A_500], %gather3A_499 : memref<32768xf32, #tpu.memory_space<vmem>>[vector<16xi32>], vector<16xf32>,
        %add3A_501 = arith.constant 1 : i32
        %add3A_502 = vector.broadcast %add3A_501 : i32 to vector<16xi32>
        %add3A_503 = arith.addi %add3A_497, %add3A_502 : vector<16xi32>
        %add3A_504 = arith.addi %add3A_498, %add3A_318 : vector<16xi32>
        %gather3A_505 = tpu.vector_load_idx %arg16[%add3A_503] : memref<7200xf32, #tpu.memory_space<vmem>>[vector<16xi32>], vector<16xf32>,
        %add3A_506 = arith.addi %and3A_265, %add3A_504 : vector<16xi32>
        tpu.vector_store_idx %arg12[%add3A_506], %gather3A_505 : memref<32768xf32, #tpu.memory_space<vmem>>[vector<16xi32>], vector<16xf32>,
        %add3A_507 = arith.constant 1 : i32
        %add3A_508 = vector.broadcast %add3A_507 : i32 to vector<16xi32>
        %add3A_509 = arith.addi %add3A_503, %add3A_508 : vector<16xi32>
        %add3A_510 = arith.addi %add3A_504, %add3A_318 : vector<16xi32>
        %gather3A_511 = tpu.vector_load_idx %arg16[%add3A_509] : memref<7200xf32, #tpu.memory_space<vmem>>[vector<16xi32>], vector<16xf32>,
        %add3A_512 = arith.addi %and3A_265, %add3A_510 : vector<16xi32>
        tpu.vector_store_idx %arg12[%add3A_512], %gather3A_511 : memref<32768xf32, #tpu.memory_space<vmem>>[vector<16xi32>], vector<16xf32>,
        %add3A_513 = arith.constant 1 : i32
        %add3A_514 = vector.broadcast %add3A_513 : i32 to vector<16xi32>
        %add3A_515 = arith.addi %add3A_509, %add3A_514 : vector<16xi32>
        %add3A_516 = arith.addi %add3A_510, %add3A_318 : vector<16xi32>
        %gather3A_517 = tpu.vector_load_idx %arg16[%add3A_515] : memref<7200xf32, #tpu.memory_space<vmem>>[vector<16xi32>], vector<16xf32>,
        %add3A_518 = arith.addi %and3A_265, %add3A_516 : vector<16xi32>
        tpu.vector_store_idx %arg12[%add3A_518], %gather3A_517 : memref<32768xf32, #tpu.memory_space<vmem>>[vector<16xi32>], vector<16xf32>,
        %add3A_519 = arith.constant 1 : i32
        %add3A_520 = vector.broadcast %add3A_519 : i32 to vector<16xi32>
        %add3A_521 = arith.addi %add3A_515, %add3A_520 : vector<16xi32>
        %add3A_522 = arith.addi %add3A_516, %add3A_318 : vector<16xi32>
        %gather3A_523 = tpu.vector_load_idx %arg16[%add3A_521] : memref<7200xf32, #tpu.memory_space<vmem>>[vector<16xi32>], vector<16xf32>,
        %add3A_524 = arith.addi %and3A_265, %add3A_522 : vector<16xi32>
        tpu.vector_store_idx %arg12[%add3A_524], %gather3A_523 : memref<32768xf32, #tpu.memory_space<vmem>>[vector<16xi32>], vector<16xf32>,
        %add3A_525 = arith.constant 1 : i32
        %add3A_526 = vector.broadcast %add3A_525 : i32 to vector<16xi32>
        %add3A_527 = arith.addi %add3A_521, %add3A_526 : vector<16xi32>
        %add3A_528 = arith.addi %add3A_522, %add3A_318 : vector<16xi32>
        %gather3A_529 = tpu.vector_load_idx %arg16[%add3A_527] : memref<7200xf32, #tpu.memory_space<vmem>>[vector<16xi32>], vector<16xf32>,
        %add3A_530 = arith.addi %and3A_265, %add3A_528 : vector<16xi32>
        tpu.vector_store_idx %arg12[%add3A_530], %gather3A_529 : memref<32768xf32, #tpu.memory_space<vmem>>[vector<16xi32>], vector<16xf32>,
        %add3A_531 = arith.constant 1 : i32
        %add3A_532 = vector.broadcast %add3A_531 : i32 to vector<16xi32>
        %add3A_533 = arith.addi %add3A_527, %add3A_532 : vector<16xi32>
        %add3A_534 = arith.addi %add3A_528, %add3A_318 : vector<16xi32>
        %gather3A_535 = tpu.vector_load_idx %arg16[%add3A_533] : memref<7200xf32, #tpu.memory_space<vmem>>[vector<16xi32>], vector<16xf32>,
        %add3A_536 = arith.addi %and3A_265, %add3A_534 : vector<16xi32>
        tpu.vector_store_idx %arg12[%add3A_536], %gather3A_535 : memref<32768xf32, #tpu.memory_space<vmem>>[vector<16xi32>], vector<16xf32>,
        %add3A_537 = arith.constant 1 : i32
        %add3A_538 = vector.broadcast %add3A_537 : i32 to vector<16xi32>
        %add3A_539 = arith.addi %add3A_533, %add3A_538 : vector<16xi32>
        %add3A_540 = arith.addi %add3A_534, %add3A_318 : vector<16xi32>
        %gather3A_541 = tpu.vector_load_idx %arg16[%add3A_539] : memref<7200xf32, #tpu.memory_space<vmem>>[vector<16xi32>], vector<16xf32>,
        %add3A_542 = arith.addf %gather3A_541, %gather3A_300 : vector<16xf32>
        %add3A_543 = arith.addi %and3A_265, %add3A_540 : vector<16xi32>
        tpu.vector_store_idx %arg12[%add3A_543], %add3A_542 : memref<32768xf32, #tpu.memory_space<vmem>>[vector<16xi32>], vector<16xf32>,
        %add3A_544 = arith.constant 1 : i32
        %add3A_545 = vector.broadcast %add3A_544 : i32 to vector<16xi32>
        %add3A_546 = arith.addi %add3A_539, %add3A_545 : vector<16xi32>
        %add3A_547 = arith.addi %add3A_540, %add3A_318 : vector<16xi32>
        %gather3A_548 = tpu.vector_load_idx %arg16[%add3A_546] : memref<7200xf32, #tpu.memory_space<vmem>>[vector<16xi32>], vector<16xf32>,
        %add3A_549 = arith.addf %gather3A_548, %gather3A_301 : vector<16xf32>
        %add3A_550 = arith.addi %and3A_265, %add3A_547 : vector<16xi32>
        tpu.vector_store_idx %arg12[%add3A_550], %add3A_549 : memref<32768xf32, #tpu.memory_space<vmem>>[vector<16xi32>], vector<16xf32>,
        %add3A_551 = arith.constant 1 : i32
        %add3A_552 = vector.broadcast %add3A_551 : i32 to vector<16xi32>
        %add3A_553 = arith.addi %add3A_546, %add3A_552 : vector<16xi32>
        %add3A_554 = arith.addi %add3A_547, %add3A_318 : vector<16xi32>
        %gather3A_555 = tpu.vector_load_idx %arg16[%add3A_553] : memref<7200xf32, #tpu.memory_space<vmem>>[vector<16xi32>], vector<16xf32>,
        %add3A_556 = arith.addf %gather3A_555, %select_n3A_294 : vector<16xf32>
        %add3A_557 = arith.addi %and3A_265, %add3A_554 : vector<16xi32>
        tpu.vector_store_idx %arg12[%add3A_557], %add3A_556 : memref<32768xf32, #tpu.memory_space<vmem>>[vector<16xi32>], vector<16xf32>,
        %add3A_558 = arith.constant 1 : i32
        %add3A_559 = vector.broadcast %add3A_558 : i32 to vector<16xi32>
        %add3A_560 = arith.addi %add3A_553, %add3A_559 : vector<16xi32>
        %add3A_561 = arith.addi %add3A_554, %add3A_318 : vector<16xi32>
        %gather3A_562 = tpu.vector_load_idx %arg16[%add3A_560] : memref<7200xf32, #tpu.memory_space<vmem>>[vector<16xi32>], vector<16xf32>,
        %add3A_563 = arith.addf %gather3A_562, %gather3A_299 : vector<16xf32>
        %add3A_564 = arith.addi %and3A_265, %add3A_561 : vector<16xi32>
        tpu.vector_store_idx %arg12[%add3A_564], %add3A_563 : memref<32768xf32, #tpu.memory_space<vmem>>[vector<16xi32>], vector<16xf32>,
        %add3A_565 = arith.constant 1 : i32
        %add3A_566 = vector.broadcast %add3A_565 : i32 to vector<16xi32>
        %add3A_567 = arith.addi %add3A_560, %add3A_566 : vector<16xi32>
        %add3A_568 = arith.addi %add3A_561, %add3A_318 : vector<16xi32>
        %gather3A_569 = tpu.vector_load_idx %arg16[%add3A_567] : memref<7200xf32, #tpu.memory_space<vmem>>[vector<16xi32>], vector<16xf32>,
        %add3A_570 = arith.addf %gather3A_569, %select_n3A_284 : vector<16xf32>
        %add3A_571 = arith.addi %and3A_265, %add3A_568 : vector<16xi32>
        tpu.vector_store_idx %arg12[%add3A_571], %add3A_570 : memref<32768xf32, #tpu.memory_space<vmem>>[vector<16xi32>], vector<16xf32>,
        %add3A_572 = arith.constant 1 : i32
        %add3A_573 = vector.broadcast %add3A_572 : i32 to vector<16xi32>
        %add3A_574 = arith.addi %add3A_567, %add3A_573 : vector<16xi32>
        %add3A_575 = arith.addi %add3A_568, %add3A_318 : vector<16xi32>
        %gather3A_576 = tpu.vector_load_idx %arg16[%add3A_574] : memref<7200xf32, #tpu.memory_space<vmem>>[vector<16xi32>], vector<16xf32>,
        %add3A_577 = arith.addf %gather3A_576, %select_n3A_280 : vector<16xf32>
        %add3A_578 = arith.addi %and3A_265, %add3A_575 : vector<16xi32>
        tpu.vector_store_idx %arg12[%add3A_578], %add3A_577 : memref<32768xf32, #tpu.memory_space<vmem>>[vector<16xi32>], vector<16xf32>,
        %add3A_579 = arith.constant 1 : i32
        %add3A_580 = vector.broadcast %add3A_579 : i32 to vector<16xi32>
        %add3A_581 = arith.addi %add3A_574, %add3A_580 : vector<16xi32>
        %add3A_582 = arith.addi %add3A_575, %add3A_318 : vector<16xi32>
        %gather3A_583 = tpu.vector_load_idx %arg16[%add3A_581] : memref<7200xf32, #tpu.memory_space<vmem>>[vector<16xi32>], vector<16xf32>,
        %add3A_584 = arith.addf %gather3A_583, %select_n3A : vector<16xf32>
        %add3A_585 = arith.addi %and3A_265, %add3A_582 : vector<16xi32>
        tpu.vector_store_idx %arg12[%add3A_585], %add3A_584 : memref<32768xf32, #tpu.memory_space<vmem>>[vector<16xi32>], vector<16xf32>,
        %add3A_586 = arith.constant 1 : i32
        %add3A_587 = vector.broadcast %add3A_586 : i32 to vector<16xi32>
        %add3A_588 = arith.addi %add3A_581, %add3A_587 : vector<16xi32>
        %add3A_589 = arith.addi %add3A_582, %add3A_318 : vector<16xi32>
        %add3A_590 = arith.addi %and3A_265, %and3A_251 : vector<16xi32>
        tpu.vector_store_idx %arg12[%add3A_590], %broadcast_in_dim3A_1 {add = true} : memref<32768xf32, #tpu.memory_space<vmem>>[vector<16xi32>], vector<16xf32>,
        %add3A_591 = arith.constant 5 : i32
        %add3A_592 = vector.broadcast %add3A_591 : i32 to vector<16xi32>
        %add3A_593 = arith.addi %and3A_265, %add3A_592 : vector<16xi32>
        %add3A_594 = arith.addi %add3A_593, %and3A_257 : vector<16xi32>
        tpu.vector_store_idx %arg12[%add3A_594], %broadcast_in_dim3A_1 {add = true} : memref<32768xf32, #tpu.memory_space<vmem>>[vector<16xi32>], vector<16xf32>,
        %add3A_595 = arith.constant 4 : i32
        %add3A_596 = vector.broadcast %add3A_595 : i32 to vector<16xi32>
        %add3A_597 = arith.addi %add3A_589, %add3A_596 : vector<16xi32>
        %mul3A_598 = arith.constant 5 : i32
        %mul3A_599 = vector.broadcast %mul3A_598 : i32 to vector<16xi32>
        %mul3A_600 = arith.muli %and3A_245, %mul3A_599 : vector<16xi32>
        %add3A_601 = arith.constant 0 : i32
        %add3A_602 = vector.broadcast %add3A_601 : i32 to vector<16xi32>
        %add3A_603 = arith.addi %mul3A_600, %add3A_602 : vector<16xi32>
        %gather3A_604 = tpu.vector_load_idx %arg17[%add3A_603] : memref<320xf32, #tpu.memory_space<vmem>>[vector<16xi32>], vector<16xf32>,
        %add3A_605 = arith.addi %and3A_265, %add3A_597 : vector<16xi32>
        tpu.vector_store_idx %arg12[%add3A_605], %gather3A_604 : memref<32768xf32, #tpu.memory_space<vmem>>[vector<16xi32>], vector<16xf32>,
        %add3A_606 = arith.constant 1 : i32
        %add3A_607 = vector.broadcast %add3A_606 : i32 to vector<16xi32>
        %add3A_608 = arith.addi %add3A_603, %add3A_607 : vector<16xi32>
        %add3A_609 = arith.addi %add3A_597, %add3A_318 : vector<16xi32>
        %gather3A_610 = tpu.vector_load_idx %arg17[%add3A_608] : memref<320xf32, #tpu.memory_space<vmem>>[vector<16xi32>], vector<16xf32>,
        %add3A_611 = arith.addi %and3A_265, %add3A_609 : vector<16xi32>
        tpu.vector_store_idx %arg12[%add3A_611], %gather3A_610 : memref<32768xf32, #tpu.memory_space<vmem>>[vector<16xi32>], vector<16xf32>,
        %add3A_612 = arith.constant 1 : i32
        %add3A_613 = vector.broadcast %add3A_612 : i32 to vector<16xi32>
        %add3A_614 = arith.addi %add3A_608, %add3A_613 : vector<16xi32>
        %add3A_615 = arith.addi %add3A_609, %add3A_318 : vector<16xi32>
        %gather3A_616 = tpu.vector_load_idx %arg17[%add3A_614] : memref<320xf32, #tpu.memory_space<vmem>>[vector<16xi32>], vector<16xf32>,
        %add3A_617 = arith.addi %and3A_265, %add3A_615 : vector<16xi32>
        tpu.vector_store_idx %arg12[%add3A_617], %gather3A_616 : memref<32768xf32, #tpu.memory_space<vmem>>[vector<16xi32>], vector<16xf32>,
        %add3A_618 = arith.constant 1 : i32
        %add3A_619 = vector.broadcast %add3A_618 : i32 to vector<16xi32>
        %add3A_620 = arith.addi %add3A_614, %add3A_619 : vector<16xi32>
        %add3A_621 = arith.addi %add3A_615, %add3A_318 : vector<16xi32>
        %gather3A_622 = tpu.vector_load_idx %arg17[%add3A_620] : memref<320xf32, #tpu.memory_space<vmem>>[vector<16xi32>], vector<16xf32>,
        %add3A_623 = arith.addi %and3A_265, %add3A_621 : vector<16xi32>
        tpu.vector_store_idx %arg12[%add3A_623], %gather3A_622 : memref<32768xf32, #tpu.memory_space<vmem>>[vector<16xi32>], vector<16xf32>,
        %add3A_624 = arith.constant 1 : i32
        %add3A_625 = vector.broadcast %add3A_624 : i32 to vector<16xi32>
        %add3A_626 = arith.addi %add3A_620, %add3A_625 : vector<16xi32>
        %add3A_627 = arith.addi %add3A_621, %add3A_318 : vector<16xi32>
        %mul3A_628 = arith.constant 5 : i32
        %mul3A_629 = vector.broadcast %mul3A_628 : i32 to vector<16xi32>
        %mul3A_630 = arith.muli %and3A_227, %mul3A_629 : vector<16xi32>
        %add3A_631 = arith.constant 80 : i32
        %add3A_632 = vector.broadcast %add3A_631 : i32 to vector<16xi32>
        %add3A_633 = arith.addi %mul3A_630, %add3A_632 : vector<16xi32>
        %gather3A_634 = tpu.vector_load_idx %arg17[%add3A_633] : memref<320xf32, #tpu.memory_space<vmem>>[vector<16xi32>], vector<16xf32>,
        %add3A_635 = arith.addi %and3A_265, %add3A_627 : vector<16xi32>
        tpu.vector_store_idx %arg12[%add3A_635], %gather3A_634 : memref<32768xf32, #tpu.memory_space<vmem>>[vector<16xi32>], vector<16xf32>,
        %add3A_636 = arith.constant 1 : i32
        %add3A_637 = vector.broadcast %add3A_636 : i32 to vector<16xi32>
        %add3A_638 = arith.addi %add3A_633, %add3A_637 : vector<16xi32>
        %add3A_639 = arith.addi %add3A_627, %add3A_318 : vector<16xi32>
        %gather3A_640 = tpu.vector_load_idx %arg17[%add3A_638] : memref<320xf32, #tpu.memory_space<vmem>>[vector<16xi32>], vector<16xf32>,
        %add3A_641 = arith.addi %and3A_265, %add3A_639 : vector<16xi32>
        tpu.vector_store_idx %arg12[%add3A_641], %gather3A_640 : memref<32768xf32, #tpu.memory_space<vmem>>[vector<16xi32>], vector<16xf32>,
        %add3A_642 = arith.constant 1 : i32
        %add3A_643 = vector.broadcast %add3A_642 : i32 to vector<16xi32>
        %add3A_644 = arith.addi %add3A_638, %add3A_643 : vector<16xi32>
        %add3A_645 = arith.addi %add3A_639, %add3A_318 : vector<16xi32>
        %gather3A_646 = tpu.vector_load_idx %arg17[%add3A_644] : memref<320xf32, #tpu.memory_space<vmem>>[vector<16xi32>], vector<16xf32>,
        %add3A_647 = arith.addi %and3A_265, %add3A_645 : vector<16xi32>
        tpu.vector_store_idx %arg12[%add3A_647], %gather3A_646 : memref<32768xf32, #tpu.memory_space<vmem>>[vector<16xi32>], vector<16xf32>,
        %add3A_648 = arith.constant 1 : i32
        %add3A_649 = vector.broadcast %add3A_648 : i32 to vector<16xi32>
        %add3A_650 = arith.addi %add3A_644, %add3A_649 : vector<16xi32>
        %add3A_651 = arith.addi %add3A_645, %add3A_318 : vector<16xi32>
        %gather3A_652 = tpu.vector_load_idx %arg17[%add3A_650] : memref<320xf32, #tpu.memory_space<vmem>>[vector<16xi32>], vector<16xf32>,
        %add3A_653 = arith.addi %and3A_265, %add3A_651 : vector<16xi32>
        tpu.vector_store_idx %arg12[%add3A_653], %gather3A_652 : memref<32768xf32, #tpu.memory_space<vmem>>[vector<16xi32>], vector<16xf32>,
        %add3A_654 = arith.constant 1 : i32
        %add3A_655 = vector.broadcast %add3A_654 : i32 to vector<16xi32>
        %add3A_656 = arith.addi %add3A_650, %add3A_655 : vector<16xi32>
        %add3A_657 = arith.addi %add3A_651, %add3A_318 : vector<16xi32>
        %mul3A_658 = arith.constant 5 : i32
        %mul3A_659 = vector.broadcast %mul3A_658 : i32 to vector<16xi32>
        %mul3A_660 = arith.muli %and3A_233, %mul3A_659 : vector<16xi32>
        %add3A_661 = arith.constant 160 : i32
        %add3A_662 = vector.broadcast %add3A_661 : i32 to vector<16xi32>
        %add3A_663 = arith.addi %mul3A_660, %add3A_662 : vector<16xi32>
        %gather3A_664 = tpu.vector_load_idx %arg17[%add3A_663] : memref<320xf32, #tpu.memory_space<vmem>>[vector<16xi32>], vector<16xf32>,
        %add3A_665 = arith.addi %and3A_265, %add3A_657 : vector<16xi32>
        tpu.vector_store_idx %arg12[%add3A_665], %gather3A_664 : memref<32768xf32, #tpu.memory_space<vmem>>[vector<16xi32>], vector<16xf32>,
        %add3A_666 = arith.constant 1 : i32
        %add3A_667 = vector.broadcast %add3A_666 : i32 to vector<16xi32>
        %add3A_668 = arith.addi %add3A_663, %add3A_667 : vector<16xi32>
        %add3A_669 = arith.addi %add3A_657, %add3A_318 : vector<16xi32>
        %gather3A_670 = tpu.vector_load_idx %arg17[%add3A_668] : memref<320xf32, #tpu.memory_space<vmem>>[vector<16xi32>], vector<16xf32>,
        %add3A_671 = arith.addi %and3A_265, %add3A_669 : vector<16xi32>
        tpu.vector_store_idx %arg12[%add3A_671], %gather3A_670 : memref<32768xf32, #tpu.memory_space<vmem>>[vector<16xi32>], vector<16xf32>,
        %add3A_672 = arith.constant 1 : i32
        %add3A_673 = vector.broadcast %add3A_672 : i32 to vector<16xi32>
        %add3A_674 = arith.addi %add3A_668, %add3A_673 : vector<16xi32>
        %add3A_675 = arith.addi %add3A_669, %add3A_318 : vector<16xi32>
        %gather3A_676 = tpu.vector_load_idx %arg17[%add3A_674] : memref<320xf32, #tpu.memory_space<vmem>>[vector<16xi32>], vector<16xf32>,
        %add3A_677 = arith.addi %and3A_265, %add3A_675 : vector<16xi32>
        tpu.vector_store_idx %arg12[%add3A_677], %gather3A_676 : memref<32768xf32, #tpu.memory_space<vmem>>[vector<16xi32>], vector<16xf32>,
        %add3A_678 = arith.constant 1 : i32
        %add3A_679 = vector.broadcast %add3A_678 : i32 to vector<16xi32>
        %add3A_680 = arith.addi %add3A_674, %add3A_679 : vector<16xi32>
        %add3A_681 = arith.addi %add3A_675, %add3A_318 : vector<16xi32>
        %gather3A_682 = tpu.vector_load_idx %arg17[%add3A_680] : memref<320xf32, #tpu.memory_space<vmem>>[vector<16xi32>], vector<16xf32>,
        %add3A_683 = arith.addi %and3A_265, %add3A_681 : vector<16xi32>
        tpu.vector_store_idx %arg12[%add3A_683], %gather3A_682 : memref<32768xf32, #tpu.memory_space<vmem>>[vector<16xi32>], vector<16xf32>,
        %add3A_684 = arith.constant 1 : i32
        %add3A_685 = vector.broadcast %add3A_684 : i32 to vector<16xi32>
        %add3A_686 = arith.addi %add3A_680, %add3A_685 : vector<16xi32>
        %add3A_687 = arith.addi %add3A_681, %add3A_318 : vector<16xi32>
        %mul3A_688 = arith.constant 5 : i32
        %mul3A_689 = vector.broadcast %mul3A_688 : i32 to vector<16xi32>
        %mul3A_690 = arith.muli %and3A_239, %mul3A_689 : vector<16xi32>
        %add3A_691 = arith.constant 240 : i32
        %add3A_692 = vector.broadcast %add3A_691 : i32 to vector<16xi32>
        %add3A_693 = arith.addi %mul3A_690, %add3A_692 : vector<16xi32>
        %gather3A_694 = tpu.vector_load_idx %arg17[%add3A_693] : memref<320xf32, #tpu.memory_space<vmem>>[vector<16xi32>], vector<16xf32>,
        %add3A_695 = arith.addi %and3A_265, %add3A_687 : vector<16xi32>
        tpu.vector_store_idx %arg12[%add3A_695], %gather3A_694 : memref<32768xf32, #tpu.memory_space<vmem>>[vector<16xi32>], vector<16xf32>,
        %add3A_696 = arith.constant 1 : i32
        %add3A_697 = vector.broadcast %add3A_696 : i32 to vector<16xi32>
        %add3A_698 = arith.addi %add3A_693, %add3A_697 : vector<16xi32>
        %add3A_699 = arith.addi %add3A_687, %add3A_318 : vector<16xi32>
        %gather3A_700 = tpu.vector_load_idx %arg17[%add3A_698] : memref<320xf32, #tpu.memory_space<vmem>>[vector<16xi32>], vector<16xf32>,
        %add3A_701 = arith.addi %and3A_265, %add3A_699 : vector<16xi32>
        tpu.vector_store_idx %arg12[%add3A_701], %gather3A_700 : memref<32768xf32, #tpu.memory_space<vmem>>[vector<16xi32>], vector<16xf32>,
        %add3A_702 = arith.constant 1 : i32
        %add3A_703 = vector.broadcast %add3A_702 : i32 to vector<16xi32>
        %add3A_704 = arith.addi %add3A_698, %add3A_703 : vector<16xi32>
        %add3A_705 = arith.addi %add3A_699, %add3A_318 : vector<16xi32>
        %gather3A_706 = tpu.vector_load_idx %arg17[%add3A_704] : memref<320xf32, #tpu.memory_space<vmem>>[vector<16xi32>], vector<16xf32>,
        %add3A_707 = arith.addi %and3A_265, %add3A_705 : vector<16xi32>
        tpu.vector_store_idx %arg12[%add3A_707], %gather3A_706 : memref<32768xf32, #tpu.memory_space<vmem>>[vector<16xi32>], vector<16xf32>,
        %add3A_708 = arith.constant 1 : i32
        %add3A_709 = vector.broadcast %add3A_708 : i32 to vector<16xi32>
        %add3A_710 = arith.addi %add3A_704, %add3A_709 : vector<16xi32>
        %add3A_711 = arith.addi %add3A_705, %add3A_318 : vector<16xi32>
        %gather3A_712 = tpu.vector_load_idx %arg17[%add3A_710] : memref<320xf32, #tpu.memory_space<vmem>>[vector<16xi32>], vector<16xf32>,
        %add3A_713 = arith.addi %and3A_265, %add3A_711 : vector<16xi32>
        tpu.vector_store_idx %arg12[%add3A_713], %gather3A_712 : memref<32768xf32, #tpu.memory_space<vmem>>[vector<16xi32>], vector<16xf32>,
        %add3A_714 = arith.constant 1 : i32
        %add3A_715 = vector.broadcast %add3A_714 : i32 to vector<16xi32>
        %add3A_716 = arith.addi %add3A_710, %add3A_715 : vector<16xi32>
        %add3A_717 = arith.addi %add3A_711, %add3A_318 : vector<16xi32>
      }
      %scan3A_113 = arith.constant 25 : i32
      %mul3A_114 = arith.constant 64 : i32
      %mul3A_115 = arith.muli %add3A, %mul3A_114 : i32
      %add3A_116 = arith.addi %mul3A_115, %mul3A_39 : i32
      %mul3A_117 = arith.constant 400 : i32
      %mul3A_118 = arith.muli %add3A_116, %mul3A_117 : i32
      %mul3A_119 = arith.constant 64 : i32
      %mul3A_120 = arith.muli %add3A, %mul3A_119 : i32
      %add3A_121 = arith.addi %mul3A_120, %mul3A_39 : i32
      %mul3A_122 = arith.constant 32768 : i32
      %mul3A_123 = arith.muli %add3A_121, %mul3A_122 : i32
      %dma_start3A_124 = tpu.memref_slice %arg8[%mul3A_123] : memref<67108864xf32, #tpu.memory_space<hbm>> -> memref<32768xf32, #tpu.memory_space<hbm>>
      %dma_start3A_125 = tpu.memref_slice %arg8[%mul3A_123] : memref<67108864xf32, #tpu.memory_space<hbm>> -> memref<32768xf32, #tpu.memory_space<hbm>>
      tpu.enqueue_dma source(%arg12 : memref<32768xf32, #tpu.memory_space<vmem>>) target(%dma_start3A_125 : memref<32768xf32, #tpu.memory_space<hbm>>) target_semaphore(%arg25 : memref<!tpu.dma_semaphore, #tpu.memory_space<semaphore_mem>>)
      %dma_start3A_126 = tpu.memref_slice %arg9[%mul3A_118] : memref<819200xi32, #tpu.memory_space<hbm>> -> memref<400xi32, #tpu.memory_space<hbm>>
      %dma_start3A_127 = tpu.memref_slice %arg9[%mul3A_118] : memref<819200xi32, #tpu.memory_space<hbm>> -> memref<400xi32, #tpu.memory_space<hbm>>
      tpu.enqueue_dma source(%arg14 : memref<400xi32, #tpu.memory_space<vmem>>) target(%dma_start3A_127 : memref<400xi32, #tpu.memory_space<hbm>>) target_semaphore(%arg25 : memref<!tpu.dma_semaphore, #tpu.memory_space<semaphore_mem>>)
      %le3A = arith.constant 30 : i32
      %le3A_128 = arith.cmpi sle, %scan3A_37, %le3A : i32
      %convert_element_type3A_129 = arith.extui %le3A_128 : i1 to i32
      %cond3A_130 = arith.constant 0 : i32
      %cond3A_131 = arith.cmpi ne, %convert_element_type3A_129, %cond3A_130 : i32
      scf.if %cond3A_131 {
        %add3A_217 = arith.constant 2 : i32
        %add3A_218 = arith.addi %mul3A_39, %add3A_217 : i32
        %mul3A_219 = arith.constant 64 : i32
        %mul3A_220 = arith.muli %add3A, %mul3A_219 : i32
        %add3A_221 = arith.addi %mul3A_220, %add3A_218 : i32
        %mul3A_222 = arith.constant 400 : i32
        %mul3A_223 = arith.muli %add3A_221, %mul3A_222 : i32
        %dma_start3A_224 = tpu.memref_slice %arg2[%mul3A_223] : memref<819200xi32, #tpu.memory_space<hbm>> -> memref<400xi32, #tpu.memory_space<hbm>>
        %dma_start3A_225 = tpu.memref_slice %arg2[%mul3A_223] : memref<819200xi32, #tpu.memory_space<hbm>> -> memref<400xi32, #tpu.memory_space<hbm>>
        tpu.enqueue_dma source(%dma_start3A_225 : memref<400xi32, #tpu.memory_space<hbm>>) target(%arg10 : memref<400xi32, #tpu.memory_space<vmem>>) target_semaphore(%arg23 : memref<!tpu.dma_semaphore, #tpu.memory_space<semaphore_mem>>)
      } else {
      }
      %dma_wait3A_132 = arith.constant 0 : i32
      %dma_wait3A_133 = tpu.memref_slice %arg2[%dma_wait3A_132] : memref<819200xi32, #tpu.memory_space<hbm>> -> memref<400xi32, #tpu.memory_space<hbm>>
      %dma_wait3A_134 = arith.constant 0 : i32
      %dma_wait3A_135 = tpu.memref_slice %arg2[%dma_wait3A_134] : memref<819200xi32, #tpu.memory_space<hbm>> -> memref<400xi32, #tpu.memory_space<hbm>>
      tpu.wait_dma2 semaphore(%arg24 : memref<!tpu.dma_semaphore, #tpu.memory_space<semaphore_mem>>) src(%dma_wait3A_135 : memref<400xi32, #tpu.memory_space<hbm>>) dst(%arg11 : memref<400xi32, #tpu.memory_space<vmem>>)
      %ge3A_136 = arith.constant 1 : i32
      %ge3A_137 = arith.cmpi sge, %scan3A_37, %ge3A_136 : i32
      %convert_element_type3A_138 = arith.extui %ge3A_137 : i1 to i32
      %cond3A_139 = arith.constant 0 : i32
      %cond3A_140 = arith.cmpi ne, %convert_element_type3A_138, %cond3A_139 : i32
      scf.if %cond3A_140 {
        %dma_wait3A_217 = arith.constant 0 : i32
        %dma_wait3A_218 = tpu.memref_slice %arg8[%dma_wait3A_217] : memref<67108864xf32, #tpu.memory_space<hbm>> -> memref<32768xf32, #tpu.memory_space<hbm>>
        %dma_wait3A_219 = arith.constant 0 : i32
        %dma_wait3A_220 = tpu.memref_slice %arg8[%dma_wait3A_219] : memref<67108864xf32, #tpu.memory_space<hbm>> -> memref<32768xf32, #tpu.memory_space<hbm>>
        tpu.wait_dma2 semaphore(%arg26 : memref<!tpu.dma_semaphore, #tpu.memory_space<semaphore_mem>>) src(%arg13 : memref<32768xf32, #tpu.memory_space<vmem>>) dst(%dma_wait3A_220 : memref<32768xf32, #tpu.memory_space<hbm>>)
        %dma_wait3A_221 = arith.constant 0 : i32
        %dma_wait3A_222 = tpu.memref_slice %arg9[%dma_wait3A_221] : memref<819200xi32, #tpu.memory_space<hbm>> -> memref<400xi32, #tpu.memory_space<hbm>>
        %dma_wait3A_223 = arith.constant 0 : i32
        %dma_wait3A_224 = tpu.memref_slice %arg9[%dma_wait3A_223] : memref<819200xi32, #tpu.memory_space<hbm>> -> memref<400xi32, #tpu.memory_space<hbm>>
        tpu.wait_dma2 semaphore(%arg26 : memref<!tpu.dma_semaphore, #tpu.memory_space<semaphore_mem>>) src(%arg15 : memref<400xi32, #tpu.memory_space<vmem>>) dst(%dma_wait3A_224 : memref<400xi32, #tpu.memory_space<hbm>>)
      } else {
      }
      %swap3A_141 = arith.constant 0 : index
      %swap3A_142 = tpu.vector_load %arg21[%swap3A_141] {strides = array<i32>} : memref<256xf32, #tpu.memory_space<vmem>>, vector<16xf32>,
      tpu.vector_store %arg21[%swap3A_141], %broadcast_in_dim3A_3 {strides = array<i32>} : memref<256xf32, #tpu.memory_space<vmem>>, vector<16xf32>,
      %swap3A_143 = arith.constant 16 : index
      %swap3A_144 = tpu.vector_load %arg21[%swap3A_143] {strides = array<i32>} : memref<256xf32, #tpu.memory_space<vmem>>, vector<16xf32>,
      tpu.vector_store %arg21[%swap3A_143], %broadcast_in_dim3A_3 {strides = array<i32>} : memref<256xf32, #tpu.memory_space<vmem>>, vector<16xf32>,
      %swap3A_145 = arith.constant 32 : index
      %swap3A_146 = tpu.vector_load %arg21[%swap3A_145] {strides = array<i32>} : memref<256xf32, #tpu.memory_space<vmem>>, vector<16xf32>,
      tpu.vector_store %arg21[%swap3A_145], %broadcast_in_dim3A_3 {strides = array<i32>} : memref<256xf32, #tpu.memory_space<vmem>>, vector<16xf32>,
      %swap3A_147 = arith.constant 48 : index
      %swap3A_148 = tpu.vector_load %arg21[%swap3A_147] {strides = array<i32>} : memref<256xf32, #tpu.memory_space<vmem>>, vector<16xf32>,
      tpu.vector_store %arg21[%swap3A_147], %broadcast_in_dim3A_3 {strides = array<i32>} : memref<256xf32, #tpu.memory_space<vmem>>, vector<16xf32>,
      %swap3A_149 = arith.constant 64 : index
      %swap3A_150 = tpu.vector_load %arg21[%swap3A_149] {strides = array<i32>} : memref<256xf32, #tpu.memory_space<vmem>>, vector<16xf32>,
      tpu.vector_store %arg21[%swap3A_149], %broadcast_in_dim3A_3 {strides = array<i32>} : memref<256xf32, #tpu.memory_space<vmem>>, vector<16xf32>,
      %swap3A_151 = arith.constant 80 : index
      %swap3A_152 = tpu.vector_load %arg21[%swap3A_151] {strides = array<i32>} : memref<256xf32, #tpu.memory_space<vmem>>, vector<16xf32>,
      tpu.vector_store %arg21[%swap3A_151], %broadcast_in_dim3A_3 {strides = array<i32>} : memref<256xf32, #tpu.memory_space<vmem>>, vector<16xf32>,
      %swap3A_153 = arith.constant 96 : index
      %swap3A_154 = tpu.vector_load %arg21[%swap3A_153] {strides = array<i32>} : memref<256xf32, #tpu.memory_space<vmem>>, vector<16xf32>,
      tpu.vector_store %arg21[%swap3A_153], %broadcast_in_dim3A_3 {strides = array<i32>} : memref<256xf32, #tpu.memory_space<vmem>>, vector<16xf32>,
      %swap3A_155 = arith.constant 112 : index
      %swap3A_156 = tpu.vector_load %arg21[%swap3A_155] {strides = array<i32>} : memref<256xf32, #tpu.memory_space<vmem>>, vector<16xf32>,
      tpu.vector_store %arg21[%swap3A_155], %broadcast_in_dim3A_3 {strides = array<i32>} : memref<256xf32, #tpu.memory_space<vmem>>, vector<16xf32>,
      %swap3A_157 = arith.constant 128 : index
      %swap3A_158 = tpu.vector_load %arg21[%swap3A_157] {strides = array<i32>} : memref<256xf32, #tpu.memory_space<vmem>>, vector<16xf32>,
      tpu.vector_store %arg21[%swap3A_157], %broadcast_in_dim3A_3 {strides = array<i32>} : memref<256xf32, #tpu.memory_space<vmem>>, vector<16xf32>,
      %swap3A_159 = arith.constant 144 : index
      %swap3A_160 = tpu.vector_load %arg21[%swap3A_159] {strides = array<i32>} : memref<256xf32, #tpu.memory_space<vmem>>, vector<16xf32>,
      tpu.vector_store %arg21[%swap3A_159], %broadcast_in_dim3A_3 {strides = array<i32>} : memref<256xf32, #tpu.memory_space<vmem>>, vector<16xf32>,
      %swap3A_161 = arith.constant 160 : index
      %swap3A_162 = tpu.vector_load %arg21[%swap3A_161] {strides = array<i32>} : memref<256xf32, #tpu.memory_space<vmem>>, vector<16xf32>,
      tpu.vector_store %arg21[%swap3A_161], %broadcast_in_dim3A_3 {strides = array<i32>} : memref<256xf32, #tpu.memory_space<vmem>>, vector<16xf32>,
      %swap3A_163 = arith.constant 176 : index
      %swap3A_164 = tpu.vector_load %arg21[%swap3A_163] {strides = array<i32>} : memref<256xf32, #tpu.memory_space<vmem>>, vector<16xf32>,
      tpu.vector_store %arg21[%swap3A_163], %broadcast_in_dim3A_3 {strides = array<i32>} : memref<256xf32, #tpu.memory_space<vmem>>, vector<16xf32>,
      %swap3A_165 = arith.constant 192 : index
      %swap3A_166 = tpu.vector_load %arg21[%swap3A_165] {strides = array<i32>} : memref<256xf32, #tpu.memory_space<vmem>>, vector<16xf32>,
      tpu.vector_store %arg21[%swap3A_165], %broadcast_in_dim3A_3 {strides = array<i32>} : memref<256xf32, #tpu.memory_space<vmem>>, vector<16xf32>,
      %swap3A_167 = arith.constant 208 : index
      %swap3A_168 = tpu.vector_load %arg21[%swap3A_167] {strides = array<i32>} : memref<256xf32, #tpu.memory_space<vmem>>, vector<16xf32>,
      tpu.vector_store %arg21[%swap3A_167], %broadcast_in_dim3A_3 {strides = array<i32>} : memref<256xf32, #tpu.memory_space<vmem>>, vector<16xf32>,
      %swap3A_169 = arith.constant 224 : index
      %swap3A_170 = tpu.vector_load %arg21[%swap3A_169] {strides = array<i32>} : memref<256xf32, #tpu.memory_space<vmem>>, vector<16xf32>,
      tpu.vector_store %arg21[%swap3A_169], %broadcast_in_dim3A_3 {strides = array<i32>} : memref<256xf32, #tpu.memory_space<vmem>>, vector<16xf32>,
      %swap3A_171 = arith.constant 240 : index
      %swap3A_172 = tpu.vector_load %arg21[%swap3A_171] {strides = array<i32>} : memref<256xf32, #tpu.memory_space<vmem>>, vector<16xf32>,
      tpu.vector_store %arg21[%swap3A_171], %broadcast_in_dim3A_3 {strides = array<i32>} : memref<256xf32, #tpu.memory_space<vmem>>, vector<16xf32>,
      %swap3A_173 = arith.constant 0 : index
      %swap3A_174 = tpu.vector_load %arg22[%swap3A_173] {strides = array<i32>} : memref<128xf32, #tpu.memory_space<vmem>>, vector<16xf32>,
      tpu.vector_store %arg22[%swap3A_173], %broadcast_in_dim3A_3 {strides = array<i32>} : memref<128xf32, #tpu.memory_space<vmem>>, vector<16xf32>,
      %swap3A_175 = arith.constant 16 : index
      %swap3A_176 = tpu.vector_load %arg22[%swap3A_175] {strides = array<i32>} : memref<128xf32, #tpu.memory_space<vmem>>, vector<16xf32>,
      tpu.vector_store %arg22[%swap3A_175], %broadcast_in_dim3A_3 {strides = array<i32>} : memref<128xf32, #tpu.memory_space<vmem>>, vector<16xf32>,
      %swap3A_177 = arith.constant 32 : index
      %swap3A_178 = tpu.vector_load %arg22[%swap3A_177] {strides = array<i32>} : memref<128xf32, #tpu.memory_space<vmem>>, vector<16xf32>,
      tpu.vector_store %arg22[%swap3A_177], %broadcast_in_dim3A_3 {strides = array<i32>} : memref<128xf32, #tpu.memory_space<vmem>>, vector<16xf32>,
      %swap3A_179 = arith.constant 48 : index
      %swap3A_180 = tpu.vector_load %arg22[%swap3A_179] {strides = array<i32>} : memref<128xf32, #tpu.memory_space<vmem>>, vector<16xf32>,
      tpu.vector_store %arg22[%swap3A_179], %broadcast_in_dim3A_3 {strides = array<i32>} : memref<128xf32, #tpu.memory_space<vmem>>, vector<16xf32>,
      %swap3A_181 = arith.constant 64 : index
      %swap3A_182 = tpu.vector_load %arg22[%swap3A_181] {strides = array<i32>} : memref<128xf32, #tpu.memory_space<vmem>>, vector<16xf32>,
      tpu.vector_store %arg22[%swap3A_181], %broadcast_in_dim3A_3 {strides = array<i32>} : memref<128xf32, #tpu.memory_space<vmem>>, vector<16xf32>,
      %swap3A_183 = arith.constant 80 : index
      %swap3A_184 = tpu.vector_load %arg22[%swap3A_183] {strides = array<i32>} : memref<128xf32, #tpu.memory_space<vmem>>, vector<16xf32>,
      tpu.vector_store %arg22[%swap3A_183], %broadcast_in_dim3A_3 {strides = array<i32>} : memref<128xf32, #tpu.memory_space<vmem>>, vector<16xf32>,
      %swap3A_185 = arith.constant 96 : index
      %swap3A_186 = tpu.vector_load %arg22[%swap3A_185] {strides = array<i32>} : memref<128xf32, #tpu.memory_space<vmem>>, vector<16xf32>,
      tpu.vector_store %arg22[%swap3A_185], %broadcast_in_dim3A_3 {strides = array<i32>} : memref<128xf32, #tpu.memory_space<vmem>>, vector<16xf32>,
      %swap3A_187 = arith.constant 112 : index
      %swap3A_188 = tpu.vector_load %arg22[%swap3A_187] {strides = array<i32>} : memref<128xf32, #tpu.memory_space<vmem>>, vector<16xf32>,
      tpu.vector_store %arg22[%swap3A_187], %broadcast_in_dim3A_3 {strides = array<i32>} : memref<128xf32, #tpu.memory_space<vmem>>, vector<16xf32>,
      %scan3A_189 = arith.constant 0 : i32
      %scan3A_190 = arith.constant 0 : i32
      %scan3A_191 = arith.constant 25 : i32
      %scan3A_192 = arith.addi %scan3A_190, %scan3A_191 : i32
      %scan3A_193 = arith.constant 1 : i32
      scf.for %scan3A_217 = %scan3A_190 to %scan3A_192 step %scan3A_193  : i32 {
        %mul3A_218 = arith.constant 16 : i32
        %mul3A_219 = arith.muli %scan3A_217, %mul3A_218 : i32
        %get3A = arith.index_cast %mul3A_219 : i32 to index
        %get3A_220 = tpu.vector_load %arg11[%get3A] {strides = array<i32>} : memref<400xi32, #tpu.memory_space<vmem>>, vector<16xi32>,
        %shift_right_arithmetic3A = arith.constant 24 : i32
        %shift_right_arithmetic3A_221 = vector.broadcast %shift_right_arithmetic3A : i32 to vector<16xi32>
        %shift_right_arithmetic3A_222 = arith.shrsi %get3A_220, %shift_right_arithmetic3A_221 : vector<16xi32>
        %and3A = arith.constant 15 : i32
        %and3A_223 = vector.broadcast %and3A : i32 to vector<16xi32>
        %and3A_224 = arith.andi %shift_right_arithmetic3A_222, %and3A_223 : vector<16xi32>
        %shift_right_arithmetic3A_225 = arith.constant 21 : i32
        %shift_right_arithmetic3A_226 = vector.broadcast %shift_right_arithmetic3A_225 : i32 to vector<16xi32>
        %shift_right_arithmetic3A_227 = arith.shrsi %get3A_220, %shift_right_arithmetic3A_226 : vector<16xi32>
        %and3A_228 = arith.constant 7 : i32
        %and3A_229 = vector.broadcast %and3A_228 : i32 to vector<16xi32>
        %and3A_230 = arith.andi %shift_right_arithmetic3A_227, %and3A_229 : vector<16xi32>
        %get3A_231 = arith.index_cast %mul3A_219 : i32 to index
        %get3A_232 = tpu.vector_load %arg20[%get3A_231] {strides = array<i32>} : memref<400xi32, #tpu.memory_space<vmem>>, vector<16xi32>,
        %shift_right_arithmetic3A_233 = arith.constant 16 : i32
        %shift_right_arithmetic3A_234 = vector.broadcast %shift_right_arithmetic3A_233 : i32 to vector<16xi32>
        %shift_right_arithmetic3A_235 = arith.shrsi %get3A_232, %shift_right_arithmetic3A_234 : vector<16xi32>
        %mul3A_236 = arith.constant 32 : i32
        %mul3A_237 = vector.broadcast %mul3A_236 : i32 to vector<16xi32>
        %mul3A_238 = arith.muli %shift_right_arithmetic3A_235, %mul3A_237 : vector<16xi32>
        %add3A_239 = arith.addi %mul3A_238, %and3A_224 : vector<16xi32>
        tpu.vector_store_idx %arg21[%add3A_239], %broadcast_in_dim3A_1 {add = true} : memref<256xf32, #tpu.memory_space<vmem>>[vector<16xi32>], vector<16xf32>,
        %mul3A_240 = arith.constant 16 : i32
        %mul3A_241 = vector.broadcast %mul3A_240 : i32 to vector<16xi32>
        %mul3A_242 = arith.muli %shift_right_arithmetic3A_235, %mul3A_241 : vector<16xi32>
        %add3A_243 = arith.addi %mul3A_242, %and3A_230 : vector<16xi32>
        tpu.vector_store_idx %arg22[%add3A_243], %broadcast_in_dim3A_1 {add = true} : memref<128xf32, #tpu.memory_space<vmem>>[vector<16xi32>], vector<16xf32>,
      }
      %scan3A_194 = arith.constant 25 : i32
      %scan3A_195 = arith.constant 0 : i32
      %scan3A_196 = arith.constant 0 : i32
      %scan3A_197 = arith.constant 25 : i32
      %scan3A_198 = arith.addi %scan3A_196, %scan3A_197 : i32
      %scan3A_199 = arith.constant 1 : i32
      scf.for %scan3A_217 = %scan3A_196 to %scan3A_198 step %scan3A_199  : i32 {
        %mul3A_218 = arith.constant 16 : i32
        %mul3A_219 = arith.muli %scan3A_217, %mul3A_218 : i32
        %get3A = arith.index_cast %mul3A_219 : i32 to index
        %get3A_220 = tpu.vector_load %arg11[%get3A] {strides = array<i32>} : memref<400xi32, #tpu.memory_space<vmem>>, vector<16xi32>,
        %and3A = arith.constant 255 : i32
        %and3A_221 = vector.broadcast %and3A : i32 to vector<16xi32>
        %and3A_222 = arith.andi %get3A_220, %and3A_221 : vector<16xi32>
        %shift_right_arithmetic3A = arith.constant 8 : i32
        %shift_right_arithmetic3A_223 = vector.broadcast %shift_right_arithmetic3A : i32 to vector<16xi32>
        %shift_right_arithmetic3A_224 = arith.shrsi %get3A_220, %shift_right_arithmetic3A_223 : vector<16xi32>
        %and3A_225 = arith.constant 15 : i32
        %and3A_226 = vector.broadcast %and3A_225 : i32 to vector<16xi32>
        %and3A_227 = arith.andi %shift_right_arithmetic3A_224, %and3A_226 : vector<16xi32>
        %shift_right_arithmetic3A_228 = arith.constant 12 : i32
        %shift_right_arithmetic3A_229 = vector.broadcast %shift_right_arithmetic3A_228 : i32 to vector<16xi32>
        %shift_right_arithmetic3A_230 = arith.shrsi %get3A_220, %shift_right_arithmetic3A_229 : vector<16xi32>
        %and3A_231 = arith.constant 7 : i32
        %and3A_232 = vector.broadcast %and3A_231 : i32 to vector<16xi32>
        %and3A_233 = arith.andi %shift_right_arithmetic3A_230, %and3A_232 : vector<16xi32>
        %shift_right_arithmetic3A_234 = arith.constant 15 : i32
        %shift_right_arithmetic3A_235 = vector.broadcast %shift_right_arithmetic3A_234 : i32 to vector<16xi32>
        %shift_right_arithmetic3A_236 = arith.shrsi %get3A_220, %shift_right_arithmetic3A_235 : vector<16xi32>
        %and3A_237 = arith.constant 7 : i32
        %and3A_238 = vector.broadcast %and3A_237 : i32 to vector<16xi32>
        %and3A_239 = arith.andi %shift_right_arithmetic3A_236, %and3A_238 : vector<16xi32>
        %shift_right_arithmetic3A_240 = arith.constant 18 : i32
        %shift_right_arithmetic3A_241 = vector.broadcast %shift_right_arithmetic3A_240 : i32 to vector<16xi32>
        %shift_right_arithmetic3A_242 = arith.shrsi %get3A_220, %shift_right_arithmetic3A_241 : vector<16xi32>
        %and3A_243 = arith.constant 7 : i32
        %and3A_244 = vector.broadcast %and3A_243 : i32 to vector<16xi32>
        %and3A_245 = arith.andi %shift_right_arithmetic3A_242, %and3A_244 : vector<16xi32>
        %shift_right_arithmetic3A_246 = arith.constant 21 : i32
        %shift_right_arithmetic3A_247 = vector.broadcast %shift_right_arithmetic3A_246 : i32 to vector<16xi32>
        %shift_right_arithmetic3A_248 = arith.shrsi %get3A_220, %shift_right_arithmetic3A_247 : vector<16xi32>
        %and3A_249 = arith.constant 7 : i32
        %and3A_250 = vector.broadcast %and3A_249 : i32 to vector<16xi32>
        %and3A_251 = arith.andi %shift_right_arithmetic3A_248, %and3A_250 : vector<16xi32>
        %shift_right_arithmetic3A_252 = arith.constant 24 : i32
        %shift_right_arithmetic3A_253 = vector.broadcast %shift_right_arithmetic3A_252 : i32 to vector<16xi32>
        %shift_right_arithmetic3A_254 = arith.shrsi %get3A_220, %shift_right_arithmetic3A_253 : vector<16xi32>
        %and3A_255 = arith.constant 15 : i32
        %and3A_256 = vector.broadcast %and3A_255 : i32 to vector<16xi32>
        %and3A_257 = arith.andi %shift_right_arithmetic3A_254, %and3A_256 : vector<16xi32>
        %get3A_258 = arith.index_cast %mul3A_219 : i32 to index
        %get3A_259 = tpu.vector_load %arg20[%get3A_258] {strides = array<i32>} : memref<400xi32, #tpu.memory_space<vmem>>, vector<16xi32>,
        %shift_right_arithmetic3A_260 = arith.constant 16 : i32
        %shift_right_arithmetic3A_261 = vector.broadcast %shift_right_arithmetic3A_260 : i32 to vector<16xi32>
        %shift_right_arithmetic3A_262 = arith.shrsi %get3A_259, %shift_right_arithmetic3A_261 : vector<16xi32>
        %and3A_263 = arith.constant 65535 : i32
        %and3A_264 = vector.broadcast %and3A_263 : i32 to vector<16xi32>
        %and3A_265 = arith.andi %get3A_259, %and3A_264 : vector<16xi32>
        %mul3A_266 = arith.constant 32 : i32
        %mul3A_267 = vector.broadcast %mul3A_266 : i32 to vector<16xi32>
        %mul3A_268 = arith.muli %shift_right_arithmetic3A_262, %mul3A_267 : vector<16xi32>
        %add3A_269 = arith.addi %mul3A_268, %and3A_257 : vector<16xi32>
        %gather3A = tpu.vector_load_idx %arg21[%add3A_269] : memref<256xf32, #tpu.memory_space<vmem>>[vector<16xi32>], vector<16xf32>,
        %eq3A = arith.constant 0 : i32
        %eq3A_270 = vector.broadcast %eq3A : i32 to vector<16xi32>
        %eq3A_271 = arith.cmpi eq, %and3A_257, %eq3A_270 : vector<16xi32>
        %select_n3A = arith.select %eq3A_271, %broadcast_in_dim3A_3, %gather3A : vector<16xi1>, vector<16xf32>
        %mul3A_272 = arith.constant 16 : i32
        %mul3A_273 = vector.broadcast %mul3A_272 : i32 to vector<16xi32>
        %mul3A_274 = arith.muli %shift_right_arithmetic3A_262, %mul3A_273 : vector<16xi32>
        %add3A_275 = arith.addi %mul3A_274, %and3A_251 : vector<16xi32>
        %gather3A_276 = tpu.vector_load_idx %arg22[%add3A_275] : memref<128xf32, #tpu.memory_space<vmem>>[vector<16xi32>], vector<16xf32>,
        %eq3A_277 = arith.constant 0 : i32
        %eq3A_278 = vector.broadcast %eq3A_277 : i32 to vector<16xi32>
        %eq3A_279 = arith.cmpi eq, %and3A_251, %eq3A_278 : vector<16xi32>
        %select_n3A_280 = arith.select %eq3A_279, %broadcast_in_dim3A_3, %gather3A_276 : vector<16xi1>, vector<16xf32>
        %ge3A_281 = arith.constant 5.000000e+00 : f32
        %ge3A_282 = vector.broadcast %ge3A_281 : f32 to vector<16xf32>
        %ge3A_283 = arith.cmpf oge, %select_n3A_280, %ge3A_282 : vector<16xf32>
        %select_n3A_284 = arith.select %ge3A_283, %broadcast_in_dim3A_1, %broadcast_in_dim3A_3 : vector<16xi1>, vector<16xf32>
        %add3A_285 = arith.addi %mul3A_268, %and3A_257 : vector<16xi32>
        %sub3A = arith.constant 1 : i32
        %sub3A_286 = vector.broadcast %sub3A : i32 to vector<16xi32>
        %sub3A_287 = arith.subi %add3A_285, %sub3A_286 : vector<16xi32>
        %max3A = arith.constant 0 : i32
        %max3A_288 = vector.broadcast %max3A : i32 to vector<16xi32>
        %max3A_289 = arith.maxsi %sub3A_287, %max3A_288 : vector<16xi32>
        %gather3A_290 = tpu.vector_load_idx %arg21[%max3A_289] : memref<256xf32, #tpu.memory_space<vmem>>[vector<16xi32>], vector<16xf32>,
        %eq3A_291 = arith.constant 0 : i32
        %eq3A_292 = vector.broadcast %eq3A_291 : i32 to vector<16xi32>
        %eq3A_293 = arith.cmpi eq, %and3A_257, %eq3A_292 : vector<16xi32>
        %select_n3A_294 = arith.select %eq3A_293, %broadcast_in_dim3A_3, %gather3A_290 : vector<16xi1>, vector<16xf32>
        %add3A_295 = arith.addi %mul3A_268, %and3A_257 : vector<16xi32>
        %add3A_296 = arith.constant 1 : i32
        %add3A_297 = vector.broadcast %add3A_296 : i32 to vector<16xi32>
        %add3A_298 = arith.addi %add3A_295, %add3A_297 : vector<16xi32>
        %gather3A_299 = tpu.vector_load_idx %arg21[%add3A_298] : memref<256xf32, #tpu.memory_space<vmem>>[vector<16xi32>], vector<16xf32>,
        %gather3A_300 = tpu.vector_load_idx %arg18[%and3A_257] : memref<16xf32, #tpu.memory_space<vmem>>[vector<16xi32>], vector<16xf32>,
        %gather3A_301 = tpu.vector_load_idx %arg19[%and3A_257] : memref<16xf32, #tpu.memory_space<vmem>>[vector<16xi32>], vector<16xf32>,
        %eq3A_302 = arith.constant 0 : i32
        %eq3A_303 = vector.broadcast %eq3A_302 : i32 to vector<16xi32>
        %eq3A_304 = arith.cmpi eq, %and3A_222, %eq3A_303 : vector<16xi32>
        %eq3A_305 = arith.constant 0 : i32
        %eq3A_306 = vector.broadcast %eq3A_305 : i32 to vector<16xi32>
        %eq3A_307 = arith.cmpi eq, %and3A_257, %eq3A_306 : vector<16xi32>
        %and3A_308 = arith.andi %eq3A_304, %eq3A_307 : vector<16xi1>
        %convert_element_type3A_309 = arith.extui %and3A_308 : vector<16xi1> to vector<16xi32>
        %swap3A_310 = arith.index_cast %mul3A_219 : i32 to index
        %swap3A_311 = tpu.vector_load %arg15[%swap3A_310] {strides = array<i32>} : memref<400xi32, #tpu.memory_space<vmem>>, vector<16xi32>,
        tpu.vector_store %arg15[%swap3A_310], %convert_element_type3A_309 {strides = array<i32>} : memref<400xi32, #tpu.memory_space<vmem>>, vector<16xi32>,
        %mul3A_312 = arith.constant 45 : i32
        %mul3A_313 = vector.broadcast %mul3A_312 : i32 to vector<16xi32>
        %mul3A_314 = arith.muli %and3A_222, %mul3A_313 : vector<16xi32>
        %sub3A_315 = arith.subi %iota3A, %iota3A : vector<16xi32>
        %add3A_316 = arith.constant 1 : i32
        %add3A_317 = vector.broadcast %add3A_316 : i32 to vector<16xi32>
        %add3A_318 = arith.addi %sub3A_315, %add3A_317 : vector<16xi32>
        %gather3A_319 = tpu.vector_load_idx %arg16[%mul3A_314] : memref<7200xf32, #tpu.memory_space<vmem>>[vector<16xi32>], vector<16xf32>,
        %add3A_320 = arith.addi %and3A_265, %sub3A_315 : vector<16xi32>
        tpu.vector_store_idx %arg13[%add3A_320], %gather3A_319 : memref<32768xf32, #tpu.memory_space<vmem>>[vector<16xi32>], vector<16xf32>,
        %add3A_321 = arith.constant 1 : i32
        %add3A_322 = vector.broadcast %add3A_321 : i32 to vector<16xi32>
        %add3A_323 = arith.addi %mul3A_314, %add3A_322 : vector<16xi32>
        %add3A_324 = arith.addi %sub3A_315, %add3A_318 : vector<16xi32>
        %gather3A_325 = tpu.vector_load_idx %arg16[%add3A_323] : memref<7200xf32, #tpu.memory_space<vmem>>[vector<16xi32>], vector<16xf32>,
        %add3A_326 = arith.addi %and3A_265, %add3A_324 : vector<16xi32>
        tpu.vector_store_idx %arg13[%add3A_326], %gather3A_325 : memref<32768xf32, #tpu.memory_space<vmem>>[vector<16xi32>], vector<16xf32>,
        %add3A_327 = arith.constant 1 : i32
        %add3A_328 = vector.broadcast %add3A_327 : i32 to vector<16xi32>
        %add3A_329 = arith.addi %add3A_323, %add3A_328 : vector<16xi32>
        %add3A_330 = arith.addi %add3A_324, %add3A_318 : vector<16xi32>
        %gather3A_331 = tpu.vector_load_idx %arg16[%add3A_329] : memref<7200xf32, #tpu.memory_space<vmem>>[vector<16xi32>], vector<16xf32>,
        %add3A_332 = arith.addi %and3A_265, %add3A_330 : vector<16xi32>
        tpu.vector_store_idx %arg13[%add3A_332], %gather3A_331 : memref<32768xf32, #tpu.memory_space<vmem>>[vector<16xi32>], vector<16xf32>,
        %add3A_333 = arith.constant 1 : i32
        %add3A_334 = vector.broadcast %add3A_333 : i32 to vector<16xi32>
        %add3A_335 = arith.addi %add3A_329, %add3A_334 : vector<16xi32>
        %add3A_336 = arith.addi %add3A_330, %add3A_318 : vector<16xi32>
        %gather3A_337 = tpu.vector_load_idx %arg16[%add3A_335] : memref<7200xf32, #tpu.memory_space<vmem>>[vector<16xi32>], vector<16xf32>,
        %add3A_338 = arith.addi %and3A_265, %add3A_336 : vector<16xi32>
        tpu.vector_store_idx %arg13[%add3A_338], %gather3A_337 : memref<32768xf32, #tpu.memory_space<vmem>>[vector<16xi32>], vector<16xf32>,
        %add3A_339 = arith.constant 1 : i32
        %add3A_340 = vector.broadcast %add3A_339 : i32 to vector<16xi32>
        %add3A_341 = arith.addi %add3A_335, %add3A_340 : vector<16xi32>
        %add3A_342 = arith.addi %add3A_336, %add3A_318 : vector<16xi32>
        %gather3A_343 = tpu.vector_load_idx %arg16[%add3A_341] : memref<7200xf32, #tpu.memory_space<vmem>>[vector<16xi32>], vector<16xf32>,
        %add3A_344 = arith.addi %and3A_265, %add3A_342 : vector<16xi32>
        tpu.vector_store_idx %arg13[%add3A_344], %gather3A_343 : memref<32768xf32, #tpu.memory_space<vmem>>[vector<16xi32>], vector<16xf32>,
        %add3A_345 = arith.constant 1 : i32
        %add3A_346 = vector.broadcast %add3A_345 : i32 to vector<16xi32>
        %add3A_347 = arith.addi %add3A_341, %add3A_346 : vector<16xi32>
        %add3A_348 = arith.addi %add3A_342, %add3A_318 : vector<16xi32>
        %gather3A_349 = tpu.vector_load_idx %arg16[%add3A_347] : memref<7200xf32, #tpu.memory_space<vmem>>[vector<16xi32>], vector<16xf32>,
        %add3A_350 = arith.addi %and3A_265, %add3A_348 : vector<16xi32>
        tpu.vector_store_idx %arg13[%add3A_350], %gather3A_349 : memref<32768xf32, #tpu.memory_space<vmem>>[vector<16xi32>], vector<16xf32>,
        %add3A_351 = arith.constant 1 : i32
        %add3A_352 = vector.broadcast %add3A_351 : i32 to vector<16xi32>
        %add3A_353 = arith.addi %add3A_347, %add3A_352 : vector<16xi32>
        %add3A_354 = arith.addi %add3A_348, %add3A_318 : vector<16xi32>
        %gather3A_355 = tpu.vector_load_idx %arg16[%add3A_353] : memref<7200xf32, #tpu.memory_space<vmem>>[vector<16xi32>], vector<16xf32>,
        %add3A_356 = arith.addi %and3A_265, %add3A_354 : vector<16xi32>
        tpu.vector_store_idx %arg13[%add3A_356], %gather3A_355 : memref<32768xf32, #tpu.memory_space<vmem>>[vector<16xi32>], vector<16xf32>,
        %add3A_357 = arith.constant 1 : i32
        %add3A_358 = vector.broadcast %add3A_357 : i32 to vector<16xi32>
        %add3A_359 = arith.addi %add3A_353, %add3A_358 : vector<16xi32>
        %add3A_360 = arith.addi %add3A_354, %add3A_318 : vector<16xi32>
        %gather3A_361 = tpu.vector_load_idx %arg16[%add3A_359] : memref<7200xf32, #tpu.memory_space<vmem>>[vector<16xi32>], vector<16xf32>,
        %add3A_362 = arith.addi %and3A_265, %add3A_360 : vector<16xi32>
        tpu.vector_store_idx %arg13[%add3A_362], %gather3A_361 : memref<32768xf32, #tpu.memory_space<vmem>>[vector<16xi32>], vector<16xf32>,
        %add3A_363 = arith.constant 1 : i32
        %add3A_364 = vector.broadcast %add3A_363 : i32 to vector<16xi32>
        %add3A_365 = arith.addi %add3A_359, %add3A_364 : vector<16xi32>
        %add3A_366 = arith.addi %add3A_360, %add3A_318 : vector<16xi32>
        %gather3A_367 = tpu.vector_load_idx %arg16[%add3A_365] : memref<7200xf32, #tpu.memory_space<vmem>>[vector<16xi32>], vector<16xf32>,
        %add3A_368 = arith.addi %and3A_265, %add3A_366 : vector<16xi32>
        tpu.vector_store_idx %arg13[%add3A_368], %gather3A_367 : memref<32768xf32, #tpu.memory_space<vmem>>[vector<16xi32>], vector<16xf32>,
        %add3A_369 = arith.constant 1 : i32
        %add3A_370 = vector.broadcast %add3A_369 : i32 to vector<16xi32>
        %add3A_371 = arith.addi %add3A_365, %add3A_370 : vector<16xi32>
        %add3A_372 = arith.addi %add3A_366, %add3A_318 : vector<16xi32>
        %gather3A_373 = tpu.vector_load_idx %arg16[%add3A_371] : memref<7200xf32, #tpu.memory_space<vmem>>[vector<16xi32>], vector<16xf32>,
        %add3A_374 = arith.addi %and3A_265, %add3A_372 : vector<16xi32>
        tpu.vector_store_idx %arg13[%add3A_374], %gather3A_373 : memref<32768xf32, #tpu.memory_space<vmem>>[vector<16xi32>], vector<16xf32>,
        %add3A_375 = arith.constant 1 : i32
        %add3A_376 = vector.broadcast %add3A_375 : i32 to vector<16xi32>
        %add3A_377 = arith.addi %add3A_371, %add3A_376 : vector<16xi32>
        %add3A_378 = arith.addi %add3A_372, %add3A_318 : vector<16xi32>
        %gather3A_379 = tpu.vector_load_idx %arg16[%add3A_377] : memref<7200xf32, #tpu.memory_space<vmem>>[vector<16xi32>], vector<16xf32>,
        %add3A_380 = arith.addi %and3A_265, %add3A_378 : vector<16xi32>
        tpu.vector_store_idx %arg13[%add3A_380], %gather3A_379 : memref<32768xf32, #tpu.memory_space<vmem>>[vector<16xi32>], vector<16xf32>,
        %add3A_381 = arith.constant 1 : i32
        %add3A_382 = vector.broadcast %add3A_381 : i32 to vector<16xi32>
        %add3A_383 = arith.addi %add3A_377, %add3A_382 : vector<16xi32>
        %add3A_384 = arith.addi %add3A_378, %add3A_318 : vector<16xi32>
        %gather3A_385 = tpu.vector_load_idx %arg16[%add3A_383] : memref<7200xf32, #tpu.memory_space<vmem>>[vector<16xi32>], vector<16xf32>,
        %add3A_386 = arith.addi %and3A_265, %add3A_384 : vector<16xi32>
        tpu.vector_store_idx %arg13[%add3A_386], %gather3A_385 : memref<32768xf32, #tpu.memory_space<vmem>>[vector<16xi32>], vector<16xf32>,
        %add3A_387 = arith.constant 1 : i32
        %add3A_388 = vector.broadcast %add3A_387 : i32 to vector<16xi32>
        %add3A_389 = arith.addi %add3A_383, %add3A_388 : vector<16xi32>
        %add3A_390 = arith.addi %add3A_384, %add3A_318 : vector<16xi32>
        %gather3A_391 = tpu.vector_load_idx %arg16[%add3A_389] : memref<7200xf32, #tpu.memory_space<vmem>>[vector<16xi32>], vector<16xf32>,
        %add3A_392 = arith.addi %and3A_265, %add3A_390 : vector<16xi32>
        tpu.vector_store_idx %arg13[%add3A_392], %gather3A_391 : memref<32768xf32, #tpu.memory_space<vmem>>[vector<16xi32>], vector<16xf32>,
        %add3A_393 = arith.constant 1 : i32
        %add3A_394 = vector.broadcast %add3A_393 : i32 to vector<16xi32>
        %add3A_395 = arith.addi %add3A_389, %add3A_394 : vector<16xi32>
        %add3A_396 = arith.addi %add3A_390, %add3A_318 : vector<16xi32>
        %gather3A_397 = tpu.vector_load_idx %arg16[%add3A_395] : memref<7200xf32, #tpu.memory_space<vmem>>[vector<16xi32>], vector<16xf32>,
        %add3A_398 = arith.addi %and3A_265, %add3A_396 : vector<16xi32>
        tpu.vector_store_idx %arg13[%add3A_398], %gather3A_397 : memref<32768xf32, #tpu.memory_space<vmem>>[vector<16xi32>], vector<16xf32>,
        %add3A_399 = arith.constant 1 : i32
        %add3A_400 = vector.broadcast %add3A_399 : i32 to vector<16xi32>
        %add3A_401 = arith.addi %add3A_395, %add3A_400 : vector<16xi32>
        %add3A_402 = arith.addi %add3A_396, %add3A_318 : vector<16xi32>
        %gather3A_403 = tpu.vector_load_idx %arg16[%add3A_401] : memref<7200xf32, #tpu.memory_space<vmem>>[vector<16xi32>], vector<16xf32>,
        %add3A_404 = arith.addi %and3A_265, %add3A_402 : vector<16xi32>
        tpu.vector_store_idx %arg13[%add3A_404], %gather3A_403 : memref<32768xf32, #tpu.memory_space<vmem>>[vector<16xi32>], vector<16xf32>,
        %add3A_405 = arith.constant 1 : i32
        %add3A_406 = vector.broadcast %add3A_405 : i32 to vector<16xi32>
        %add3A_407 = arith.addi %add3A_401, %add3A_406 : vector<16xi32>
        %add3A_408 = arith.addi %add3A_402, %add3A_318 : vector<16xi32>
        %gather3A_409 = tpu.vector_load_idx %arg16[%add3A_407] : memref<7200xf32, #tpu.memory_space<vmem>>[vector<16xi32>], vector<16xf32>,
        %add3A_410 = arith.addi %and3A_265, %add3A_408 : vector<16xi32>
        tpu.vector_store_idx %arg13[%add3A_410], %gather3A_409 : memref<32768xf32, #tpu.memory_space<vmem>>[vector<16xi32>], vector<16xf32>,
        %add3A_411 = arith.constant 1 : i32
        %add3A_412 = vector.broadcast %add3A_411 : i32 to vector<16xi32>
        %add3A_413 = arith.addi %add3A_407, %add3A_412 : vector<16xi32>
        %add3A_414 = arith.addi %add3A_408, %add3A_318 : vector<16xi32>
        %gather3A_415 = tpu.vector_load_idx %arg16[%add3A_413] : memref<7200xf32, #tpu.memory_space<vmem>>[vector<16xi32>], vector<16xf32>,
        %add3A_416 = arith.addi %and3A_265, %add3A_414 : vector<16xi32>
        tpu.vector_store_idx %arg13[%add3A_416], %gather3A_415 : memref<32768xf32, #tpu.memory_space<vmem>>[vector<16xi32>], vector<16xf32>,
        %add3A_417 = arith.constant 1 : i32
        %add3A_418 = vector.broadcast %add3A_417 : i32 to vector<16xi32>
        %add3A_419 = arith.addi %add3A_413, %add3A_418 : vector<16xi32>
        %add3A_420 = arith.addi %add3A_414, %add3A_318 : vector<16xi32>
        %gather3A_421 = tpu.vector_load_idx %arg16[%add3A_419] : memref<7200xf32, #tpu.memory_space<vmem>>[vector<16xi32>], vector<16xf32>,
        %add3A_422 = arith.addi %and3A_265, %add3A_420 : vector<16xi32>
        tpu.vector_store_idx %arg13[%add3A_422], %gather3A_421 : memref<32768xf32, #tpu.memory_space<vmem>>[vector<16xi32>], vector<16xf32>,
        %add3A_423 = arith.constant 1 : i32
        %add3A_424 = vector.broadcast %add3A_423 : i32 to vector<16xi32>
        %add3A_425 = arith.addi %add3A_419, %add3A_424 : vector<16xi32>
        %add3A_426 = arith.addi %add3A_420, %add3A_318 : vector<16xi32>
        %gather3A_427 = tpu.vector_load_idx %arg16[%add3A_425] : memref<7200xf32, #tpu.memory_space<vmem>>[vector<16xi32>], vector<16xf32>,
        %add3A_428 = arith.addi %and3A_265, %add3A_426 : vector<16xi32>
        tpu.vector_store_idx %arg13[%add3A_428], %gather3A_427 : memref<32768xf32, #tpu.memory_space<vmem>>[vector<16xi32>], vector<16xf32>,
        %add3A_429 = arith.constant 1 : i32
        %add3A_430 = vector.broadcast %add3A_429 : i32 to vector<16xi32>
        %add3A_431 = arith.addi %add3A_425, %add3A_430 : vector<16xi32>
        %add3A_432 = arith.addi %add3A_426, %add3A_318 : vector<16xi32>
        %gather3A_433 = tpu.vector_load_idx %arg16[%add3A_431] : memref<7200xf32, #tpu.memory_space<vmem>>[vector<16xi32>], vector<16xf32>,
        %add3A_434 = arith.addi %and3A_265, %add3A_432 : vector<16xi32>
        tpu.vector_store_idx %arg13[%add3A_434], %gather3A_433 : memref<32768xf32, #tpu.memory_space<vmem>>[vector<16xi32>], vector<16xf32>,
        %add3A_435 = arith.constant 1 : i32
        %add3A_436 = vector.broadcast %add3A_435 : i32 to vector<16xi32>
        %add3A_437 = arith.addi %add3A_431, %add3A_436 : vector<16xi32>
        %add3A_438 = arith.addi %add3A_432, %add3A_318 : vector<16xi32>
        %gather3A_439 = tpu.vector_load_idx %arg16[%add3A_437] : memref<7200xf32, #tpu.memory_space<vmem>>[vector<16xi32>], vector<16xf32>,
        %add3A_440 = arith.addi %and3A_265, %add3A_438 : vector<16xi32>
        tpu.vector_store_idx %arg13[%add3A_440], %gather3A_439 : memref<32768xf32, #tpu.memory_space<vmem>>[vector<16xi32>], vector<16xf32>,
        %add3A_441 = arith.constant 1 : i32
        %add3A_442 = vector.broadcast %add3A_441 : i32 to vector<16xi32>
        %add3A_443 = arith.addi %add3A_437, %add3A_442 : vector<16xi32>
        %add3A_444 = arith.addi %add3A_438, %add3A_318 : vector<16xi32>
        %gather3A_445 = tpu.vector_load_idx %arg16[%add3A_443] : memref<7200xf32, #tpu.memory_space<vmem>>[vector<16xi32>], vector<16xf32>,
        %add3A_446 = arith.addi %and3A_265, %add3A_444 : vector<16xi32>
        tpu.vector_store_idx %arg13[%add3A_446], %gather3A_445 : memref<32768xf32, #tpu.memory_space<vmem>>[vector<16xi32>], vector<16xf32>,
        %add3A_447 = arith.constant 1 : i32
        %add3A_448 = vector.broadcast %add3A_447 : i32 to vector<16xi32>
        %add3A_449 = arith.addi %add3A_443, %add3A_448 : vector<16xi32>
        %add3A_450 = arith.addi %add3A_444, %add3A_318 : vector<16xi32>
        %gather3A_451 = tpu.vector_load_idx %arg16[%add3A_449] : memref<7200xf32, #tpu.memory_space<vmem>>[vector<16xi32>], vector<16xf32>,
        %add3A_452 = arith.addi %and3A_265, %add3A_450 : vector<16xi32>
        tpu.vector_store_idx %arg13[%add3A_452], %gather3A_451 : memref<32768xf32, #tpu.memory_space<vmem>>[vector<16xi32>], vector<16xf32>,
        %add3A_453 = arith.constant 1 : i32
        %add3A_454 = vector.broadcast %add3A_453 : i32 to vector<16xi32>
        %add3A_455 = arith.addi %add3A_449, %add3A_454 : vector<16xi32>
        %add3A_456 = arith.addi %add3A_450, %add3A_318 : vector<16xi32>
        %gather3A_457 = tpu.vector_load_idx %arg16[%add3A_455] : memref<7200xf32, #tpu.memory_space<vmem>>[vector<16xi32>], vector<16xf32>,
        %add3A_458 = arith.addi %and3A_265, %add3A_456 : vector<16xi32>
        tpu.vector_store_idx %arg13[%add3A_458], %gather3A_457 : memref<32768xf32, #tpu.memory_space<vmem>>[vector<16xi32>], vector<16xf32>,
        %add3A_459 = arith.constant 1 : i32
        %add3A_460 = vector.broadcast %add3A_459 : i32 to vector<16xi32>
        %add3A_461 = arith.addi %add3A_455, %add3A_460 : vector<16xi32>
        %add3A_462 = arith.addi %add3A_456, %add3A_318 : vector<16xi32>
        %gather3A_463 = tpu.vector_load_idx %arg16[%add3A_461] : memref<7200xf32, #tpu.memory_space<vmem>>[vector<16xi32>], vector<16xf32>,
        %add3A_464 = arith.addi %and3A_265, %add3A_462 : vector<16xi32>
        tpu.vector_store_idx %arg13[%add3A_464], %gather3A_463 : memref<32768xf32, #tpu.memory_space<vmem>>[vector<16xi32>], vector<16xf32>,
        %add3A_465 = arith.constant 1 : i32
        %add3A_466 = vector.broadcast %add3A_465 : i32 to vector<16xi32>
        %add3A_467 = arith.addi %add3A_461, %add3A_466 : vector<16xi32>
        %add3A_468 = arith.addi %add3A_462, %add3A_318 : vector<16xi32>
        %gather3A_469 = tpu.vector_load_idx %arg16[%add3A_467] : memref<7200xf32, #tpu.memory_space<vmem>>[vector<16xi32>], vector<16xf32>,
        %add3A_470 = arith.addi %and3A_265, %add3A_468 : vector<16xi32>
        tpu.vector_store_idx %arg13[%add3A_470], %gather3A_469 : memref<32768xf32, #tpu.memory_space<vmem>>[vector<16xi32>], vector<16xf32>,
        %add3A_471 = arith.constant 1 : i32
        %add3A_472 = vector.broadcast %add3A_471 : i32 to vector<16xi32>
        %add3A_473 = arith.addi %add3A_467, %add3A_472 : vector<16xi32>
        %add3A_474 = arith.addi %add3A_468, %add3A_318 : vector<16xi32>
        %gather3A_475 = tpu.vector_load_idx %arg16[%add3A_473] : memref<7200xf32, #tpu.memory_space<vmem>>[vector<16xi32>], vector<16xf32>,
        %add3A_476 = arith.addi %and3A_265, %add3A_474 : vector<16xi32>
        tpu.vector_store_idx %arg13[%add3A_476], %gather3A_475 : memref<32768xf32, #tpu.memory_space<vmem>>[vector<16xi32>], vector<16xf32>,
        %add3A_477 = arith.constant 1 : i32
        %add3A_478 = vector.broadcast %add3A_477 : i32 to vector<16xi32>
        %add3A_479 = arith.addi %add3A_473, %add3A_478 : vector<16xi32>
        %add3A_480 = arith.addi %add3A_474, %add3A_318 : vector<16xi32>
        %gather3A_481 = tpu.vector_load_idx %arg16[%add3A_479] : memref<7200xf32, #tpu.memory_space<vmem>>[vector<16xi32>], vector<16xf32>,
        %add3A_482 = arith.addi %and3A_265, %add3A_480 : vector<16xi32>
        tpu.vector_store_idx %arg13[%add3A_482], %gather3A_481 : memref<32768xf32, #tpu.memory_space<vmem>>[vector<16xi32>], vector<16xf32>,
        %add3A_483 = arith.constant 1 : i32
        %add3A_484 = vector.broadcast %add3A_483 : i32 to vector<16xi32>
        %add3A_485 = arith.addi %add3A_479, %add3A_484 : vector<16xi32>
        %add3A_486 = arith.addi %add3A_480, %add3A_318 : vector<16xi32>
        %gather3A_487 = tpu.vector_load_idx %arg16[%add3A_485] : memref<7200xf32, #tpu.memory_space<vmem>>[vector<16xi32>], vector<16xf32>,
        %add3A_488 = arith.addi %and3A_265, %add3A_486 : vector<16xi32>
        tpu.vector_store_idx %arg13[%add3A_488], %gather3A_487 : memref<32768xf32, #tpu.memory_space<vmem>>[vector<16xi32>], vector<16xf32>,
        %add3A_489 = arith.constant 1 : i32
        %add3A_490 = vector.broadcast %add3A_489 : i32 to vector<16xi32>
        %add3A_491 = arith.addi %add3A_485, %add3A_490 : vector<16xi32>
        %add3A_492 = arith.addi %add3A_486, %add3A_318 : vector<16xi32>
        %gather3A_493 = tpu.vector_load_idx %arg16[%add3A_491] : memref<7200xf32, #tpu.memory_space<vmem>>[vector<16xi32>], vector<16xf32>,
        %add3A_494 = arith.addi %and3A_265, %add3A_492 : vector<16xi32>
        tpu.vector_store_idx %arg13[%add3A_494], %gather3A_493 : memref<32768xf32, #tpu.memory_space<vmem>>[vector<16xi32>], vector<16xf32>,
        %add3A_495 = arith.constant 1 : i32
        %add3A_496 = vector.broadcast %add3A_495 : i32 to vector<16xi32>
        %add3A_497 = arith.addi %add3A_491, %add3A_496 : vector<16xi32>
        %add3A_498 = arith.addi %add3A_492, %add3A_318 : vector<16xi32>
        %gather3A_499 = tpu.vector_load_idx %arg16[%add3A_497] : memref<7200xf32, #tpu.memory_space<vmem>>[vector<16xi32>], vector<16xf32>,
        %add3A_500 = arith.addi %and3A_265, %add3A_498 : vector<16xi32>
        tpu.vector_store_idx %arg13[%add3A_500], %gather3A_499 : memref<32768xf32, #tpu.memory_space<vmem>>[vector<16xi32>], vector<16xf32>,
        %add3A_501 = arith.constant 1 : i32
        %add3A_502 = vector.broadcast %add3A_501 : i32 to vector<16xi32>
        %add3A_503 = arith.addi %add3A_497, %add3A_502 : vector<16xi32>
        %add3A_504 = arith.addi %add3A_498, %add3A_318 : vector<16xi32>
        %gather3A_505 = tpu.vector_load_idx %arg16[%add3A_503] : memref<7200xf32, #tpu.memory_space<vmem>>[vector<16xi32>], vector<16xf32>,
        %add3A_506 = arith.addi %and3A_265, %add3A_504 : vector<16xi32>
        tpu.vector_store_idx %arg13[%add3A_506], %gather3A_505 : memref<32768xf32, #tpu.memory_space<vmem>>[vector<16xi32>], vector<16xf32>,
        %add3A_507 = arith.constant 1 : i32
        %add3A_508 = vector.broadcast %add3A_507 : i32 to vector<16xi32>
        %add3A_509 = arith.addi %add3A_503, %add3A_508 : vector<16xi32>
        %add3A_510 = arith.addi %add3A_504, %add3A_318 : vector<16xi32>
        %gather3A_511 = tpu.vector_load_idx %arg16[%add3A_509] : memref<7200xf32, #tpu.memory_space<vmem>>[vector<16xi32>], vector<16xf32>,
        %add3A_512 = arith.addi %and3A_265, %add3A_510 : vector<16xi32>
        tpu.vector_store_idx %arg13[%add3A_512], %gather3A_511 : memref<32768xf32, #tpu.memory_space<vmem>>[vector<16xi32>], vector<16xf32>,
        %add3A_513 = arith.constant 1 : i32
        %add3A_514 = vector.broadcast %add3A_513 : i32 to vector<16xi32>
        %add3A_515 = arith.addi %add3A_509, %add3A_514 : vector<16xi32>
        %add3A_516 = arith.addi %add3A_510, %add3A_318 : vector<16xi32>
        %gather3A_517 = tpu.vector_load_idx %arg16[%add3A_515] : memref<7200xf32, #tpu.memory_space<vmem>>[vector<16xi32>], vector<16xf32>,
        %add3A_518 = arith.addi %and3A_265, %add3A_516 : vector<16xi32>
        tpu.vector_store_idx %arg13[%add3A_518], %gather3A_517 : memref<32768xf32, #tpu.memory_space<vmem>>[vector<16xi32>], vector<16xf32>,
        %add3A_519 = arith.constant 1 : i32
        %add3A_520 = vector.broadcast %add3A_519 : i32 to vector<16xi32>
        %add3A_521 = arith.addi %add3A_515, %add3A_520 : vector<16xi32>
        %add3A_522 = arith.addi %add3A_516, %add3A_318 : vector<16xi32>
        %gather3A_523 = tpu.vector_load_idx %arg16[%add3A_521] : memref<7200xf32, #tpu.memory_space<vmem>>[vector<16xi32>], vector<16xf32>,
        %add3A_524 = arith.addi %and3A_265, %add3A_522 : vector<16xi32>
        tpu.vector_store_idx %arg13[%add3A_524], %gather3A_523 : memref<32768xf32, #tpu.memory_space<vmem>>[vector<16xi32>], vector<16xf32>,
        %add3A_525 = arith.constant 1 : i32
        %add3A_526 = vector.broadcast %add3A_525 : i32 to vector<16xi32>
        %add3A_527 = arith.addi %add3A_521, %add3A_526 : vector<16xi32>
        %add3A_528 = arith.addi %add3A_522, %add3A_318 : vector<16xi32>
        %gather3A_529 = tpu.vector_load_idx %arg16[%add3A_527] : memref<7200xf32, #tpu.memory_space<vmem>>[vector<16xi32>], vector<16xf32>,
        %add3A_530 = arith.addi %and3A_265, %add3A_528 : vector<16xi32>
        tpu.vector_store_idx %arg13[%add3A_530], %gather3A_529 : memref<32768xf32, #tpu.memory_space<vmem>>[vector<16xi32>], vector<16xf32>,
        %add3A_531 = arith.constant 1 : i32
        %add3A_532 = vector.broadcast %add3A_531 : i32 to vector<16xi32>
        %add3A_533 = arith.addi %add3A_527, %add3A_532 : vector<16xi32>
        %add3A_534 = arith.addi %add3A_528, %add3A_318 : vector<16xi32>
        %gather3A_535 = tpu.vector_load_idx %arg16[%add3A_533] : memref<7200xf32, #tpu.memory_space<vmem>>[vector<16xi32>], vector<16xf32>,
        %add3A_536 = arith.addi %and3A_265, %add3A_534 : vector<16xi32>
        tpu.vector_store_idx %arg13[%add3A_536], %gather3A_535 : memref<32768xf32, #tpu.memory_space<vmem>>[vector<16xi32>], vector<16xf32>,
        %add3A_537 = arith.constant 1 : i32
        %add3A_538 = vector.broadcast %add3A_537 : i32 to vector<16xi32>
        %add3A_539 = arith.addi %add3A_533, %add3A_538 : vector<16xi32>
        %add3A_540 = arith.addi %add3A_534, %add3A_318 : vector<16xi32>
        %gather3A_541 = tpu.vector_load_idx %arg16[%add3A_539] : memref<7200xf32, #tpu.memory_space<vmem>>[vector<16xi32>], vector<16xf32>,
        %add3A_542 = arith.addf %gather3A_541, %gather3A_300 : vector<16xf32>
        %add3A_543 = arith.addi %and3A_265, %add3A_540 : vector<16xi32>
        tpu.vector_store_idx %arg13[%add3A_543], %add3A_542 : memref<32768xf32, #tpu.memory_space<vmem>>[vector<16xi32>], vector<16xf32>,
        %add3A_544 = arith.constant 1 : i32
        %add3A_545 = vector.broadcast %add3A_544 : i32 to vector<16xi32>
        %add3A_546 = arith.addi %add3A_539, %add3A_545 : vector<16xi32>
        %add3A_547 = arith.addi %add3A_540, %add3A_318 : vector<16xi32>
        %gather3A_548 = tpu.vector_load_idx %arg16[%add3A_546] : memref<7200xf32, #tpu.memory_space<vmem>>[vector<16xi32>], vector<16xf32>,
        %add3A_549 = arith.addf %gather3A_548, %gather3A_301 : vector<16xf32>
        %add3A_550 = arith.addi %and3A_265, %add3A_547 : vector<16xi32>
        tpu.vector_store_idx %arg13[%add3A_550], %add3A_549 : memref<32768xf32, #tpu.memory_space<vmem>>[vector<16xi32>], vector<16xf32>,
        %add3A_551 = arith.constant 1 : i32
        %add3A_552 = vector.broadcast %add3A_551 : i32 to vector<16xi32>
        %add3A_553 = arith.addi %add3A_546, %add3A_552 : vector<16xi32>
        %add3A_554 = arith.addi %add3A_547, %add3A_318 : vector<16xi32>
        %gather3A_555 = tpu.vector_load_idx %arg16[%add3A_553] : memref<7200xf32, #tpu.memory_space<vmem>>[vector<16xi32>], vector<16xf32>,
        %add3A_556 = arith.addf %gather3A_555, %select_n3A_294 : vector<16xf32>
        %add3A_557 = arith.addi %and3A_265, %add3A_554 : vector<16xi32>
        tpu.vector_store_idx %arg13[%add3A_557], %add3A_556 : memref<32768xf32, #tpu.memory_space<vmem>>[vector<16xi32>], vector<16xf32>,
        %add3A_558 = arith.constant 1 : i32
        %add3A_559 = vector.broadcast %add3A_558 : i32 to vector<16xi32>
        %add3A_560 = arith.addi %add3A_553, %add3A_559 : vector<16xi32>
        %add3A_561 = arith.addi %add3A_554, %add3A_318 : vector<16xi32>
        %gather3A_562 = tpu.vector_load_idx %arg16[%add3A_560] : memref<7200xf32, #tpu.memory_space<vmem>>[vector<16xi32>], vector<16xf32>,
        %add3A_563 = arith.addf %gather3A_562, %gather3A_299 : vector<16xf32>
        %add3A_564 = arith.addi %and3A_265, %add3A_561 : vector<16xi32>
        tpu.vector_store_idx %arg13[%add3A_564], %add3A_563 : memref<32768xf32, #tpu.memory_space<vmem>>[vector<16xi32>], vector<16xf32>,
        %add3A_565 = arith.constant 1 : i32
        %add3A_566 = vector.broadcast %add3A_565 : i32 to vector<16xi32>
        %add3A_567 = arith.addi %add3A_560, %add3A_566 : vector<16xi32>
        %add3A_568 = arith.addi %add3A_561, %add3A_318 : vector<16xi32>
        %gather3A_569 = tpu.vector_load_idx %arg16[%add3A_567] : memref<7200xf32, #tpu.memory_space<vmem>>[vector<16xi32>], vector<16xf32>,
        %add3A_570 = arith.addf %gather3A_569, %select_n3A_284 : vector<16xf32>
        %add3A_571 = arith.addi %and3A_265, %add3A_568 : vector<16xi32>
        tpu.vector_store_idx %arg13[%add3A_571], %add3A_570 : memref<32768xf32, #tpu.memory_space<vmem>>[vector<16xi32>], vector<16xf32>,
        %add3A_572 = arith.constant 1 : i32
        %add3A_573 = vector.broadcast %add3A_572 : i32 to vector<16xi32>
        %add3A_574 = arith.addi %add3A_567, %add3A_573 : vector<16xi32>
        %add3A_575 = arith.addi %add3A_568, %add3A_318 : vector<16xi32>
        %gather3A_576 = tpu.vector_load_idx %arg16[%add3A_574] : memref<7200xf32, #tpu.memory_space<vmem>>[vector<16xi32>], vector<16xf32>,
        %add3A_577 = arith.addf %gather3A_576, %select_n3A_280 : vector<16xf32>
        %add3A_578 = arith.addi %and3A_265, %add3A_575 : vector<16xi32>
        tpu.vector_store_idx %arg13[%add3A_578], %add3A_577 : memref<32768xf32, #tpu.memory_space<vmem>>[vector<16xi32>], vector<16xf32>,
        %add3A_579 = arith.constant 1 : i32
        %add3A_580 = vector.broadcast %add3A_579 : i32 to vector<16xi32>
        %add3A_581 = arith.addi %add3A_574, %add3A_580 : vector<16xi32>
        %add3A_582 = arith.addi %add3A_575, %add3A_318 : vector<16xi32>
        %gather3A_583 = tpu.vector_load_idx %arg16[%add3A_581] : memref<7200xf32, #tpu.memory_space<vmem>>[vector<16xi32>], vector<16xf32>,
        %add3A_584 = arith.addf %gather3A_583, %select_n3A : vector<16xf32>
        %add3A_585 = arith.addi %and3A_265, %add3A_582 : vector<16xi32>
        tpu.vector_store_idx %arg13[%add3A_585], %add3A_584 : memref<32768xf32, #tpu.memory_space<vmem>>[vector<16xi32>], vector<16xf32>,
        %add3A_586 = arith.constant 1 : i32
        %add3A_587 = vector.broadcast %add3A_586 : i32 to vector<16xi32>
        %add3A_588 = arith.addi %add3A_581, %add3A_587 : vector<16xi32>
        %add3A_589 = arith.addi %add3A_582, %add3A_318 : vector<16xi32>
        %add3A_590 = arith.addi %and3A_265, %and3A_251 : vector<16xi32>
        tpu.vector_store_idx %arg13[%add3A_590], %broadcast_in_dim3A_1 {add = true} : memref<32768xf32, #tpu.memory_space<vmem>>[vector<16xi32>], vector<16xf32>,
        %add3A_591 = arith.constant 5 : i32
        %add3A_592 = vector.broadcast %add3A_591 : i32 to vector<16xi32>
        %add3A_593 = arith.addi %and3A_265, %add3A_592 : vector<16xi32>
        %add3A_594 = arith.addi %add3A_593, %and3A_257 : vector<16xi32>
        tpu.vector_store_idx %arg13[%add3A_594], %broadcast_in_dim3A_1 {add = true} : memref<32768xf32, #tpu.memory_space<vmem>>[vector<16xi32>], vector<16xf32>,
        %add3A_595 = arith.constant 4 : i32
        %add3A_596 = vector.broadcast %add3A_595 : i32 to vector<16xi32>
        %add3A_597 = arith.addi %add3A_589, %add3A_596 : vector<16xi32>
        %mul3A_598 = arith.constant 5 : i32
        %mul3A_599 = vector.broadcast %mul3A_598 : i32 to vector<16xi32>
        %mul3A_600 = arith.muli %and3A_245, %mul3A_599 : vector<16xi32>
        %add3A_601 = arith.constant 0 : i32
        %add3A_602 = vector.broadcast %add3A_601 : i32 to vector<16xi32>
        %add3A_603 = arith.addi %mul3A_600, %add3A_602 : vector<16xi32>
        %gather3A_604 = tpu.vector_load_idx %arg17[%add3A_603] : memref<320xf32, #tpu.memory_space<vmem>>[vector<16xi32>], vector<16xf32>,
        %add3A_605 = arith.addi %and3A_265, %add3A_597 : vector<16xi32>
        tpu.vector_store_idx %arg13[%add3A_605], %gather3A_604 : memref<32768xf32, #tpu.memory_space<vmem>>[vector<16xi32>], vector<16xf32>,
        %add3A_606 = arith.constant 1 : i32
        %add3A_607 = vector.broadcast %add3A_606 : i32 to vector<16xi32>
        %add3A_608 = arith.addi %add3A_603, %add3A_607 : vector<16xi32>
        %add3A_609 = arith.addi %add3A_597, %add3A_318 : vector<16xi32>
        %gather3A_610 = tpu.vector_load_idx %arg17[%add3A_608] : memref<320xf32, #tpu.memory_space<vmem>>[vector<16xi32>], vector<16xf32>,
        %add3A_611 = arith.addi %and3A_265, %add3A_609 : vector<16xi32>
        tpu.vector_store_idx %arg13[%add3A_611], %gather3A_610 : memref<32768xf32, #tpu.memory_space<vmem>>[vector<16xi32>], vector<16xf32>,
        %add3A_612 = arith.constant 1 : i32
        %add3A_613 = vector.broadcast %add3A_612 : i32 to vector<16xi32>
        %add3A_614 = arith.addi %add3A_608, %add3A_613 : vector<16xi32>
        %add3A_615 = arith.addi %add3A_609, %add3A_318 : vector<16xi32>
        %gather3A_616 = tpu.vector_load_idx %arg17[%add3A_614] : memref<320xf32, #tpu.memory_space<vmem>>[vector<16xi32>], vector<16xf32>,
        %add3A_617 = arith.addi %and3A_265, %add3A_615 : vector<16xi32>
        tpu.vector_store_idx %arg13[%add3A_617], %gather3A_616 : memref<32768xf32, #tpu.memory_space<vmem>>[vector<16xi32>], vector<16xf32>,
        %add3A_618 = arith.constant 1 : i32
        %add3A_619 = vector.broadcast %add3A_618 : i32 to vector<16xi32>
        %add3A_620 = arith.addi %add3A_614, %add3A_619 : vector<16xi32>
        %add3A_621 = arith.addi %add3A_615, %add3A_318 : vector<16xi32>
        %gather3A_622 = tpu.vector_load_idx %arg17[%add3A_620] : memref<320xf32, #tpu.memory_space<vmem>>[vector<16xi32>], vector<16xf32>,
        %add3A_623 = arith.addi %and3A_265, %add3A_621 : vector<16xi32>
        tpu.vector_store_idx %arg13[%add3A_623], %gather3A_622 : memref<32768xf32, #tpu.memory_space<vmem>>[vector<16xi32>], vector<16xf32>,
        %add3A_624 = arith.constant 1 : i32
        %add3A_625 = vector.broadcast %add3A_624 : i32 to vector<16xi32>
        %add3A_626 = arith.addi %add3A_620, %add3A_625 : vector<16xi32>
        %add3A_627 = arith.addi %add3A_621, %add3A_318 : vector<16xi32>
        %mul3A_628 = arith.constant 5 : i32
        %mul3A_629 = vector.broadcast %mul3A_628 : i32 to vector<16xi32>
        %mul3A_630 = arith.muli %and3A_227, %mul3A_629 : vector<16xi32>
        %add3A_631 = arith.constant 80 : i32
        %add3A_632 = vector.broadcast %add3A_631 : i32 to vector<16xi32>
        %add3A_633 = arith.addi %mul3A_630, %add3A_632 : vector<16xi32>
        %gather3A_634 = tpu.vector_load_idx %arg17[%add3A_633] : memref<320xf32, #tpu.memory_space<vmem>>[vector<16xi32>], vector<16xf32>,
        %add3A_635 = arith.addi %and3A_265, %add3A_627 : vector<16xi32>
        tpu.vector_store_idx %arg13[%add3A_635], %gather3A_634 : memref<32768xf32, #tpu.memory_space<vmem>>[vector<16xi32>], vector<16xf32>,
        %add3A_636 = arith.constant 1 : i32
        %add3A_637 = vector.broadcast %add3A_636 : i32 to vector<16xi32>
        %add3A_638 = arith.addi %add3A_633, %add3A_637 : vector<16xi32>
        %add3A_639 = arith.addi %add3A_627, %add3A_318 : vector<16xi32>
        %gather3A_640 = tpu.vector_load_idx %arg17[%add3A_638] : memref<320xf32, #tpu.memory_space<vmem>>[vector<16xi32>], vector<16xf32>,
        %add3A_641 = arith.addi %and3A_265, %add3A_639 : vector<16xi32>
        tpu.vector_store_idx %arg13[%add3A_641], %gather3A_640 : memref<32768xf32, #tpu.memory_space<vmem>>[vector<16xi32>], vector<16xf32>,
        %add3A_642 = arith.constant 1 : i32
        %add3A_643 = vector.broadcast %add3A_642 : i32 to vector<16xi32>
        %add3A_644 = arith.addi %add3A_638, %add3A_643 : vector<16xi32>
        %add3A_645 = arith.addi %add3A_639, %add3A_318 : vector<16xi32>
        %gather3A_646 = tpu.vector_load_idx %arg17[%add3A_644] : memref<320xf32, #tpu.memory_space<vmem>>[vector<16xi32>], vector<16xf32>,
        %add3A_647 = arith.addi %and3A_265, %add3A_645 : vector<16xi32>
        tpu.vector_store_idx %arg13[%add3A_647], %gather3A_646 : memref<32768xf32, #tpu.memory_space<vmem>>[vector<16xi32>], vector<16xf32>,
        %add3A_648 = arith.constant 1 : i32
        %add3A_649 = vector.broadcast %add3A_648 : i32 to vector<16xi32>
        %add3A_650 = arith.addi %add3A_644, %add3A_649 : vector<16xi32>
        %add3A_651 = arith.addi %add3A_645, %add3A_318 : vector<16xi32>
        %gather3A_652 = tpu.vector_load_idx %arg17[%add3A_650] : memref<320xf32, #tpu.memory_space<vmem>>[vector<16xi32>], vector<16xf32>,
        %add3A_653 = arith.addi %and3A_265, %add3A_651 : vector<16xi32>
        tpu.vector_store_idx %arg13[%add3A_653], %gather3A_652 : memref<32768xf32, #tpu.memory_space<vmem>>[vector<16xi32>], vector<16xf32>,
        %add3A_654 = arith.constant 1 : i32
        %add3A_655 = vector.broadcast %add3A_654 : i32 to vector<16xi32>
        %add3A_656 = arith.addi %add3A_650, %add3A_655 : vector<16xi32>
        %add3A_657 = arith.addi %add3A_651, %add3A_318 : vector<16xi32>
        %mul3A_658 = arith.constant 5 : i32
        %mul3A_659 = vector.broadcast %mul3A_658 : i32 to vector<16xi32>
        %mul3A_660 = arith.muli %and3A_233, %mul3A_659 : vector<16xi32>
        %add3A_661 = arith.constant 160 : i32
        %add3A_662 = vector.broadcast %add3A_661 : i32 to vector<16xi32>
        %add3A_663 = arith.addi %mul3A_660, %add3A_662 : vector<16xi32>
        %gather3A_664 = tpu.vector_load_idx %arg17[%add3A_663] : memref<320xf32, #tpu.memory_space<vmem>>[vector<16xi32>], vector<16xf32>,
        %add3A_665 = arith.addi %and3A_265, %add3A_657 : vector<16xi32>
        tpu.vector_store_idx %arg13[%add3A_665], %gather3A_664 : memref<32768xf32, #tpu.memory_space<vmem>>[vector<16xi32>], vector<16xf32>,
        %add3A_666 = arith.constant 1 : i32
        %add3A_667 = vector.broadcast %add3A_666 : i32 to vector<16xi32>
        %add3A_668 = arith.addi %add3A_663, %add3A_667 : vector<16xi32>
        %add3A_669 = arith.addi %add3A_657, %add3A_318 : vector<16xi32>
        %gather3A_670 = tpu.vector_load_idx %arg17[%add3A_668] : memref<320xf32, #tpu.memory_space<vmem>>[vector<16xi32>], vector<16xf32>,
        %add3A_671 = arith.addi %and3A_265, %add3A_669 : vector<16xi32>
        tpu.vector_store_idx %arg13[%add3A_671], %gather3A_670 : memref<32768xf32, #tpu.memory_space<vmem>>[vector<16xi32>], vector<16xf32>,
        %add3A_672 = arith.constant 1 : i32
        %add3A_673 = vector.broadcast %add3A_672 : i32 to vector<16xi32>
        %add3A_674 = arith.addi %add3A_668, %add3A_673 : vector<16xi32>
        %add3A_675 = arith.addi %add3A_669, %add3A_318 : vector<16xi32>
        %gather3A_676 = tpu.vector_load_idx %arg17[%add3A_674] : memref<320xf32, #tpu.memory_space<vmem>>[vector<16xi32>], vector<16xf32>,
        %add3A_677 = arith.addi %and3A_265, %add3A_675 : vector<16xi32>
        tpu.vector_store_idx %arg13[%add3A_677], %gather3A_676 : memref<32768xf32, #tpu.memory_space<vmem>>[vector<16xi32>], vector<16xf32>,
        %add3A_678 = arith.constant 1 : i32
        %add3A_679 = vector.broadcast %add3A_678 : i32 to vector<16xi32>
        %add3A_680 = arith.addi %add3A_674, %add3A_679 : vector<16xi32>
        %add3A_681 = arith.addi %add3A_675, %add3A_318 : vector<16xi32>
        %gather3A_682 = tpu.vector_load_idx %arg17[%add3A_680] : memref<320xf32, #tpu.memory_space<vmem>>[vector<16xi32>], vector<16xf32>,
        %add3A_683 = arith.addi %and3A_265, %add3A_681 : vector<16xi32>
        tpu.vector_store_idx %arg13[%add3A_683], %gather3A_682 : memref<32768xf32, #tpu.memory_space<vmem>>[vector<16xi32>], vector<16xf32>,
        %add3A_684 = arith.constant 1 : i32
        %add3A_685 = vector.broadcast %add3A_684 : i32 to vector<16xi32>
        %add3A_686 = arith.addi %add3A_680, %add3A_685 : vector<16xi32>
        %add3A_687 = arith.addi %add3A_681, %add3A_318 : vector<16xi32>
        %mul3A_688 = arith.constant 5 : i32
        %mul3A_689 = vector.broadcast %mul3A_688 : i32 to vector<16xi32>
        %mul3A_690 = arith.muli %and3A_239, %mul3A_689 : vector<16xi32>
        %add3A_691 = arith.constant 240 : i32
        %add3A_692 = vector.broadcast %add3A_691 : i32 to vector<16xi32>
        %add3A_693 = arith.addi %mul3A_690, %add3A_692 : vector<16xi32>
        %gather3A_694 = tpu.vector_load_idx %arg17[%add3A_693] : memref<320xf32, #tpu.memory_space<vmem>>[vector<16xi32>], vector<16xf32>,
        %add3A_695 = arith.addi %and3A_265, %add3A_687 : vector<16xi32>
        tpu.vector_store_idx %arg13[%add3A_695], %gather3A_694 : memref<32768xf32, #tpu.memory_space<vmem>>[vector<16xi32>], vector<16xf32>,
        %add3A_696 = arith.constant 1 : i32
        %add3A_697 = vector.broadcast %add3A_696 : i32 to vector<16xi32>
        %add3A_698 = arith.addi %add3A_693, %add3A_697 : vector<16xi32>
        %add3A_699 = arith.addi %add3A_687, %add3A_318 : vector<16xi32>
        %gather3A_700 = tpu.vector_load_idx %arg17[%add3A_698] : memref<320xf32, #tpu.memory_space<vmem>>[vector<16xi32>], vector<16xf32>,
        %add3A_701 = arith.addi %and3A_265, %add3A_699 : vector<16xi32>
        tpu.vector_store_idx %arg13[%add3A_701], %gather3A_700 : memref<32768xf32, #tpu.memory_space<vmem>>[vector<16xi32>], vector<16xf32>,
        %add3A_702 = arith.constant 1 : i32
        %add3A_703 = vector.broadcast %add3A_702 : i32 to vector<16xi32>
        %add3A_704 = arith.addi %add3A_698, %add3A_703 : vector<16xi32>
        %add3A_705 = arith.addi %add3A_699, %add3A_318 : vector<16xi32>
        %gather3A_706 = tpu.vector_load_idx %arg17[%add3A_704] : memref<320xf32, #tpu.memory_space<vmem>>[vector<16xi32>], vector<16xf32>,
        %add3A_707 = arith.addi %and3A_265, %add3A_705 : vector<16xi32>
        tpu.vector_store_idx %arg13[%add3A_707], %gather3A_706 : memref<32768xf32, #tpu.memory_space<vmem>>[vector<16xi32>], vector<16xf32>,
        %add3A_708 = arith.constant 1 : i32
        %add3A_709 = vector.broadcast %add3A_708 : i32 to vector<16xi32>
        %add3A_710 = arith.addi %add3A_704, %add3A_709 : vector<16xi32>
        %add3A_711 = arith.addi %add3A_705, %add3A_318 : vector<16xi32>
        %gather3A_712 = tpu.vector_load_idx %arg17[%add3A_710] : memref<320xf32, #tpu.memory_space<vmem>>[vector<16xi32>], vector<16xf32>,
        %add3A_713 = arith.addi %and3A_265, %add3A_711 : vector<16xi32>
        tpu.vector_store_idx %arg13[%add3A_713], %gather3A_712 : memref<32768xf32, #tpu.memory_space<vmem>>[vector<16xi32>], vector<16xf32>,
        %add3A_714 = arith.constant 1 : i32
        %add3A_715 = vector.broadcast %add3A_714 : i32 to vector<16xi32>
        %add3A_716 = arith.addi %add3A_710, %add3A_715 : vector<16xi32>
        %add3A_717 = arith.addi %add3A_711, %add3A_318 : vector<16xi32>
      }
      %scan3A_200 = arith.constant 25 : i32
      %add3A_201 = arith.constant 1 : i32
      %add3A_202 = arith.addi %mul3A_39, %add3A_201 : i32
      %mul3A_203 = arith.constant 64 : i32
      %mul3A_204 = arith.muli %add3A, %mul3A_203 : i32
      %add3A_205 = arith.addi %mul3A_204, %add3A_202 : i32
      %mul3A_206 = arith.constant 400 : i32
      %mul3A_207 = arith.muli %add3A_205, %mul3A_206 : i32
      %mul3A_208 = arith.constant 64 : i32
      %mul3A_209 = arith.muli %add3A, %mul3A_208 : i32
      %add3A_210 = arith.addi %mul3A_209, %add3A_202 : i32
      %mul3A_211 = arith.constant 32768 : i32
      %mul3A_212 = arith.muli %add3A_210, %mul3A_211 : i32
      %dma_start3A_213 = tpu.memref_slice %arg8[%mul3A_212] : memref<67108864xf32, #tpu.memory_space<hbm>> -> memref<32768xf32, #tpu.memory_space<hbm>>
      %dma_start3A_214 = tpu.memref_slice %arg8[%mul3A_212] : memref<67108864xf32, #tpu.memory_space<hbm>> -> memref<32768xf32, #tpu.memory_space<hbm>>
      tpu.enqueue_dma source(%arg13 : memref<32768xf32, #tpu.memory_space<vmem>>) target(%dma_start3A_214 : memref<32768xf32, #tpu.memory_space<hbm>>) target_semaphore(%arg26 : memref<!tpu.dma_semaphore, #tpu.memory_space<semaphore_mem>>)
      %dma_start3A_215 = tpu.memref_slice %arg9[%mul3A_207] : memref<819200xi32, #tpu.memory_space<hbm>> -> memref<400xi32, #tpu.memory_space<hbm>>
      %dma_start3A_216 = tpu.memref_slice %arg9[%mul3A_207] : memref<819200xi32, #tpu.memory_space<hbm>> -> memref<400xi32, #tpu.memory_space<hbm>>
      tpu.enqueue_dma source(%arg15 : memref<400xi32, #tpu.memory_space<vmem>>) target(%dma_start3A_216 : memref<400xi32, #tpu.memory_space<hbm>>) target_semaphore(%arg26 : memref<!tpu.dma_semaphore, #tpu.memory_space<semaphore_mem>>)
    }
    %scan3A_21 = arith.constant 32 : i32
    %dma_wait3A = arith.constant 0 : i32
    %dma_wait3A_22 = tpu.memref_slice %arg8[%dma_wait3A] : memref<67108864xf32, #tpu.memory_space<hbm>> -> memref<32768xf32, #tpu.memory_space<hbm>>
    %dma_wait3A_23 = arith.constant 0 : i32
    %dma_wait3A_24 = tpu.memref_slice %arg8[%dma_wait3A_23] : memref<67108864xf32, #tpu.memory_space<hbm>> -> memref<32768xf32, #tpu.memory_space<hbm>>
    tpu.wait_dma2 semaphore(%arg25 : memref<!tpu.dma_semaphore, #tpu.memory_space<semaphore_mem>>) src(%arg12 : memref<32768xf32, #tpu.memory_space<vmem>>) dst(%dma_wait3A_24 : memref<32768xf32, #tpu.memory_space<hbm>>)
    %dma_wait3A_25 = arith.constant 0 : i32
    %dma_wait3A_26 = tpu.memref_slice %arg9[%dma_wait3A_25] : memref<819200xi32, #tpu.memory_space<hbm>> -> memref<400xi32, #tpu.memory_space<hbm>>
    %dma_wait3A_27 = arith.constant 0 : i32
    %dma_wait3A_28 = tpu.memref_slice %arg9[%dma_wait3A_27] : memref<819200xi32, #tpu.memory_space<hbm>> -> memref<400xi32, #tpu.memory_space<hbm>>
    tpu.wait_dma2 semaphore(%arg25 : memref<!tpu.dma_semaphore, #tpu.memory_space<semaphore_mem>>) src(%arg14 : memref<400xi32, #tpu.memory_space<vmem>>) dst(%dma_wait3A_28 : memref<400xi32, #tpu.memory_space<hbm>>)
    %dma_wait3A_29 = arith.constant 0 : i32
    %dma_wait3A_30 = tpu.memref_slice %arg8[%dma_wait3A_29] : memref<67108864xf32, #tpu.memory_space<hbm>> -> memref<32768xf32, #tpu.memory_space<hbm>>
    %dma_wait3A_31 = arith.constant 0 : i32
    %dma_wait3A_32 = tpu.memref_slice %arg8[%dma_wait3A_31] : memref<67108864xf32, #tpu.memory_space<hbm>> -> memref<32768xf32, #tpu.memory_space<hbm>>
    tpu.wait_dma2 semaphore(%arg26 : memref<!tpu.dma_semaphore, #tpu.memory_space<semaphore_mem>>) src(%arg13 : memref<32768xf32, #tpu.memory_space<vmem>>) dst(%dma_wait3A_32 : memref<32768xf32, #tpu.memory_space<hbm>>)
    %dma_wait3A_33 = arith.constant 0 : i32
    %dma_wait3A_34 = tpu.memref_slice %arg9[%dma_wait3A_33] : memref<819200xi32, #tpu.memory_space<hbm>> -> memref<400xi32, #tpu.memory_space<hbm>>
    %dma_wait3A_35 = arith.constant 0 : i32
    %dma_wait3A_36 = tpu.memref_slice %arg9[%dma_wait3A_35] : memref<819200xi32, #tpu.memory_space<hbm>> -> memref<400xi32, #tpu.memory_space<hbm>>
    tpu.wait_dma2 semaphore(%arg26 : memref<!tpu.dma_semaphore, #tpu.memory_space<semaphore_mem>>) src(%arg15 : memref<400xi32, #tpu.memory_space<vmem>>) dst(%dma_wait3A_36 : memref<400xi32, #tpu.memory_space<hbm>>)
    return
  }
}

module attributes {stable_mosaic.version = 14 : i64} {
  func.func @_relayout(%arg0: i32, %arg1: memref<262144xf32, #tpu.memory_space<vmem>>, %arg2: memref<64x50x4xf32, #tpu.memory_space<vmem>>, %arg3: memref<64x50x64xf32, #tpu.memory_space<vmem>>) attributes {dimension_semantics = [#tpu.dimension_semantics<arbitrary>], iteration_bounds = array<i64: 256>, scalar_prefetch = 0 : i64, scratch_operands = 0 : i64, tpu.core_type = #tpu.core_type<tc>, window_params = [{transform_indices = @transform_0, window_bounds = array<i64: 262144>}, {transform_indices = @transform_1, window_bounds = array<i64: 64, 50, 4>}, {transform_indices = @transform_2, window_bounds = array<i64: 64, 50, 64>}]} {
    %get3A = arith.constant 0 : index
    %get3A_0 = vector.load %arg1[%get3A] : memref<262144xf32, #tpu.memory_space<vmem>>, vector<262144xf32>
    %reshape3A = vector.shape_cast %get3A_0 : vector<262144xf32> to vector<64x32x128xf32>
    %slice3A = vector.extract_strided_slice %reshape3A {offsets = [0, 0, 0], sizes = [64, 25, 64], strides = [1, 1, 1]} : vector<64x32x128xf32> to vector<64x25x64xf32>
    %slice3A_1 = vector.extract_strided_slice %reshape3A {offsets = [0, 0, 64], sizes = [64, 25, 64], strides = [1, 1, 1]} : vector<64x32x128xf32> to vector<64x25x64xf32>
    %concatenate3A = tpu.concatenate %slice3A, %slice3A_1 in 1 : vector<64x25x64xf32>, vector<64x25x64xf32> -> vector<64x50x64xf32>
    %get3A_2 = arith.constant 0 : index
    %get3A_3 = arith.constant 0 : index
    %get3A_4 = arith.constant 0 : index
    %get3A_5 = vector.load %arg2[%get3A_2, %get3A_3, %get3A_4] : memref<64x50x4xf32, #tpu.memory_space<vmem>>, vector<64x50x4xf32>
    %slice3A_6 = vector.extract_strided_slice %concatenate3A {offsets = [0, 0, 0], sizes = [64, 50, 44], strides = [1, 1, 1]} : vector<64x50x64xf32> to vector<64x50x44xf32>
    %slice3A_7 = vector.extract_strided_slice %concatenate3A {offsets = [0, 0, 48], sizes = [64, 50, 16], strides = [1, 1, 1]} : vector<64x50x64xf32> to vector<64x50x16xf32>
    %concatenate3A_8 = tpu.concatenate %slice3A_6, %get3A_5, %slice3A_7 in 2 : vector<64x50x44xf32>, vector<64x50x4xf32>, vector<64x50x16xf32> -> vector<64x50x64xf32>
    %swap3A = arith.constant 0 : index
    %swap3A_9 = arith.constant 0 : index
    %swap3A_10 = arith.constant 0 : index
    %swap3A_11 = vector.load %arg3[%swap3A, %swap3A_9, %swap3A_10] : memref<64x50x64xf32, #tpu.memory_space<vmem>>, vector<64x50x64xf32>
    tpu.vector_store %arg3[%swap3A, %swap3A_9, %swap3A_10], %concatenate3A_8 {strides = array<i32>} : memref<64x50x64xf32, #tpu.memory_space<vmem>>, vector<64x50x64xf32>,
    return
  }
  func.func @transform_0(%arg0: i32) -> i32 {
    %c0_i32 = arith.constant 0 : i32
    return %arg0 : i32
  }
  func.func @transform_1(%arg0: i32) -> (i32, i32, i32) {
    %c0_i32 = arith.constant 0 : i32
    %c0_i32_0 = arith.constant 0 : i32
    %c0_i32_1 = arith.constant 0 : i32
    return %arg0, %c0_i32, %c0_i32_0 : i32, i32, i32
  }
  func.func @transform_2(%arg0: i32) -> (i32, i32, i32) {
    %c0_i32 = arith.constant 0 : i32
    %c0_i32_0 = arith.constant 0 : i32
    %c0_i32_1 = arith.constant 0 : i32
    return %arg0, %c0_i32, %c0_i32_0 : i32, i32, i32
  }
}

</mosaic_0001>

<sc_bundles>
// kernel: kernel.4.cloned.1.call-start
scs
__scs_entry_jumppad:
0x0: {  	(pc) =	sbr.rel $0x88, $3  }
0x1: {  	(tag) =	ssettag $0x0;
	lr =	simm.s32 $0x1  }
0x2: {  	[smem:$0x3F94] =	sst lr;
	_ =	strace $0xD0000000  }
0x3: {  	_ = 	snop  }
0x4: {  	_ = 	snop  }
0x5: {  	_ = 	snop  }
0x6: {  	_ = 	snop  }
0x7: {  	_ = 	snop  }
__scs_overlays_trampoline_lowered:
0x8: {  	[smem:$0x3FA3] =	sst s0  }
0x9: {  	[smem:$0x3FA4] =	sst s1  }
0xa: {  	[smem:$0x3FA5] =	sst s2  }
0xb: {  	[smem:$0x3FA6] =	sst s3  }
0xc: {  	[smem:$0x3FA7] =	sst s4  }
0xd: {  	[smem:$0x3FA8] =	sst s5  }
0xe: {  	[smem:$0x3FA9] =	sst s6  }
0xf: {  	[smem:$0x3FAA] =	sst s7  }
0x10: {  	[smem:$0x3FAB] =	sst s8  }
0x11: {  	[smem:$0x3FAC] =	sst s9;
	s0 =	simm.s32 @!p0 $0x0  }
0x12: {  	s1 =	sld [smem:$0x3F92];
	s0 =	simm.s32 @p0 $0x1  }
0x13: {  	[smem:$0x3FAD] =	sst s0;
	s0 =	simm.s32 @!p1 $0x0  }
0x14: {  	s2 =	sld [smem:$0x3F91];
	s0 =	simm.s32 @p1 $0x1  }
0x15: {  	[smem:$0x3FAE] =	sst s0;
	s0 =	simm.s32 @!p2 $0x0  }
0x16: {  	s3 =	sld [smem:$0x3FDB];
	s0 =	simm.s32 @p2 $0x1  }
0x17: {  	s4 =	simm.s32 $0x1BF5;
	[smem:$0x3FB0] =	sst s0  }
0x18: {  	s0 =	sld [smem:$0x3F93];
	_ =	swait.ge [sflag:s4], $0x0  }
0x19: {  	s7 =	sld [smem:$0x3F94]  }
0x1a: {  	s8 =	sadd.s32 $0xFFFFE003, lr  }
0x1b: {  	s9 =	sadd.s32 $0xFFFFFEF7, lr;
	s5 =	simm.s32 $0xFFFFFFFF;
	p2 =	slt.u32 s8, $0xFFFFF086  }
0x1c: {  	p1 =	slt.u32 s9, $0xF7A;
	s5 =	simm.s32 @!p2 $0x0  }
0x1d: {  	s5 =	simm.s32 @p1 $0x1;
	p0 =	seq.s32 s7, s2  }
0x1e: {  	s7 =	smul.u32 @!p0 $0xF7A, s2;
	p2 =	seq.s32 @!p0 s5, $0x0  }
0x1f: {  	s9 =	smul.u32 $0xF7A, s1;
	s8 =	simm.s32 @!p0 $0x1BF5;
	p2 =	por !p2, p0  }
0x20: {  	[sflag:s8] =	ssyncset.s32 @!p0 $0xFFFFF086;
	s6 =	sadd.s32 @!p0 s3, s7;
	s7 =	simm.s32 @!p0 $0x108  }
0x21: {  	s3 =	sadd.s32 s3, s9;
	s6 =	sadd.s32 @!p0 $0x88, s6;
	s7 =	simm.s32 @p2 $0x1082  }
0x22: {  	[simem:s7], [sflag:s8] =	dma.local @!p0 [hbm:s6], $0xF7A  }
0x23: {  	s9 =	sor.u32 $0xD0000000, s2;
	s6 =	simm.s32 $0x108;
	_ =	swait.ge @!p0 [sflag:s8], $0x0  }
0x24: {  	s3 =	sadd.s32 $0x88, s3;
	s6 =	simm.s32 @!p1 $0x1082;
	[sflag:s4] =	ssyncset.s32 $0xFFFFF086  }
0x25: {  	[simem:s6], [sflag:s4] =	dma.local [hbm:s3], $0xF7A  }
0x26: {  	[smem:$0x3F94] =	sst s1;
	(tag) =	ssettag s2;
	_ =	strace s9  }
0x27: {  	s1 =	sld [smem:$0x3FA4]  }
0x28: {  	s2 =	sld [smem:$0x3FA5]  }
0x29: {  	s4 =	sld [smem:$0x3FA7]  }
0x2a: {  	p0 =	seq.s32 s5, $0x0;
	s5 =	sld [smem:$0x3FA8]  }
0x2b: {  	s6 =	sld [smem:$0x3FA9]  }
0x2c: {  	s7 =	sld [smem:$0x3FAA]  }
0x2d: {  	s3 =	simm.s32 $0x108;
	s8 =	sld [smem:$0x3FAB]  }
0x2e: {  	s3 =	simm.s32 @!p0 $0x1082;
	s9 =	sld [smem:$0x3FAC]  }
0x2f: {  	lr =	sadd.s32 s0, s3;
	s0 =	sld [smem:$0x3FA3]  }
0x30: {  	s3 =	sld [smem:$0x3FA6]  }
0x31: {  	[smem:$0x3FAF] =	sst s10  }
0x32: {  	s10 =	sld [smem:$0x3FAD];
	_ =	sdelay $0x3  }
0x33: {  	p0 =	seq.s32 s10, $0x1;
	s10 =	sld [smem:$0x3FAF];
	_ =	sdelay $0x3  }
0x34: {  	[smem:$0x3FAF] =	sst s10  }
0x35: {  	s10 =	sld [smem:$0x3FAE];
	_ =	sdelay $0x3  }
0x36: {  	p1 =	seq.s32 s10, $0x1;
	s10 =	sld [smem:$0x3FAF];
	_ =	sdelay $0x3  }
0x37: {  	[smem:$0x3FAF] =	sst s10  }
0x38: {  	s10 =	sld [smem:$0x3FB0]  }
0x39: {  	_ = 	snop;
	(pc) =	sbr.ind lr, $3  }
0x3a: {  	_ = 	snop  }
0x3b: {  	_ = 	snop  }
0x3c: {  	p2 =	seq.s32 s10, $0x1;
	s10 =	sld [smem:$0x3FAF]  }
0x3d: {  	_ =	shalt  }
0x3e: {  	_ =	shalt  }
0x3f: {  	_ =	shalt  }
0x40: {  	_ =	shalt  }
0x41: {  	_ =	shalt  }
0x42: {  	_ =	shalt  }
0x43: {  	_ =	shalt  }
0x44: {  	_ =	shalt  }
0x45: {  	_ =	shalt  }
0x46: {  	_ =	shalt  }
0x47: {  	_ =	shalt  }
0x48: {  	_ =	shalt  }
0x49: {  	_ =	shalt  }
0x4a: {  	_ =	shalt  }
0x4b: {  	_ =	shalt  }
0x4c: {  	_ =	shalt  }
0x4d: {  	_ =	shalt  }
0x4e: {  	_ =	shalt  }
0x4f: {  	_ =	shalt  }
0x50: {  	_ =	shalt  }
0x51: {  	_ =	shalt  }
0x52: {  	_ =	shalt  }
0x53: {  	_ =	shalt  }
0x54: {  	_ =	shalt  }
0x55: {  	_ =	shalt  }
0x56: {  	_ =	shalt  }
0x57: {  	_ =	shalt  }
0x58: {  	_ =	shalt  }
0x59: {  	_ =	shalt  }
0x5a: {  	_ =	shalt  }
0x5b: {  	_ =	shalt  }
0x5c: {  	_ =	shalt  }
0x5d: {  	_ =	shalt  }
0x5e: {  	_ =	shalt  }
0x5f: {  	_ =	shalt  }
0x60: {  	_ =	shalt  }
0x61: {  	_ =	shalt  }
0x62: {  	_ =	shalt  }
0x63: {  	_ =	shalt  }
0x64: {  	_ =	shalt  }
0x65: {  	_ =	shalt  }
0x66: {  	_ =	shalt  }
0x67: {  	_ =	shalt  }
0x68: {  	_ =	shalt  }
0x69: {  	_ =	shalt  }
0x6a: {  	_ =	shalt  }
0x6b: {  	_ =	shalt  }
0x6c: {  	_ =	shalt  }
0x6d: {  	_ =	shalt  }
0x6e: {  	_ =	shalt  }
0x6f: {  	_ =	shalt  }
0x70: {  	_ =	shalt  }
0x71: {  	_ =	shalt  }
0x72: {  	_ =	shalt  }
0x73: {  	_ =	shalt  }
0x74: {  	_ =	shalt  }
0x75: {  	_ =	shalt  }
0x76: {  	_ =	shalt  }
0x77: {  	_ =	shalt  }
0x78: {  	_ =	shalt  }
0x79: {  	_ =	shalt  }
0x7a: {  	_ =	shalt  }
0x7b: {  	_ =	shalt  }
0x7c: {  	_ =	shalt  }
0x7d: {  	_ =	shalt  }
0x7e: {  	_ =	shalt  }
0x7f: {  	_ =	shalt  }
0x80: {  	_ =	shalt  }
0x81: {  	_ =	shalt  }
0x82: {  	_ =	shalt  }
0x83: {  	_ =	shalt  }
0x84: {  	_ =	shalt  }
0x85: {  	_ =	shalt  }
0x86: {  	_ =	shalt  }
0x87: {  	_ =	shalt  }
.Lfunc_end0:
.L_simem_size_0:
called_computation_lowered:
.L_overlay_start_0:
0x88: {  	s2 =	sld [smem:$0x3FD9]  }
0x89: {  	s3 =	sld [smem:$0x3FFE];
	_ =	sdelay $0x1  }
0x8a: {  	s1 =	srdreg.scid  }
0x8b: {  	s0 =	sand.u32 $0x1, s1  }
0x8c: {  	s14 =	sshll.u32 s0, $0xA;
	s2 =	sadd.s32 s3, s2  }
0x8d: {  	s2 =	sadd.s32 s2, s14  }
0x8e: {  	[smem:$0x3FBB] =	sst s2  }
0x8f: {  	_ = 	snop  }
0x90: {  	s2 =	sld [smem:$0x3FD0];
	_ =	sdelay $0x2  }
0x91: {  	s15 =	simm.s32 $0xA;
	s4 =	simm.s32 $0x10  }
0x92: {  	[smem:s4], [sflag:s15] =	dma.local [hbm:s2], $0x1  }
0x93: {  	_ =	swait.eq [sflag:s15], $0x1  }
0x94: {  	[sflag:s15] =	ssyncset.done $0x0  }
0x95: {  	s16 =	sld [smem:$0x10];
	[sflag:s15] =	ssyncadd.s32 $0xFFFFFFFF  }
0x96: {  	s17 =	sld [smem:$0x11];
	(tm) =	ssettm $0x1  }
0x97: {  	s18 =	sld [smem:$0x3FFB];
	_ =	sdelay $0x3  }
0x98: {  	_ =	strace s18  }
0x99: {  	s4 =	sld [smem:$0x3FFC];
	_ =	sdelay $0x3  }
0x9a: {  	_ =	strace s4  }
0x9b: {  	s4 =	sld [smem:$0x3FFD];
	_ =	sdelay $0x3  }
0x9c: {  	_ =	strace s4  }
0x9d: {  	_ =	strace $0x8FFFFFFF  }
0x9e: {  	s19 =	sld [smem:$0x3FDB];
	_ =	sdelay $0x1  }
0x9f: {  	s5 =	simm.s32 $_scs_section_size  }
0xa0: {  	s6 =	simm.s32 $_size__tile_overlayer_lowered;
	s7 =	simm.s32 $_tile_overlayer_lowered  }
0xa1: {  	s22 =	simm.s32 $0x1BFF;
	s21 =	sshll.u32 s7, $0x1;
	s4 =	sadd.s32 s5, s19  }
0xa2: {  	s8 =	simm.s32 $0x0;
	s20 =	sshll.u32 s6, $0x1;
	s6 =	sadd.s32 s21, s4  }
0xa3: {  	[timem:s8], [sflag:s22] =	dma.local [hbm:s6], s20  }
0xa4: {  	_ =	swait.ge [sflag:s22], s20  }
0xa5: {  	s5 =	ssub.s32 $0x0, s20;
	[sflag:s22] =	ssyncset.done $0x0  }
0xa6: {  	[sflag:s22] =	ssyncadd.s32 s5;
	_ =	sdelay $0x1  }
0xa7: {  	s23 =	simm.s32 $0x1B8B  }
0xa8: {  	_ =	swait.ge [sflag:s23], $0x1  }
0xa9: {  	[sflag:s23] =	ssyncset.done $0x0  }
0xaa: {  	s25 =	simm.s32 $0x1B8E;
	s24 =	sld [smem:$0x3FFE];
	[sflag:s23] =	ssyncadd.s32 $0xFFFFFFFF  }
0xab: {  	s26 =	simm.s32 $execute0_lowered;
	[smem:$0x3FD2] =	sst s25  }
0xac: {  	s6 =	sshll.u32 s26, $0x1;
	_ =	strace $0x80000046;
	[dreg:$0x1] =	wrdreg $0xFFFFFFFF  }
0xad: {  	s28 =	simm.s32 $_size_execute0_lowered;
	s4 =	sadd.s32 s4, s6;
	[dreg:$0x0] =	wrdreg $0x0  }
0xae: {  	s6 =	sshll.u32 s28, $0x1;
	[dreg:$0x2] =	wrdreg s4  }
0xaf: {  	[dreg:$0x3] =	wrdreg s6  }
0xb0: {  	[dreg:$0x4] =	wrdreg $0xC0  }
0xb1: {  	_ =	task [dreg:s8], $0x5FFFF  }
0xb2: {  	[dreg:$0x1] =	wrdreg $0xFFFFFFFF  }
0xb3: {  	[dreg:$0x0] =	wrdreg $0x60  }
0xb4: {  	[dreg:$0x2] =	wrdreg s16  }
0xb5: {  	[dreg:$0x3] =	wrdreg s17  }
0xb6: {  	[dreg:$0x4] =	wrdreg s24  }
0xb7: {  	[dreg:$0x5] =	wrdreg $0x9  }
0xb8: {  	_ =	task.clear_ibuf [dreg:s8], $0x6FFFF;
	_ =	strace $0x90000046  }
0xb9: {  	s29 =	simm.s32 $0x9;
	_ =	strace $0x80000048  }
0xba: {  	_ =	swait.ge [sflag:s29], $0x1  }
0xbb: {  	[sflag:s29] =	ssyncadd.s32 $0xFFFFFFFF  }
0xbc: {  	_ =	strace $0x90000048  }
0xbd: {  	_ =	sfence  }
0xbe: {  	s30 =	sld [smem:$0x0];
	_ =	sdelay $0x2  }
0xbf: {  	s31 =	sshll.u32 s1, $0xD;
	s1 =	sshrl.u32 s1, $0x2  }
0xc0: {  	s3 =	sand.u32 $0x4000, s31;
	s1 =	sadd.s32 s1, s30  }
0xc1: {  	s0 =	sor.u32 s3, s0;
	s1 =	sshll.u32 s1, $0x11  }
0xc2: {  	s0 =	sor.u32 s1, s0  }
0xc3: {  	s0 =	sadd.s32 $0x8F2B, s0  }
0xc4: {  	[sflag:s0] =	ssyncadd.remote.s32 $0x1  }
0xc5: {  	_ =	sfence.sel $0xFFFF  }
0xc6: {  	[dreg:$0x0] =	wrdreg $0xFFFFFFFF;
	(pc) =	sbr.abs _section_cstart, $3  }
0xc7: {  	[dreg:$0x1] =	wrdreg $0xFFFFFFFF  }
0xc8: {  	_ =	task.clear_ibuf [dreg:s8], $0x2FFFF;
	_ =	strace $0x9FFFFFFF  }
0xc9: {  	(tm) =	ssettm $0x7FFFFFFF  }
tec
execute0_lowered:
.L_overlay_start_1:
0x0: {  	(tag) =	ssettag $0x1  }
0x1: {  	s1 =	rddreg [dreg:$0x0]  }
0x2: {  	s0 =	rddreg [dreg:$0x2]  }
0x3: {  	s4 =	simm.s32 $0x0;
	s2 =	srdreg.scid;
	s3 =	stileid.u32  }
0x4: {  	s16 =	simm.s32 $0x10800;
	s17 =	simm.s32 $0x5;
	s18 =	simm.s32 $0x12480  }
0x5: {  	s19 =	simm.s32 $0x12600;
	s20 =	simm.s32 $0x12680;
	s28 =	simm.s32 $0x12A00  }
0x6: {  	s29 =	simm.s32 $0x10400;
	s30 =	simm.s32 $0x2;
	s31 =	simm.s32 $0x4  }
0x7: {  	[smem:$0x7FF] =	sst s4;
	s5 =	sadd.s32 $0x1E00, s0;
	s2 =	sand.u32 $0x1, s2  }
0x8: {  	s21 =	sadd.s32 $0x2400, s0;
	_ =	strace $0x80000047;
	[dreg:$0x4] =	wrdreg s5  }
0x9: {  	s3 =	sshll.u32 s3, $0x1;
	s22 =	sadd.s32 $0x2200, s0;
	[dreg:$0x5] =	wrdreg s21  }
0xa: {  	s23 =	sadd.s32 $0x2000, s0;
	s9 =	sadd.s32 $0x1B600, s0;
	[dreg:$0x6] =	wrdreg s22  }
0xb: {  	s10 =	sadd.s32 $0x2600, s0;
	s3 =	sor.u32 s2, s3;
	[dreg:$0x7] =	wrdreg s23  }
0xc: {  	s2 =	ssub.s32 $0x2, s2;
	s22 =	simm.s32 $0x400;
	s23 =	simm.s32 $0x8400  }
0xd: {  	s24 =	smul.u32 $0xC80, s3;
	s25 =	sshrl.u32 s2, $0x1;
	s12 =	sshll.u32 s3, $0x6  }
0xe: {  	s3 =	simm.s32 $0x3;
	s0 =	ssub.s32 s2, s25;
	s13 =	sor.u32 $0x1, s12  }
0xf: {  	s14 =	sor.u32 $0x2, s12;
	s25 =	simm.s32 $0x1;
	s2 =	simm.s32 $0x0  }
0x10: {  	v0 =	vlaneseq.u32;
	s26 =	sadd.s32 s1, s24;
	s15 =	smax.u32 s0, $0x1;
	s24 =	simm.s32 $0x200  }
0x11: {  	v1 =	vimm.f32 $0.0e+00;
	v2 =	vimm.f32 $1.000000000e+00;
	v3 =	vimm.s32 $0x0;
	s0 =	simm.s32 $0x10600;
	[dreg:$0x8] =	wrdreg s26;
	s26 =	simm.s32 $0x12900  }
.LBB2_1:
0x12: {  	s5 =	rddreg [dreg:$0x1]  }
0x13: {  	[tilespmem:s16], [sflag:$0x5] =	stream.linear.gather [hbm4b:s5+s4], $0x1C80, $0x38;
	[tilespmem:$0x12A80] =	vst v63  }
0x14: {  	_ =	swait.ge [sflag:s17], $0x1C80  }
0x15: {  	[sflag:s17] =	ssyncset.done $0x0  }
0x16: {  	s7 =	rddreg [dreg:$0x4];
	[sflag:s17] =	ssyncadd.s32 $0xFFFFE380  }
0x17: {  	[tilespmem:s18], [sflag:$0x5] =	stream.linear.gather [hbm4b:s7+s4], $0x180, $0x38;
	[tilespmem:$0x12A80] =	vst v63  }
0x18: {  	_ =	swait.ge [sflag:s17], $0x180  }
0x19: {  	[sflag:s17] =	ssyncset.done $0x0  }
0x1a: {  	s8 =	rddreg [dreg:$0x5];
	[sflag:s17] =	ssyncadd.s32 $0xFFFFFE80  }
0x1b: {  	[tilespmem:s19], [sflag:$0x5] =	stream.linear.gather [hbm4b:s8+s4], $0x80, $0x38;
	[tilespmem:$0x12A80] =	vst v63  }
0x1c: {  	_ =	swait.ge [sflag:s17], $0x80  }
0x1d: {  	[sflag:s17] =	ssyncset.done $0x0  }
0x1e: {  	s11 =	rddreg [dreg:$0x6];
	[sflag:s17] =	ssyncadd.s32 $0xFFFFFF80  }
0x1f: {  	[tilespmem:s20], [sflag:$0x5] =	stream.linear.gather [hbm4b:s11+s4], $0x80, $0x38;
	[tilespmem:$0x12A80] =	vst v63  }
0x20: {  	_ =	swait.ge [sflag:s17], $0x80  }
0x21: {  	[sflag:s17] =	ssyncset.done $0x0  }
0x22: {  	v4 =	vor.u32 s4, v0;
	s6 =	simm.s32 $0x12700;
	s21 =	rddreg [dreg:$0x7];
	[sflag:s17] =	ssyncadd.s32 $0xFFFFFF80  }
0x23: {  	[tilespmem:s6], [sflag:$0x5] =	stream.linear.gather [hbm4b:s21+s4], $0x200, $0x38;
	[tilespmem:$0x12A80] =	vst v63  }
0x24: {  	_ =	swait.ge [sflag:s17], $0x200  }
0x25: {  	[sflag:s17] =	ssyncset.done $0x0  }
0x26: {  	[sflag:s17] =	ssyncadd.s32 $0xFFFFFE00  }
0x27: {  	s5 =	simm.s32 $0x10;
	[tilespmem:v4+s22+$0x0] =	vst.idx.msk $0xffff, v1  }
.LBB2_2:
0x28: {  	[tilespmem:v4+s23+$0x0] =	vst.idx.msk $0xffff, v1;
	v4 =	vor.u32 s5, v0;
	p0 =	sne.s32 s5, $0x7FF0  }
.Ltmp0:
0x29: {  	s5 =	sadd.s32 $0x10, s5;
	(pc) =	sbr.rel @p0 .LBB2_2-.Ltmp0, $2  }
0x2a: {  	_ =	sdelay $0x2  }
0x2b: {  	[tilespmem:v4+s22+$0x0] =	vst.idx.msk $0xffff, v1  }
0x2c: {  	_ =	sdelay $0x3  }
0x2d: {  	[tilespmem:v4+s23+$0x0] =	vst.idx.msk $0xffff, v1;
	s21 =	simm.s32 $0x0;
	s5 =	rddreg [dreg:$0x8]  }
0x2e: {  	[tilespmem:s21], [sflag:$0x1] =	stream.linear.gather [hbm4b:s5+s21], $0x190, $0x38;
	[tilespmem:$0x12A80] =	vst v63  }
.LBB2_4:
0x2f: {  	s7 =	sshll.u32 s21, $0x1  }
0x30: {  	s6 =	sor.u32 s13, s7  }
0x31: {  	s5 =	smul.u32 $0x32, s6;
	_ =	sdelay $0x1  }
0x32: {  	s8 =	sadd.s32 s1, s5  }
0x33: {  	[tilespmem:s24], [sflag:$0x2] =	stream.linear.gather [hbm4b:s8+s4], $0x190, $0x38;
	[tilespmem:$0x12A80] =	vst v63  }
0x34: {  	_ =	swait.ge [sflag:s25], $0x190  }
0x35: {  	p0 =	seq.s32 s21, $0x0;
	[sflag:s25] =	ssyncset.done $0x0  }
0x36: {  	s8 =	simm.s32 @!p0 $0x3;
	[sflag:s25] =	ssyncadd.s32 $0xFFFFFE70  }
0x37: {  	_ =	swait.ge @!p0 [sflag:s8], $0x8000  }
0x38: {  	[sflag:s8] =	ssyncset.done @!p0 $0x0  }
0x39: {  	[sflag:s8] =	ssyncadd.s32 @!p0 $0xFFFF8000  }
0x3a: {  	_ =	swait.ge @!p0 [sflag:s8], $0x190  }
0x3b: {  	[sflag:s8] =	ssyncset.done @!p0 $0x0  }
0x3c: {  	[sflag:s8] =	ssyncadd.s32 @!p0 $0xFFFFFE70  }
0x3d: {  	[tilespmem:$0x12900] =	vst v1  }
0x3e: {  	[tilespmem:$0x12910] =	vst v1  }
0x3f: {  	[tilespmem:$0x12920] =	vst v1  }
0x40: {  	[tilespmem:$0x12930] =	vst v1  }
0x41: {  	[tilespmem:$0x12940] =	vst v1  }
0x42: {  	[tilespmem:$0x12950] =	vst v1  }
0x43: {  	[tilespmem:$0x12960] =	vst v1  }
0x44: {  	[tilespmem:$0x12970] =	vst v1  }
0x45: {  	[tilespmem:$0x12980] =	vst v1  }
0x46: {  	[tilespmem:$0x12990] =	vst v1  }
0x47: {  	[tilespmem:$0x129A0] =	vst v1  }
0x48: {  	[tilespmem:$0x129B0] =	vst v1  }
0x49: {  	[tilespmem:$0x129C0] =	vst v1  }
0x4a: {  	[tilespmem:$0x129D0] =	vst v1  }
0x4b: {  	[tilespmem:$0x129E0] =	vst v1  }
0x4c: {  	[tilespmem:$0x129F0] =	vst v1  }
0x4d: {  	[tilespmem:$0x12A00] =	vst v1  }
0x4e: {  	[tilespmem:$0x12A10] =	vst v1  }
0x4f: {  	[tilespmem:$0x12A20] =	vst v1  }
0x50: {  	[tilespmem:$0x12A30] =	vst v1  }
0x51: {  	[tilespmem:$0x12A40] =	vst v1  }
0x52: {  	[tilespmem:$0x12A50] =	vst v1  }
0x53: {  	[tilespmem:$0x12A60] =	vst v1  }
0x54: {  	s8 =	simm.s32 $0x0;
	[tilespmem:$0x12A70] =	vst v1  }
.LBB2_5:
0x55: {  	s11 =	sshra.s32 s8, $0x2  }
0x56: {  	v4 =	vld [tilespmem:s11+$0x0]  }
0x57: {  	v5 =	vld [tilespmem:s11+$0x12700];
	_ =	sdelay $0x4  }
0x58: {  	v6 =	vshrl.u32 v4, $0x18;
	v5 =	vshra.s32 v5, $0x10  }
0x59: {  	v4 =	vshrl.u32 v4, $0x15;
	v6 =	vand.u32 $0xF, v6;
	v7 =	vshll.u32 v5, $0x5  }
0x5a: {  	v4 =	vand.u32 $0x7, v4;
	v5 =	vshll.u32 v5, $0x4;
	v6 =	vor.u32 v6, v7  }
0x5b: {  	p1 =	sne.s32 s8, $0x600;
	v4 =	vor.u32 v4, v5  }
.Ltmp1:
0x5c: {  	_ = 	snop;
	(pc) =	sbr.rel @p1 .LBB2_5-.Ltmp1, $3  }
0x5d: {  	_ =	sdelay $0x1  }
0x5e: {  	[tilespmem:v6+s26+$0x0] =	vst.idx.add.f32.msk $0xffff, v2  }
0x5f: {  	s8 =	sadd.s32 $0x40, s8;
	[tilespmem:v4+s28+$0x0] =	vst.idx.add.f32.msk $0xffff, v2  }
0x60: {  	s8 =	simm.s32 $0x0  }
.LBB2_7:
0x61: {  	s11 =	sshra.s32 s8, $0x2  }
0x62: {  	v4 =	vld [tilespmem:s11+$0x0]  }
0x63: {  	v5 =	vld [tilespmem:s11+$0x12700];
	_ =	sdelay $0x4  }
0x64: {  	v6 =	vshrl.u32 v4, $0x18;
	v8 =	vshra.s32 v5, $0x10  }
0x65: {  	v9 =	vshrl.u32 v4, $0x15;
	v6 =	vand.u32 $0xF, v6;
	v7 =	vshll.u32 v8, $0x5  }
0x66: {  	v8 =	vshll.u32 v8, $0x4;
	v10 =	vor.u32 v6, v7;
	v7 =	vand.u32 $0x7, v9  }
0x67: {  	v9 =	vor.u32 v7, v8  }
0x68: {  	vm0 =	vgt.s32 v10, $0x1  }
0x69: {  	v36 =	vnsel vm0, $0x1, v10  }
0x6a: {  	v11 =	vadd.s32 $0xFFFFFFFF, v36  }
0x6b: {  	v14 =	vand.u32 $0xFF, v4;
	v13 =	vadd.s32 $0x1, v10;
	v8 =	vld.idx.msk [tilespmem:v10+s26+$0x0], $0xffff  }
0x6c: {  	v10 =	vld.idx.msk [tilespmem:v9+s28+$0x0], $0xffff;
	v9 =	vmul.u32 $0x2D, v14;
	_ =	sdelay $0x1  }
0x6d: {  	v37 =	vor.u32 v14, v6;
	v15 =	vld.idx.msk [tilespmem:v6+s19+$0x0], $0xffff  }
0x6e: {  	vm14 =	veq.s32 v37, $0x0;
	v12 =	vld.idx.msk [tilespmem:v11+s26+$0x0], $0xffff  }
0x6f: {  	v11 =	vld.idx.msk [tilespmem:v13+s26+$0x0], $0xffff;
	v13 =	vsel vm14, $0x1, v3  }
0x70: {  	v14 =	vld.idx.msk [tilespmem:v6+s20+$0x0], $0xffff;
	[tilespmem:s11+$0x10400] =	vst v13  }
0x71: {  	v5 =	vand.u32 $0xFFFF, v5;
	v13 =	vld.idx.msk [tilespmem:v9+s16+$0x0], $0xffff  }
0x72: {  	v16 =	vadd.s32 $0x1, v9;
	_ =	sdelay $0x3  }
0x73: {  	[tilespmem:v5+s22+$0x0] =	vst.idx.msk $0xffff, v13  }
0x74: {  	v38 =	vadd.s32 $0x1, v5;
	v13 =	vld.idx.msk [tilespmem:v16+s16+$0x0], $0xffff  }
0x75: {  	v17 =	vadd.s32 $0x2, v9;
	_ =	sdelay $0x3  }
0x76: {  	[tilespmem:v38+s22+$0x0] =	vst.idx.msk $0xffff, v13  }
0x77: {  	v39 =	vadd.s32 $0x2, v5;
	v13 =	vld.idx.msk [tilespmem:v17+s16+$0x0], $0xffff  }
0x78: {  	v40 =	vadd.s32 $0x3, v9;
	_ =	sdelay $0x3  }
0x79: {  	[tilespmem:v39+s22+$0x0] =	vst.idx.msk $0xffff, v13  }
0x7a: {  	v41 =	vadd.s32 $0x3, v5;
	v13 =	vld.idx.msk [tilespmem:v40+s16+$0x0], $0xffff  }
0x7b: {  	v42 =	vadd.s32 $0x4, v9;
	_ =	sdelay $0x3  }
0x7c: {  	[tilespmem:v41+s22+$0x0] =	vst.idx.msk $0xffff, v13  }
0x7d: {  	v43 =	vadd.s32 $0x4, v5;
	v13 =	vld.idx.msk [tilespmem:v42+s16+$0x0], $0xffff  }
0x7e: {  	v44 =	vadd.s32 $0x5, v9;
	_ =	sdelay $0x3  }
0x7f: {  	[tilespmem:v43+s22+$0x0] =	vst.idx.msk $0xffff, v13  }
0x80: {  	v13 =	vadd.s32 $0x5, v5;
	v16 =	vld.idx.msk [tilespmem:v44+s16+$0x0], $0xffff  }
0x81: {  	v45 =	vadd.s32 $0x6, v9;
	_ =	sdelay $0x3  }
0x82: {  	[tilespmem:v13+s22+$0x0] =	vst.idx.msk $0xffff, v16  }
0x83: {  	v46 =	vadd.s32 $0x6, v5;
	v16 =	vld.idx.msk [tilespmem:v45+s16+$0x0], $0xffff  }
0x84: {  	v18 =	vadd.s32 $0x7, v9;
	_ =	sdelay $0x3  }
0x85: {  	[tilespmem:v46+s22+$0x0] =	vst.idx.msk $0xffff, v16  }
0x86: {  	v47 =	vadd.s32 $0x7, v5;
	v16 =	vld.idx.msk [tilespmem:v18+s16+$0x0], $0xffff  }
0x87: {  	v48 =	vadd.s32 $0x8, v9;
	_ =	sdelay $0x3  }
0x88: {  	[tilespmem:v47+s22+$0x0] =	vst.idx.msk $0xffff, v16  }
0x89: {  	v49 =	vadd.s32 $0x8, v5;
	v16 =	vld.idx.msk [tilespmem:v48+s16+$0x0], $0xffff  }
0x8a: {  	v50 =	vadd.s32 $0x9, v9;
	_ =	sdelay $0x3  }
0x8b: {  	[tilespmem:v49+s22+$0x0] =	vst.idx.msk $0xffff, v16  }
0x8c: {  	v51 =	vadd.s32 $0x9, v5;
	v16 =	vld.idx.msk [tilespmem:v50+s16+$0x0], $0xffff  }
0x8d: {  	v52 =	vadd.s32 $0xA, v9;
	_ =	sdelay $0x3  }
0x8e: {  	[tilespmem:v51+s22+$0x0] =	vst.idx.msk $0xffff, v16  }
0x8f: {  	v53 =	vadd.s32 $0xA, v5;
	v16 =	vld.idx.msk [tilespmem:v52+s16+$0x0], $0xffff  }
0x90: {  	v54 =	vadd.s32 $0xB, v9;
	_ =	sdelay $0x3  }
0x91: {  	[tilespmem:v53+s22+$0x0] =	vst.idx.msk $0xffff, v16  }
0x92: {  	v55 =	vadd.s32 $0xB, v5;
	v16 =	vld.idx.msk [tilespmem:v54+s16+$0x0], $0xffff  }
0x93: {  	v56 =	vadd.s32 $0xC, v9;
	_ =	sdelay $0x3  }
0x94: {  	[tilespmem:v55+s22+$0x0] =	vst.idx.msk $0xffff, v16  }
0x95: {  	v57 =	vadd.s32 $0xC, v5;
	v16 =	vld.idx.msk [tilespmem:v56+s16+$0x0], $0xffff  }
0x96: {  	v58 =	vadd.s32 $0xD, v9;
	_ =	sdelay $0x3  }
0x97: {  	[tilespmem:v57+s22+$0x0] =	vst.idx.msk $0xffff, v16  }
0x98: {  	v59 =	vadd.s32 $0xD, v5;
	v16 =	vld.idx.msk [tilespmem:v58+s16+$0x0], $0xffff  }
0x99: {  	v60 =	vadd.s32 $0xE, v9;
	_ =	sdelay $0x3  }
0x9a: {  	[tilespmem:v59+s22+$0x0] =	vst.idx.msk $0xffff, v16  }
0x9b: {  	v61 =	vadd.s32 $0xE, v5;
	v16 =	vld.idx.msk [tilespmem:v60+s16+$0x0], $0xffff  }
0x9c: {  	v62 =	vadd.s32 $0xF, v9;
	_ =	sdelay $0x3  }
0x9d: {  	[tilespmem:v61+s22+$0x0] =	vst.idx.msk $0xffff, v16  }
0x9e: {  	v63 =	vadd.s32 $0xF, v5;
	v16 =	vld.idx.msk [tilespmem:v62+s16+$0x0], $0xffff  }
0x9f: {  	v21 =	vadd.s32 $0x10, v9;
	_ =	sdelay $0x3  }
0xa0: {  	[tilespmem:v63+s22+$0x0] =	vst.idx.msk $0xffff, v16  }
0xa1: {  	v22 =	vadd.s32 $0x10, v5;
	v16 =	vld.idx.msk [tilespmem:v21+s16+$0x0], $0xffff  }
0xa2: {  	v23 =	vadd.s32 $0x11, v9;
	_ =	sdelay $0x3  }
0xa3: {  	[tilespmem:v22+s22+$0x0] =	vst.idx.msk $0xffff, v16  }
0xa4: {  	v24 =	vadd.s32 $0x11, v5;
	v16 =	vld.idx.msk [tilespmem:v23+s16+$0x0], $0xffff  }
0xa5: {  	v25 =	vadd.s32 $0x12, v9;
	_ =	sdelay $0x3  }
0xa6: {  	[tilespmem:v24+s22+$0x0] =	vst.idx.msk $0xffff, v16  }
0xa7: {  	v26 =	vadd.s32 $0x12, v5;
	v16 =	vld.idx.msk [tilespmem:v25+s16+$0x0], $0xffff  }
0xa8: {  	v27 =	vadd.s32 $0x13, v9;
	_ =	sdelay $0x3  }
0xa9: {  	[tilespmem:v26+s22+$0x0] =	vst.idx.msk $0xffff, v16  }
0xaa: {  	v28 =	vadd.s32 $0x13, v5;
	v16 =	vld.idx.msk [tilespmem:v27+s16+$0x0], $0xffff  }
0xab: {  	v29 =	vadd.s32 $0x14, v9;
	_ =	sdelay $0x3  }
0xac: {  	[tilespmem:v28+s22+$0x0] =	vst.idx.msk $0xffff, v16  }
0xad: {  	v30 =	vadd.s32 $0x14, v5;
	v16 =	vld.idx.msk [tilespmem:v29+s16+$0x0], $0xffff  }
0xae: {  	v31 =	vadd.s32 $0x15, v9;
	_ =	sdelay $0x3  }
0xaf: {  	[tilespmem:v30+s22+$0x0] =	vst.idx.msk $0xffff, v16  }
0xb0: {  	v32 =	vadd.s32 $0x15, v5;
	v16 =	vld.idx.msk [tilespmem:v31+s16+$0x0], $0xffff  }
0xb1: {  	v33 =	vadd.s32 $0x16, v9;
	_ =	sdelay $0x3  }
0xb2: {  	[tilespmem:v32+s22+$0x0] =	vst.idx.msk $0xffff, v16  }
0xb3: {  	v34 =	vadd.s32 $0x16, v5;
	v16 =	vld.idx.msk [tilespmem:v33+s16+$0x0], $0xffff  }
0xb4: {  	v35 =	vadd.s32 $0x17, v9;
	_ =	sdelay $0x3  }
0xb5: {  	[tilespmem:v34+s22+$0x0] =	vst.idx.msk $0xffff, v16  }
0xb6: {  	v36 =	vadd.s32 $0x17, v5;
	v16 =	vld.idx.msk [tilespmem:v35+s16+$0x0], $0xffff  }
0xb7: {  	v37 =	vadd.s32 $0x18, v9;
	_ =	sdelay $0x3  }
0xb8: {  	[tilespmem:v36+s22+$0x0] =	vst.idx.msk $0xffff, v16  }
0xb9: {  	v38 =	vadd.s32 $0x18, v5;
	v16 =	vld.idx.msk [tilespmem:v37+s16+$0x0], $0xffff  }
0xba: {  	v39 =	vadd.s32 $0x19, v9;
	_ =	sdelay $0x3  }
0xbb: {  	[tilespmem:v38+s22+$0x0] =	vst.idx.msk $0xffff, v16  }
0xbc: {  	v40 =	vadd.s32 $0x19, v5;
	v16 =	vld.idx.msk [tilespmem:v39+s16+$0x0], $0xffff  }
0xbd: {  	v41 =	vadd.s32 $0x1A, v9;
	_ =	sdelay $0x3  }
0xbe: {  	[tilespmem:v40+s22+$0x0] =	vst.idx.msk $0xffff, v16  }
0xbf: {  	v42 =	vadd.s32 $0x1A, v5;
	v16 =	vld.idx.msk [tilespmem:v41+s16+$0x0], $0xffff  }
0xc0: {  	v43 =	vadd.s32 $0x1B, v9;
	_ =	sdelay $0x3  }
0xc1: {  	[tilespmem:v42+s22+$0x0] =	vst.idx.msk $0xffff, v16  }
0xc2: {  	v44 =	vadd.s32 $0x1B, v5;
	v16 =	vld.idx.msk [tilespmem:v43+s16+$0x0], $0xffff  }
0xc3: {  	v45 =	vadd.s32 $0x1C, v9;
	_ =	sdelay $0x3  }
0xc4: {  	[tilespmem:v44+s22+$0x0] =	vst.idx.msk $0xffff, v16  }
0xc5: {  	v46 =	vadd.s32 $0x1C, v5;
	v16 =	vld.idx.msk [tilespmem:v45+s16+$0x0], $0xffff  }
0xc6: {  	v47 =	vadd.s32 $0x1D, v9;
	_ =	sdelay $0x3  }
0xc7: {  	[tilespmem:v46+s22+$0x0] =	vst.idx.msk $0xffff, v16  }
0xc8: {  	v48 =	vadd.s32 $0x1D, v5;
	v16 =	vld.idx.msk [tilespmem:v47+s16+$0x0], $0xffff  }
0xc9: {  	v49 =	vadd.s32 $0x1E, v9;
	_ =	sdelay $0x3  }
0xca: {  	[tilespmem:v48+s22+$0x0] =	vst.idx.msk $0xffff, v16  }
0xcb: {  	v50 =	vadd.s32 $0x1E, v5;
	v16 =	vld.idx.msk [tilespmem:v49+s16+$0x0], $0xffff  }
0xcc: {  	v51 =	vadd.s32 $0x1F, v9;
	_ =	sdelay $0x3  }
0xcd: {  	[tilespmem:v50+s22+$0x0] =	vst.idx.msk $0xffff, v16  }
0xce: {  	v52 =	vadd.s32 $0x1F, v5;
	v16 =	vld.idx.msk [tilespmem:v51+s16+$0x0], $0xffff  }
0xcf: {  	v53 =	vadd.s32 $0x20, v9;
	_ =	sdelay $0x3  }
0xd0: {  	[tilespmem:v52+s22+$0x0] =	vst.idx.msk $0xffff, v16  }
0xd1: {  	v54 =	vadd.s32 $0x20, v5;
	v16 =	vld.idx.msk [tilespmem:v53+s16+$0x0], $0xffff  }
0xd2: {  	v55 =	vadd.s32 $0x21, v9;
	_ =	sdelay $0x3  }
0xd3: {  	[tilespmem:v54+s22+$0x0] =	vst.idx.msk $0xffff, v16  }
0xd4: {  	v56 =	vadd.s32 $0x21, v5;
	v16 =	vld.idx.msk [tilespmem:v55+s16+$0x0], $0xffff  }
0xd5: {  	v57 =	vadd.s32 $0x22, v9;
	_ =	sdelay $0x3  }
0xd6: {  	[tilespmem:v56+s22+$0x0] =	vst.idx.msk $0xffff, v16  }
0xd7: {  	v58 =	vadd.s32 $0x22, v5;
	v16 =	vld.idx.msk [tilespmem:v57+s16+$0x0], $0xffff  }
0xd8: {  	v59 =	vadd.s32 $0x23, v9;
	_ =	sdelay $0x3  }
0xd9: {  	[tilespmem:v58+s22+$0x0] =	vst.idx.msk $0xffff, v16  }
0xda: {  	v60 =	vadd.s32 $0x23, v5;
	v16 =	vld.idx.msk [tilespmem:v59+s16+$0x0], $0xffff  }
0xdb: {  	v61 =	vadd.s32 $0x24, v9;
	_ =	sdelay $0x3  }
0xdc: {  	[tilespmem:v60+s22+$0x0] =	vst.idx.msk $0xffff, v16  }
0xdd: {  	v62 =	vadd.s32 $0x24, v5;
	v16 =	vld.idx.msk [tilespmem:v61+s16+$0x0], $0xffff  }
0xde: {  	v63 =	vadd.s32 $0x25, v9;
	_ =	sdelay $0x3  }
0xdf: {  	[tilespmem:v62+s22+$0x0] =	vst.idx.msk $0xffff, v16  }
0xe0: {  	v16 =	vld.idx.msk [tilespmem:v63+s16+$0x0], $0xffff;
	_ =	sdelay $0x1  }
0xe1: {  	v21 =	vadd.s32 $0x25, v5  }
0xe2: {  	v22 =	vadd.s32 $0x26, v9;
	_ =	sdelay $0x1  }
0xe3: {  	v15 =	vadd.f32 v16, v15;
	_ =	sdelay $0x1  }
0xe4: {  	[tilespmem:v21+s22+$0x0] =	vst.idx.msk $0xffff, v15  }
0xe5: {  	v15 =	vld.idx.msk [tilespmem:v22+s16+$0x0], $0xffff;
	_ =	sdelay $0x1  }
0xe6: {  	v23 =	vadd.s32 $0x26, v5  }
0xe7: {  	v24 =	vadd.s32 $0x27, v9;
	_ =	sdelay $0x1  }
0xe8: {  	v14 =	vadd.f32 v15, v14;
	_ =	sdelay $0x1  }
0xe9: {  	[tilespmem:v23+s22+$0x0] =	vst.idx.msk $0xffff, v14  }
0xea: {  	v14 =	vld.idx.msk [tilespmem:v24+s16+$0x0], $0xffff;
	_ =	sdelay $0x1  }
0xeb: {  	v25 =	vadd.s32 $0x27, v5  }
0xec: {  	vm15 =	veq.s32 v6, $0x0;
	v26 =	vadd.s32 $0x28, v9  }
0xed: {  	v12 =	vsel vm15, $0x0, v12  }
0xee: {  	v12 =	vadd.f32 v14, v12;
	_ =	sdelay $0x1  }
0xef: {  	[tilespmem:v25+s22+$0x0] =	vst.idx.msk $0xffff, v12  }
0xf0: {  	v12 =	vld.idx.msk [tilespmem:v26+s16+$0x0], $0xffff;
	_ =	sdelay $0x1  }
0xf1: {  	v27 =	vadd.s32 $0x28, v5  }
0xf2: {  	v28 =	vadd.s32 $0x29, v9;
	_ =	sdelay $0x1  }
0xf3: {  	v11 =	vadd.f32 v12, v11;
	_ =	sdelay $0x1  }
0xf4: {  	[tilespmem:v27+s22+$0x0] =	vst.idx.msk $0xffff, v11  }
0xf5: {  	v11 =	vld.idx.msk [tilespmem:v28+s16+$0x0], $0xffff  }
0xf6: {  	vm1 =	veq.s32 v7, $0x0  }
0xf7: {  	v10 =	vsel vm1, $0x0, v10;
	v29 =	vadd.s32 $0x29, v5  }
0xf8: {  	vm1 =	vge.f32 v10, $5.000000000e+00;
	v30 =	vadd.s32 $0x2A, v9  }
0xf9: {  	v31 =	vsel vm1, $0x3F800000, v1  }
0xfa: {  	v11 =	vadd.f32 v11, v31;
	_ =	sdelay $0x1  }
0xfb: {  	[tilespmem:v29+s22+$0x0] =	vst.idx.msk $0xffff, v11  }
0xfc: {  	v11 =	vld.idx.msk [tilespmem:v30+s16+$0x0], $0xffff;
	_ =	sdelay $0x1  }
0xfd: {  	v32 =	vadd.s32 $0x2A, v5  }
0xfe: {  	v9 =	vadd.s32 $0x2B, v9;
	_ =	sdelay $0x1  }
0xff: {  	v10 =	vadd.f32 v11, v10;
	_ =	sdelay $0x1  }
0x100: {  	[tilespmem:v32+s22+$0x0] =	vst.idx.msk $0xffff, v10  }
0x101: {  	v9 =	vld.idx.msk [tilespmem:v9+s16+$0x0], $0xffff;
	_ =	sdelay $0x1  }
0x102: {  	v33 =	vshrl.u32 v4, $0x12;
	v34 =	vadd.s32 $0x2B, v5  }
0x103: {  	v7 =	vadd.s32 v7, v5;
	v10 =	vand.u32 $0x7, v33  }
0x104: {  	v8 =	vsel vm15, $0x0, v8;
	v6 =	vadd.s32 v6, v13;
	v10 =	vmul.u32 $0x5, v10  }
0x105: {  	v8 =	vadd.f32 v9, v8;
	_ =	sdelay $0x1  }
0x106: {  	[tilespmem:v34+s22+$0x0] =	vst.idx.msk $0xffff, v8  }
0x107: {  	[tilespmem:v7+s22+$0x0] =	vst.idx.add.f32.msk $0xffff, v2  }
0x108: {  	[tilespmem:v6+s22+$0x0] =	vst.idx.add.f32.msk $0xffff, v2  }
0x109: {  	v35 =	vadd.s32 $0x30, v5;
	v6 =	vld.idx.msk [tilespmem:v10+s18+$0x0], $0xffff  }
0x10a: {  	v36 =	vadd.s32 $0x1, v10;
	_ =	sdelay $0x3  }
0x10b: {  	[tilespmem:v35+s22+$0x0] =	vst.idx.msk $0xffff, v6  }
0x10c: {  	v37 =	vadd.s32 $0x31, v5;
	v6 =	vld.idx.msk [tilespmem:v36+s18+$0x0], $0xffff  }
0x10d: {  	v38 =	vadd.s32 $0x2, v10;
	_ =	sdelay $0x3  }
0x10e: {  	[tilespmem:v37+s22+$0x0] =	vst.idx.msk $0xffff, v6  }
0x10f: {  	v39 =	vadd.s32 $0x32, v5;
	v6 =	vld.idx.msk [tilespmem:v38+s18+$0x0], $0xffff  }
0x110: {  	v40 =	vadd.s32 $0x3, v10;
	_ =	sdelay $0x1  }
0x111: {  	v41 =	vshrl.u32 v4, $0x8  }
0x112: {  	v9 =	vand.u32 $0xF, v41  }
0x113: {  	v42 =	vmul.u32 $0x5, v9;
	[tilespmem:v39+s22+$0x0] =	vst.idx.msk $0xffff, v6  }
0x114: {  	v43 =	vadd.s32 $0x33, v5;
	v7 =	vld.idx.msk [tilespmem:v40+s18+$0x0], $0xffff  }
0x115: {  	v9 =	vadd.s32 $0x50, v42;
	_ =	sdelay $0x3  }
0x116: {  	[tilespmem:v43+s22+$0x0] =	vst.idx.msk $0xffff, v7  }
0x117: {  	v44 =	vadd.s32 $0x34, v5;
	v7 =	vld.idx.msk [tilespmem:v9+s18+$0x0], $0xffff  }
0x118: {  	v45 =	vadd.s32 $0x51, v42;
	_ =	sdelay $0x3  }
0x119: {  	[tilespmem:v44+s22+$0x0] =	vst.idx.msk $0xffff, v7  }
0x11a: {  	v46 =	vadd.s32 $0x35, v5;
	v7 =	vld.idx.msk [tilespmem:v45+s18+$0x0], $0xffff  }
0x11b: {  	v47 =	vadd.s32 $0x52, v42;
	_ =	sdelay $0x3  }
0x11c: {  	[tilespmem:v46+s22+$0x0] =	vst.idx.msk $0xffff, v7  }
0x11d: {  	v48 =	vadd.s32 $0x36, v5;
	v7 =	vld.idx.msk [tilespmem:v47+s18+$0x0], $0xffff  }
0x11e: {  	v6 =	vadd.s32 $0x53, v42;
	_ =	sdelay $0x1  }
0x11f: {  	v49 =	vshrl.u32 v4, $0xC  }
0x120: {  	v9 =	vand.u32 $0x7, v49  }
0x121: {  	v50 =	vmul.u32 $0x5, v9;
	[tilespmem:v48+s22+$0x0] =	vst.idx.msk $0xffff, v7  }
0x122: {  	v51 =	vadd.s32 $0x37, v5;
	v6 =	vld.idx.msk [tilespmem:v6+s18+$0x0], $0xffff  }
0x123: {  	v9 =	vadd.s32 $0xA0, v50;
	_ =	sdelay $0x3  }
0x124: {  	[tilespmem:v51+s22+$0x0] =	vst.idx.msk $0xffff, v6  }
0x125: {  	v52 =	vadd.s32 $0x38, v5;
	v6 =	vld.idx.msk [tilespmem:v9+s18+$0x0], $0xffff  }
0x126: {  	v53 =	vadd.s32 $0xA1, v50;
	_ =	sdelay $0x3  }
0x127: {  	[tilespmem:v52+s22+$0x0] =	vst.idx.msk $0xffff, v6  }
0x128: {  	v54 =	vadd.s32 $0x39, v5;
	v6 =	vld.idx.msk [tilespmem:v53+s18+$0x0], $0xffff  }
0x129: {  	v55 =	vadd.s32 $0xA2, v50;
	_ =	sdelay $0x3  }
0x12a: {  	[tilespmem:v54+s22+$0x0] =	vst.idx.msk $0xffff, v6  }
0x12b: {  	v56 =	vadd.s32 $0x3A, v5;
	v6 =	vld.idx.msk [tilespmem:v55+s18+$0x0], $0xffff  }
0x12c: {  	v7 =	vadd.s32 $0xA3, v50;
	_ =	sdelay $0x1  }
0x12d: {  	v4 =	vshrl.u32 v4, $0xF  }
0x12e: {  	v4 =	vand.u32 $0x7, v4  }
0x12f: {  	v4 =	vmul.u32 $0x5, v4;
	[tilespmem:v56+s22+$0x0] =	vst.idx.msk $0xffff, v6  }
0x130: {  	v57 =	vadd.s32 $0x3B, v5;
	v6 =	vld.idx.msk [tilespmem:v7+s18+$0x0], $0xffff  }
0x131: {  	v58 =	vadd.s32 $0xF0, v4;
	_ =	sdelay $0x3  }
0x132: {  	[tilespmem:v57+s22+$0x0] =	vst.idx.msk $0xffff, v6  }
0x133: {  	v59 =	vadd.s32 $0x3C, v5;
	v6 =	vld.idx.msk [tilespmem:v58+s18+$0x0], $0xffff  }
0x134: {  	v60 =	vadd.s32 $0xF1, v4;
	_ =	sdelay $0x3  }
0x135: {  	[tilespmem:v59+s22+$0x0] =	vst.idx.msk $0xffff, v6  }
0x136: {  	v61 =	vadd.s32 $0x3D, v5;
	v6 =	vld.idx.msk [tilespmem:v60+s18+$0x0], $0xffff  }
0x137: {  	v62 =	vadd.s32 $0xF2, v4;
	_ =	sdelay $0x3  }
0x138: {  	[tilespmem:v61+s22+$0x0] =	vst.idx.msk $0xffff, v6  }
0x139: {  	v63 =	vadd.s32 $0x3E, v5;
	v6 =	vld.idx.msk [tilespmem:v62+s18+$0x0], $0xffff  }
0x13a: {  	v4 =	vadd.s32 $0xF3, v4;
	_ =	sdelay $0x3  }
0x13b: {  	[tilespmem:v63+s22+$0x0] =	vst.idx.msk $0xffff, v6  }
0x13c: {  	p1 =	sne.s32 s8, $0x600;
	v5 =	vadd.s32 $0x3F, v5;
	v4 =	vld.idx.msk [tilespmem:v4+s18+$0x0], $0xffff  }
.Ltmp2:
0x13d: {  	_ = 	snop;
	(pc) =	sbr.rel @p1 .LBB2_7-.Ltmp2, $2  }
0x13e: {  	_ =	sdelay $0x2  }
0x13f: {  	s8 =	sadd.s32 $0x40, s8;
	[tilespmem:v5+s22+$0x0] =	vst.idx.msk $0xffff, v4  }
0x140: {  	s8 =	sor.u32 s12, s7;
	p1 =	sne.s32 s21, $0x1F  }
.Ltmp3:
0x141: {  	s11 =	sshll.u32 s8, $0xC;
	(pc) =	sbr.rel @p1 .LBB2_10-.Ltmp3, $4  }
0x142: {  	s8 =	smul.u32 $0x32, s8;
	s11 =	sadd.s32 s9, s11  }
0x143: {  	[hbm4b:s11+s4] =	stream.linear.scatter [tilespmem:s22], [sflag:$0x3], $0x8000, $0x38;
	[tilespmem:$0x12A80] =	vst v63  }
0x144: {  	s8 =	sadd.s32 s10, s8  }
0x145: {  	[hbm4b:s8+s4] =	stream.linear.scatter [tilespmem:s29], [sflag:$0x3], $0x190, $0x38;
	[tilespmem:$0x12A80] =	vst v63  }
.Ltmp4:
0x146: {  	(pc) =	sbr.rel .LBB2_11-.Ltmp4, $4  }
0x147: {  	_ = 	snop  }
0x148: {  	_ =	swait.ge [sflag:s30], $0x190  }
0x149: {  	[sflag:s30] =	ssyncset.done $0x0  }
0x14a: {  	[sflag:s30] =	ssyncadd.s32 $0xFFFFFE70  }
.LBB2_10:
0x14b: {  	s7 =	sadd.s32 s7, s14  }
0x14c: {  	s7 =	smul.u32 $0x32, s7;
	_ =	sdelay $0x1  }
.Ltmp5:
0x14d: {  	s7 =	sadd.s32 s1, s7;
	(pc) =	sbr.rel @p0 .LBB2_12-.Ltmp5, $4  }
0x14e: {  	[tilespmem:s4], [sflag:$0x1] =	stream.linear.gather [hbm4b:s7+s4], $0x190, $0x38;
	[tilespmem:$0x12A80] =	vst v63  }
0x14f: {  	_ =	swait.ge [sflag:s30], $0x190  }
0x150: {  	[sflag:s30] =	ssyncset.done $0x0  }
0x151: {  	[sflag:s30] =	ssyncadd.s32 $0xFFFFFE70  }
.LBB2_11:
0x152: {  	_ =	swait.ge [sflag:s31], $0x8000  }
0x153: {  	[sflag:s31] =	ssyncset.done $0x0  }
0x154: {  	[sflag:s31] =	ssyncadd.s32 $0xFFFF8000  }
0x155: {  	_ =	swait.ge [sflag:s31], $0x190  }
0x156: {  	[sflag:s31] =	ssyncset.done $0x0  }
0x157: {  	[sflag:s31] =	ssyncadd.s32 $0xFFFFFE70  }
.LBB2_12:
0x158: {  	[tilespmem:$0x12900] =	vst v1  }
0x159: {  	[tilespmem:$0x12910] =	vst v1  }
0x15a: {  	[tilespmem:$0x12920] =	vst v1  }
0x15b: {  	[tilespmem:$0x12930] =	vst v1  }
0x15c: {  	[tilespmem:$0x12940] =	vst v1  }
0x15d: {  	[tilespmem:$0x12950] =	vst v1  }
0x15e: {  	[tilespmem:$0x12960] =	vst v1  }
0x15f: {  	[tilespmem:$0x12970] =	vst v1  }
0x160: {  	[tilespmem:$0x12980] =	vst v1  }
0x161: {  	[tilespmem:$0x12990] =	vst v1  }
0x162: {  	[tilespmem:$0x129A0] =	vst v1  }
0x163: {  	[tilespmem:$0x129B0] =	vst v1  }
0x164: {  	[tilespmem:$0x129C0] =	vst v1  }
0x165: {  	[tilespmem:$0x129D0] =	vst v1  }
0x166: {  	[tilespmem:$0x129E0] =	vst v1  }
0x167: {  	[tilespmem:$0x129F0] =	vst v1  }
0x168: {  	[tilespmem:$0x12A00] =	vst v1  }
0x169: {  	[tilespmem:$0x12A10] =	vst v1  }
0x16a: {  	[tilespmem:$0x12A20] =	vst v1  }
0x16b: {  	[tilespmem:$0x12A30] =	vst v1  }
0x16c: {  	[tilespmem:$0x12A40] =	vst v1  }
0x16d: {  	[tilespmem:$0x12A50] =	vst v1  }
0x16e: {  	[tilespmem:$0x12A60] =	vst v1  }
0x16f: {  	[tilespmem:$0x12A70] =	vst v1;
	s8 =	simm.s32 $0x0  }
0x170: {  	v4 =	vld [tilespmem:s8+$0x200]  }
0x171: {  	s7 =	simm.s32 $0x0;
	v5 =	vld [tilespmem:s8+$0x12700];
	s8 =	simm.s32 $0x40  }
.LBB2_13:
0x172: {  	p0 =	sne.s32 s8, $0x600;
	_ =	sdelay $0x2  }
0x173: {  	v6 =	vshrl.u32 v4, $0x15  }
0x174: {  	v4 =	vshrl.u32 v4, $0x18;
	v5 =	vshra.s32 v5, $0x10  }
0x175: {  	v4 =	vand.u32 $0xF, v4;
	v7 =	vshll.u32 v5, $0x5;
	v5 =	vshll.u32 v5, $0x4  }
0x176: {  	v6 =	vand.u32 $0x7, v6;
	v4 =	vor.u32 v4, v7  }
0x177: {  	v5 =	vor.u32 v6, v5;
	_ =	sdelay $0x2  }
.Ltmp6:
0x178: {  	(pc) =	sbr.rel @p0 .LBB2_13-.Ltmp6, $4  }
0x179: {  	[tilespmem:v4+s26+$0x0] =	vst.idx.add.f32.msk $0xffff, v2  }
0x17a: {  	s11 =	sshra.s32 s8, $0x2;
	[tilespmem:v5+s28+$0x0] =	vst.idx.add.f32.msk $0xffff, v2  }
0x17b: {  	v4 =	vld [tilespmem:s11+$0x200]  }
0x17c: {  	s8 =	sadd.s32 $0x40, s8;
	v5 =	vld [tilespmem:s11+$0x12700]  }
0x17d: {  	_ =	sdelay $0x3  }
0x17e: {  	v6 =	vshrl.u32 v4, $0x18;
	v5 =	vshra.s32 v5, $0x10  }
0x17f: {  	v4 =	vshrl.u32 v4, $0x15;
	v6 =	vand.u32 $0xF, v6;
	v7 =	vshll.u32 v5, $0x5  }
0x180: {  	v4 =	vand.u32 $0x7, v4;
	v5 =	vshll.u32 v5, $0x4;
	v6 =	vor.u32 v6, v7  }
0x181: {  	v4 =	vor.u32 v4, v5;
	_ =	sdelay $0x3  }
0x182: {  	[tilespmem:v6+s26+$0x0] =	vst.idx.add.f32.msk $0xffff, v2  }
0x183: {  	[tilespmem:v4+s28+$0x0] =	vst.idx.add.f32.msk $0xffff, v2  }
.LBB2_15:
0x184: {  	s8 =	sshra.s32 s7, $0x2  }
0x185: {  	v4 =	vld [tilespmem:s8+$0x200]  }
0x186: {  	v5 =	vld [tilespmem:s8+$0x12700];
	_ =	sdelay $0x4  }
0x187: {  	v6 =	vshrl.u32 v4, $0x18;
	v8 =	vshra.s32 v5, $0x10  }
0x188: {  	v9 =	vshrl.u32 v4, $0x15;
	v6 =	vand.u32 $0xF, v6;
	v7 =	vshll.u32 v8, $0x5  }
0x189: {  	v8 =	vshll.u32 v8, $0x4;
	v10 =	vor.u32 v6, v7;
	v7 =	vand.u32 $0x7, v9  }
0x18a: {  	v9 =	vor.u32 v7, v8  }
0x18b: {  	vm0 =	vgt.s32 v10, $0x1  }
0x18c: {  	v36 =	vnsel vm0, $0x1, v10  }
0x18d: {  	v11 =	vadd.s32 $0xFFFFFFFF, v36  }
0x18e: {  	v14 =	vand.u32 $0xFF, v4;
	v13 =	vadd.s32 $0x1, v10;
	v8 =	vld.idx.msk [tilespmem:v10+s26+$0x0], $0xffff  }
0x18f: {  	v10 =	vld.idx.msk [tilespmem:v9+s28+$0x0], $0xffff;
	v9 =	vmul.u32 $0x2D, v14;
	_ =	sdelay $0x1  }
0x190: {  	v37 =	vor.u32 v14, v6;
	v15 =	vld.idx.msk [tilespmem:v6+s19+$0x0], $0xffff  }
0x191: {  	vm14 =	veq.s32 v37, $0x0;
	v12 =	vld.idx.msk [tilespmem:v11+s26+$0x0], $0xffff  }
0x192: {  	v11 =	vld.idx.msk [tilespmem:v13+s26+$0x0], $0xffff;
	v13 =	vsel vm14, $0x1, v3  }
0x193: {  	v14 =	vld.idx.msk [tilespmem:v6+s20+$0x0], $0xffff;
	[tilespmem:s8+$0x10600] =	vst v13  }
0x194: {  	v5 =	vand.u32 $0xFFFF, v5;
	v13 =	vld.idx.msk [tilespmem:v9+s16+$0x0], $0xffff  }
0x195: {  	v16 =	vadd.s32 $0x1, v9;
	_ =	sdelay $0x3  }
0x196: {  	[tilespmem:v5+s23+$0x0] =	vst.idx.msk $0xffff, v13  }
0x197: {  	v38 =	vadd.s32 $0x1, v5;
	v13 =	vld.idx.msk [tilespmem:v16+s16+$0x0], $0xffff  }
0x198: {  	v17 =	vadd.s32 $0x2, v9;
	_ =	sdelay $0x3  }
0x199: {  	[tilespmem:v38+s23+$0x0] =	vst.idx.msk $0xffff, v13  }
0x19a: {  	v39 =	vadd.s32 $0x2, v5;
	v13 =	vld.idx.msk [tilespmem:v17+s16+$0x0], $0xffff  }
0x19b: {  	v40 =	vadd.s32 $0x3, v9;
	_ =	sdelay $0x3  }
0x19c: {  	[tilespmem:v39+s23+$0x0] =	vst.idx.msk $0xffff, v13  }
0x19d: {  	v41 =	vadd.s32 $0x3, v5;
	v13 =	vld.idx.msk [tilespmem:v40+s16+$0x0], $0xffff  }
0x19e: {  	v42 =	vadd.s32 $0x4, v9;
	_ =	sdelay $0x3  }
0x19f: {  	[tilespmem:v41+s23+$0x0] =	vst.idx.msk $0xffff, v13  }
0x1a0: {  	v43 =	vadd.s32 $0x4, v5;
	v13 =	vld.idx.msk [tilespmem:v42+s16+$0x0], $0xffff  }
0x1a1: {  	v44 =	vadd.s32 $0x5, v9;
	_ =	sdelay $0x3  }
0x1a2: {  	[tilespmem:v43+s23+$0x0] =	vst.idx.msk $0xffff, v13  }
0x1a3: {  	v13 =	vadd.s32 $0x5, v5;
	v16 =	vld.idx.msk [tilespmem:v44+s16+$0x0], $0xffff  }
0x1a4: {  	v45 =	vadd.s32 $0x6, v9;
	_ =	sdelay $0x3  }
0x1a5: {  	[tilespmem:v13+s23+$0x0] =	vst.idx.msk $0xffff, v16  }
0x1a6: {  	v46 =	vadd.s32 $0x6, v5;
	v16 =	vld.idx.msk [tilespmem:v45+s16+$0x0], $0xffff  }
0x1a7: {  	v18 =	vadd.s32 $0x7, v9;
	_ =	sdelay $0x3  }
0x1a8: {  	[tilespmem:v46+s23+$0x0] =	vst.idx.msk $0xffff, v16  }
0x1a9: {  	v47 =	vadd.s32 $0x7, v5;
	v16 =	vld.idx.msk [tilespmem:v18+s16+$0x0], $0xffff  }
0x1aa: {  	v48 =	vadd.s32 $0x8, v9;
	_ =	sdelay $0x3  }
0x1ab: {  	[tilespmem:v47+s23+$0x0] =	vst.idx.msk $0xffff, v16  }
0x1ac: {  	v49 =	vadd.s32 $0x8, v5;
	v16 =	vld.idx.msk [tilespmem:v48+s16+$0x0], $0xffff  }
0x1ad: {  	v50 =	vadd.s32 $0x9, v9;
	_ =	sdelay $0x3  }
0x1ae: {  	[tilespmem:v49+s23+$0x0] =	vst.idx.msk $0xffff, v16  }
0x1af: {  	v51 =	vadd.s32 $0x9, v5;
	v16 =	vld.idx.msk [tilespmem:v50+s16+$0x0], $0xffff  }
0x1b0: {  	v52 =	vadd.s32 $0xA, v9;
	_ =	sdelay $0x3  }
0x1b1: {  	[tilespmem:v51+s23+$0x0] =	vst.idx.msk $0xffff, v16  }
0x1b2: {  	v53 =	vadd.s32 $0xA, v5;
	v16 =	vld.idx.msk [tilespmem:v52+s16+$0x0], $0xffff  }
0x1b3: {  	v54 =	vadd.s32 $0xB, v9;
	_ =	sdelay $0x3  }
0x1b4: {  	[tilespmem:v53+s23+$0x0] =	vst.idx.msk $0xffff, v16  }
0x1b5: {  	v55 =	vadd.s32 $0xB, v5;
	v16 =	vld.idx.msk [tilespmem:v54+s16+$0x0], $0xffff  }
0x1b6: {  	v56 =	vadd.s32 $0xC, v9;
	_ =	sdelay $0x3  }
0x1b7: {  	[tilespmem:v55+s23+$0x0] =	vst.idx.msk $0xffff, v16  }
0x1b8: {  	v57 =	vadd.s32 $0xC, v5;
	v16 =	vld.idx.msk [tilespmem:v56+s16+$0x0], $0xffff  }
0x1b9: {  	v58 =	vadd.s32 $0xD, v9;
	_ =	sdelay $0x3  }
0x1ba: {  	[tilespmem:v57+s23+$0x0] =	vst.idx.msk $0xffff, v16  }
0x1bb: {  	v59 =	vadd.s32 $0xD, v5;
	v16 =	vld.idx.msk [tilespmem:v58+s16+$0x0], $0xffff  }
0x1bc: {  	v60 =	vadd.s32 $0xE, v9;
	_ =	sdelay $0x3  }
0x1bd: {  	[tilespmem:v59+s23+$0x0] =	vst.idx.msk $0xffff, v16  }
0x1be: {  	v61 =	vadd.s32 $0xE, v5;
	v16 =	vld.idx.msk [tilespmem:v60+s16+$0x0], $0xffff  }
0x1bf: {  	v62 =	vadd.s32 $0xF, v9;
	_ =	sdelay $0x3  }
0x1c0: {  	[tilespmem:v61+s23+$0x0] =	vst.idx.msk $0xffff, v16  }
0x1c1: {  	v63 =	vadd.s32 $0xF, v5;
	v16 =	vld.idx.msk [tilespmem:v62+s16+$0x0], $0xffff  }
0x1c2: {  	v21 =	vadd.s32 $0x10, v9;
	_ =	sdelay $0x3  }
0x1c3: {  	[tilespmem:v63+s23+$0x0] =	vst.idx.msk $0xffff, v16  }
0x1c4: {  	v22 =	vadd.s32 $0x10, v5;
	v16 =	vld.idx.msk [tilespmem:v21+s16+$0x0], $0xffff  }
0x1c5: {  	v23 =	vadd.s32 $0x11, v9;
	_ =	sdelay $0x3  }
0x1c6: {  	[tilespmem:v22+s23+$0x0] =	vst.idx.msk $0xffff, v16  }
0x1c7: {  	v24 =	vadd.s32 $0x11, v5;
	v16 =	vld.idx.msk [tilespmem:v23+s16+$0x0], $0xffff  }
0x1c8: {  	v25 =	vadd.s32 $0x12, v9;
	_ =	sdelay $0x3  }
0x1c9: {  	[tilespmem:v24+s23+$0x0] =	vst.idx.msk $0xffff, v16  }
0x1ca: {  	v26 =	vadd.s32 $0x12, v5;
	v16 =	vld.idx.msk [tilespmem:v25+s16+$0x0], $0xffff  }
0x1cb: {  	v27 =	vadd.s32 $0x13, v9;
	_ =	sdelay $0x3  }
0x1cc: {  	[tilespmem:v26+s23+$0x0] =	vst.idx.msk $0xffff, v16  }
0x1cd: {  	v28 =	vadd.s32 $0x13, v5;
	v16 =	vld.idx.msk [tilespmem:v27+s16+$0x0], $0xffff  }
0x1ce: {  	v29 =	vadd.s32 $0x14, v9;
	_ =	sdelay $0x3  }
0x1cf: {  	[tilespmem:v28+s23+$0x0] =	vst.idx.msk $0xffff, v16  }
0x1d0: {  	v30 =	vadd.s32 $0x14, v5;
	v16 =	vld.idx.msk [tilespmem:v29+s16+$0x0], $0xffff  }
0x1d1: {  	v31 =	vadd.s32 $0x15, v9;
	_ =	sdelay $0x3  }
0x1d2: {  	[tilespmem:v30+s23+$0x0] =	vst.idx.msk $0xffff, v16  }
0x1d3: {  	v32 =	vadd.s32 $0x15, v5;
	v16 =	vld.idx.msk [tilespmem:v31+s16+$0x0], $0xffff  }
0x1d4: {  	v33 =	vadd.s32 $0x16, v9;
	_ =	sdelay $0x3  }
0x1d5: {  	[tilespmem:v32+s23+$0x0] =	vst.idx.msk $0xffff, v16  }
0x1d6: {  	v34 =	vadd.s32 $0x16, v5;
	v16 =	vld.idx.msk [tilespmem:v33+s16+$0x0], $0xffff  }
0x1d7: {  	v35 =	vadd.s32 $0x17, v9;
	_ =	sdelay $0x3  }
0x1d8: {  	[tilespmem:v34+s23+$0x0] =	vst.idx.msk $0xffff, v16  }
0x1d9: {  	v36 =	vadd.s32 $0x17, v5;
	v16 =	vld.idx.msk [tilespmem:v35+s16+$0x0], $0xffff  }
0x1da: {  	v37 =	vadd.s32 $0x18, v9;
	_ =	sdelay $0x3  }
0x1db: {  	[tilespmem:v36+s23+$0x0] =	vst.idx.msk $0xffff, v16  }
0x1dc: {  	v38 =	vadd.s32 $0x18, v5;
	v16 =	vld.idx.msk [tilespmem:v37+s16+$0x0], $0xffff  }
0x1dd: {  	v39 =	vadd.s32 $0x19, v9;
	_ =	sdelay $0x3  }
0x1de: {  	[tilespmem:v38+s23+$0x0] =	vst.idx.msk $0xffff, v16  }
0x1df: {  	v40 =	vadd.s32 $0x19, v5;
	v16 =	vld.idx.msk [tilespmem:v39+s16+$0x0], $0xffff  }
0x1e0: {  	v41 =	vadd.s32 $0x1A, v9;
	_ =	sdelay $0x3  }
0x1e1: {  	[tilespmem:v40+s23+$0x0] =	vst.idx.msk $0xffff, v16  }
0x1e2: {  	v42 =	vadd.s32 $0x1A, v5;
	v16 =	vld.idx.msk [tilespmem:v41+s16+$0x0], $0xffff  }
0x1e3: {  	v43 =	vadd.s32 $0x1B, v9;
	_ =	sdelay $0x3  }
0x1e4: {  	[tilespmem:v42+s23+$0x0] =	vst.idx.msk $0xffff, v16  }
0x1e5: {  	v44 =	vadd.s32 $0x1B, v5;
	v16 =	vld.idx.msk [tilespmem:v43+s16+$0x0], $0xffff  }
0x1e6: {  	v45 =	vadd.s32 $0x1C, v9;
	_ =	sdelay $0x3  }
0x1e7: {  	[tilespmem:v44+s23+$0x0] =	vst.idx.msk $0xffff, v16  }
0x1e8: {  	v46 =	vadd.s32 $0x1C, v5;
	v16 =	vld.idx.msk [tilespmem:v45+s16+$0x0], $0xffff  }
0x1e9: {  	v47 =	vadd.s32 $0x1D, v9;
	_ =	sdelay $0x3  }
0x1ea: {  	[tilespmem:v46+s23+$0x0] =	vst.idx.msk $0xffff, v16  }
0x1eb: {  	v48 =	vadd.s32 $0x1D, v5;
	v16 =	vld.idx.msk [tilespmem:v47+s16+$0x0], $0xffff  }
0x1ec: {  	v49 =	vadd.s32 $0x1E, v9;
	_ =	sdelay $0x3  }
0x1ed: {  	[tilespmem:v48+s23+$0x0] =	vst.idx.msk $0xffff, v16  }
0x1ee: {  	v50 =	vadd.s32 $0x1E, v5;
	v16 =	vld.idx.msk [tilespmem:v49+s16+$0x0], $0xffff  }
0x1ef: {  	v51 =	vadd.s32 $0x1F, v9;
	_ =	sdelay $0x3  }
0x1f0: {  	[tilespmem:v50+s23+$0x0] =	vst.idx.msk $0xffff, v16  }
0x1f1: {  	v52 =	vadd.s32 $0x1F, v5;
	v16 =	vld.idx.msk [tilespmem:v51+s16+$0x0], $0xffff  }
0x1f2: {  	v53 =	vadd.s32 $0x20, v9;
	_ =	sdelay $0x3  }
0x1f3: {  	[tilespmem:v52+s23+$0x0] =	vst.idx.msk $0xffff, v16  }
0x1f4: {  	v54 =	vadd.s32 $0x20, v5;
	v16 =	vld.idx.msk [tilespmem:v53+s16+$0x0], $0xffff  }
0x1f5: {  	v55 =	vadd.s32 $0x21, v9;
	_ =	sdelay $0x3  }
0x1f6: {  	[tilespmem:v54+s23+$0x0] =	vst.idx.msk $0xffff, v16  }
0x1f7: {  	v56 =	vadd.s32 $0x21, v5;
	v16 =	vld.idx.msk [tilespmem:v55+s16+$0x0], $0xffff  }
0x1f8: {  	v57 =	vadd.s32 $0x22, v9;
	_ =	sdelay $0x3  }
0x1f9: {  	[tilespmem:v56+s23+$0x0] =	vst.idx.msk $0xffff, v16  }
0x1fa: {  	v58 =	vadd.s32 $0x22, v5;
	v16 =	vld.idx.msk [tilespmem:v57+s16+$0x0], $0xffff  }
0x1fb: {  	v59 =	vadd.s32 $0x23, v9;
	_ =	sdelay $0x3  }
0x1fc: {  	[tilespmem:v58+s23+$0x0] =	vst.idx.msk $0xffff, v16  }
0x1fd: {  	v60 =	vadd.s32 $0x23, v5;
	v16 =	vld.idx.msk [tilespmem:v59+s16+$0x0], $0xffff  }
0x1fe: {  	v61 =	vadd.s32 $0x24, v9;
	_ =	sdelay $0x3  }
0x1ff: {  	[tilespmem:v60+s23+$0x0] =	vst.idx.msk $0xffff, v16  }
0x200: {  	v62 =	vadd.s32 $0x24, v5;
	v16 =	vld.idx.msk [tilespmem:v61+s16+$0x0], $0xffff  }
0x201: {  	v63 =	vadd.s32 $0x25, v9;
	_ =	sdelay $0x3  }
0x202: {  	[tilespmem:v62+s23+$0x0] =	vst.idx.msk $0xffff, v16  }
0x203: {  	v16 =	vld.idx.msk [tilespmem:v63+s16+$0x0], $0xffff;
	_ =	sdelay $0x1  }
0x204: {  	v21 =	vadd.s32 $0x25, v5  }
0x205: {  	v22 =	vadd.s32 $0x26, v9;
	_ =	sdelay $0x1  }
0x206: {  	v15 =	vadd.f32 v16, v15;
	_ =	sdelay $0x1  }
0x207: {  	[tilespmem:v21+s23+$0x0] =	vst.idx.msk $0xffff, v15  }
0x208: {  	v15 =	vld.idx.msk [tilespmem:v22+s16+$0x0], $0xffff;
	_ =	sdelay $0x1  }
0x209: {  	v23 =	vadd.s32 $0x26, v5  }
0x20a: {  	v24 =	vadd.s32 $0x27, v9;
	_ =	sdelay $0x1  }
0x20b: {  	v14 =	vadd.f32 v15, v14;
	_ =	sdelay $0x1  }
0x20c: {  	[tilespmem:v23+s23+$0x0] =	vst.idx.msk $0xffff, v14  }
0x20d: {  	v14 =	vld.idx.msk [tilespmem:v24+s16+$0x0], $0xffff;
	_ =	sdelay $0x1  }
0x20e: {  	v25 =	vadd.s32 $0x27, v5  }
0x20f: {  	vm15 =	veq.s32 v6, $0x0;
	v26 =	vadd.s32 $0x28, v9  }
0x210: {  	v12 =	vsel vm15, $0x0, v12  }
0x211: {  	v12 =	vadd.f32 v14, v12;
	_ =	sdelay $0x1  }
0x212: {  	[tilespmem:v25+s23+$0x0] =	vst.idx.msk $0xffff, v12  }
0x213: {  	v12 =	vld.idx.msk [tilespmem:v26+s16+$0x0], $0xffff;
	_ =	sdelay $0x1  }
0x214: {  	v27 =	vadd.s32 $0x28, v5  }
0x215: {  	v28 =	vadd.s32 $0x29, v9;
	_ =	sdelay $0x1  }
0x216: {  	v11 =	vadd.f32 v12, v11;
	_ =	sdelay $0x1  }
0x217: {  	[tilespmem:v27+s23+$0x0] =	vst.idx.msk $0xffff, v11  }
0x218: {  	v11 =	vld.idx.msk [tilespmem:v28+s16+$0x0], $0xffff  }
0x219: {  	vm1 =	veq.s32 v7, $0x0  }
0x21a: {  	v10 =	vsel vm1, $0x0, v10;
	v29 =	vadd.s32 $0x29, v5  }
0x21b: {  	vm1 =	vge.f32 v10, $5.000000000e+00;
	v30 =	vadd.s32 $0x2A, v9  }
0x21c: {  	v31 =	vsel vm1, $0x3F800000, v1  }
0x21d: {  	v11 =	vadd.f32 v11, v31;
	_ =	sdelay $0x1  }
0x21e: {  	[tilespmem:v29+s23+$0x0] =	vst.idx.msk $0xffff, v11  }
0x21f: {  	v11 =	vld.idx.msk [tilespmem:v30+s16+$0x0], $0xffff;
	_ =	sdelay $0x1  }
0x220: {  	v32 =	vadd.s32 $0x2A, v5  }
0x221: {  	v9 =	vadd.s32 $0x2B, v9;
	_ =	sdelay $0x1  }
0x222: {  	v10 =	vadd.f32 v11, v10;
	_ =	sdelay $0x1  }
0x223: {  	[tilespmem:v32+s23+$0x0] =	vst.idx.msk $0xffff, v10  }
0x224: {  	v9 =	vld.idx.msk [tilespmem:v9+s16+$0x0], $0xffff;
	_ =	sdelay $0x1  }
0x225: {  	v33 =	vshrl.u32 v4, $0x12;
	v34 =	vadd.s32 $0x2B, v5  }
0x226: {  	v7 =	vadd.s32 v7, v5;
	v10 =	vand.u32 $0x7, v33  }
0x227: {  	v8 =	vsel vm15, $0x0, v8;
	v6 =	vadd.s32 v6, v13;
	v10 =	vmul.u32 $0x5, v10  }
0x228: {  	v8 =	vadd.f32 v9, v8;
	_ =	sdelay $0x1  }
0x229: {  	[tilespmem:v34+s23+$0x0] =	vst.idx.msk $0xffff, v8  }
0x22a: {  	[tilespmem:v7+s23+$0x0] =	vst.idx.add.f32.msk $0xffff, v2  }
0x22b: {  	[tilespmem:v6+s23+$0x0] =	vst.idx.add.f32.msk $0xffff, v2  }
0x22c: {  	v35 =	vadd.s32 $0x30, v5;
	v6 =	vld.idx.msk [tilespmem:v10+s18+$0x0], $0xffff  }
0x22d: {  	v36 =	vadd.s32 $0x1, v10;
	_ =	sdelay $0x3  }
0x22e: {  	[tilespmem:v35+s23+$0x0] =	vst.idx.msk $0xffff, v6  }
0x22f: {  	v37 =	vadd.s32 $0x31, v5;
	v6 =	vld.idx.msk [tilespmem:v36+s18+$0x0], $0xffff  }
0x230: {  	v38 =	vadd.s32 $0x2, v10;
	_ =	sdelay $0x3  }
0x231: {  	[tilespmem:v37+s23+$0x0] =	vst.idx.msk $0xffff, v6  }
0x232: {  	v39 =	vadd.s32 $0x32, v5;
	v6 =	vld.idx.msk [tilespmem:v38+s18+$0x0], $0xffff  }
0x233: {  	v40 =	vadd.s32 $0x3, v10;
	_ =	sdelay $0x1  }
0x234: {  	v41 =	vshrl.u32 v4, $0x8  }
0x235: {  	v9 =	vand.u32 $0xF, v41  }
0x236: {  	v42 =	vmul.u32 $0x5, v9;
	[tilespmem:v39+s23+$0x0] =	vst.idx.msk $0xffff, v6  }
0x237: {  	v43 =	vadd.s32 $0x33, v5;
	v7 =	vld.idx.msk [tilespmem:v40+s18+$0x0], $0xffff  }
0x238: {  	v9 =	vadd.s32 $0x50, v42;
	_ =	sdelay $0x3  }
0x239: {  	[tilespmem:v43+s23+$0x0] =	vst.idx.msk $0xffff, v7  }
0x23a: {  	v44 =	vadd.s32 $0x34, v5;
	v7 =	vld.idx.msk [tilespmem:v9+s18+$0x0], $0xffff  }
0x23b: {  	v45 =	vadd.s32 $0x51, v42;
	_ =	sdelay $0x3  }
0x23c: {  	[tilespmem:v44+s23+$0x0] =	vst.idx.msk $0xffff, v7  }
0x23d: {  	v46 =	vadd.s32 $0x35, v5;
	v7 =	vld.idx.msk [tilespmem:v45+s18+$0x0], $0xffff  }
0x23e: {  	v47 =	vadd.s32 $0x52, v42;
	_ =	sdelay $0x3  }
0x23f: {  	[tilespmem:v46+s23+$0x0] =	vst.idx.msk $0xffff, v7  }
0x240: {  	v48 =	vadd.s32 $0x36, v5;
	v7 =	vld.idx.msk [tilespmem:v47+s18+$0x0], $0xffff  }
0x241: {  	v6 =	vadd.s32 $0x53, v42;
	_ =	sdelay $0x1  }
0x242: {  	v49 =	vshrl.u32 v4, $0xC  }
0x243: {  	v9 =	vand.u32 $0x7, v49  }
0x244: {  	v50 =	vmul.u32 $0x5, v9;
	[tilespmem:v48+s23+$0x0] =	vst.idx.msk $0xffff, v7  }
0x245: {  	v51 =	vadd.s32 $0x37, v5;
	v6 =	vld.idx.msk [tilespmem:v6+s18+$0x0], $0xffff  }
0x246: {  	v9 =	vadd.s32 $0xA0, v50;
	_ =	sdelay $0x3  }
0x247: {  	[tilespmem:v51+s23+$0x0] =	vst.idx.msk $0xffff, v6  }
0x248: {  	v52 =	vadd.s32 $0x38, v5;
	v6 =	vld.idx.msk [tilespmem:v9+s18+$0x0], $0xffff  }
0x249: {  	v53 =	vadd.s32 $0xA1, v50;
	_ =	sdelay $0x3  }
0x24a: {  	[tilespmem:v52+s23+$0x0] =	vst.idx.msk $0xffff, v6  }
0x24b: {  	v54 =	vadd.s32 $0x39, v5;
	v6 =	vld.idx.msk [tilespmem:v53+s18+$0x0], $0xffff  }
0x24c: {  	v55 =	vadd.s32 $0xA2, v50;
	_ =	sdelay $0x3  }
0x24d: {  	[tilespmem:v54+s23+$0x0] =	vst.idx.msk $0xffff, v6  }
0x24e: {  	v56 =	vadd.s32 $0x3A, v5;
	v6 =	vld.idx.msk [tilespmem:v55+s18+$0x0], $0xffff  }
0x24f: {  	v7 =	vadd.s32 $0xA3, v50;
	_ =	sdelay $0x1  }
0x250: {  	v4 =	vshrl.u32 v4, $0xF  }
0x251: {  	v4 =	vand.u32 $0x7, v4  }
0x252: {  	v4 =	vmul.u32 $0x5, v4;
	[tilespmem:v56+s23+$0x0] =	vst.idx.msk $0xffff, v6  }
0x253: {  	v57 =	vadd.s32 $0x3B, v5;
	v6 =	vld.idx.msk [tilespmem:v7+s18+$0x0], $0xffff  }
0x254: {  	v58 =	vadd.s32 $0xF0, v4;
	_ =	sdelay $0x3  }
0x255: {  	[tilespmem:v57+s23+$0x0] =	vst.idx.msk $0xffff, v6  }
0x256: {  	v59 =	vadd.s32 $0x3C, v5;
	v6 =	vld.idx.msk [tilespmem:v58+s18+$0x0], $0xffff  }
0x257: {  	v60 =	vadd.s32 $0xF1, v4;
	_ =	sdelay $0x3  }
0x258: {  	[tilespmem:v59+s23+$0x0] =	vst.idx.msk $0xffff, v6  }
0x259: {  	v61 =	vadd.s32 $0x3D, v5;
	v6 =	vld.idx.msk [tilespmem:v60+s18+$0x0], $0xffff  }
0x25a: {  	v62 =	vadd.s32 $0xF2, v4;
	_ =	sdelay $0x3  }
0x25b: {  	[tilespmem:v61+s23+$0x0] =	vst.idx.msk $0xffff, v6  }
0x25c: {  	v63 =	vadd.s32 $0x3E, v5;
	v6 =	vld.idx.msk [tilespmem:v62+s18+$0x0], $0xffff  }
0x25d: {  	v4 =	vadd.s32 $0xF3, v4;
	_ =	sdelay $0x3  }
0x25e: {  	[tilespmem:v63+s23+$0x0] =	vst.idx.msk $0xffff, v6  }
0x25f: {  	p0 =	sne.s32 s7, $0x600;
	v5 =	vadd.s32 $0x3F, v5;
	v4 =	vld.idx.msk [tilespmem:v4+s18+$0x0], $0xffff  }
.Ltmp7:
0x260: {  	_ = 	snop;
	(pc) =	sbr.rel @p0 .LBB2_15-.Ltmp7, $2  }
0x261: {  	_ =	sdelay $0x2  }
0x262: {  	s7 =	sadd.s32 $0x40, s7;
	[tilespmem:v5+s23+$0x0] =	vst.idx.msk $0xffff, v4  }
0x263: {  	s21 =	sadd.s32 $0x1, s21  }
0x264: {  	s6 =	sshll.u32 s6, $0xC;
	p0 =	sne.s32 s21, $0x20  }
.Ltmp8:
0x265: {  	s6 =	sand.u32 $0x1FFFF000, s6;
	(pc) =	sbr.rel @p0 .LBB2_4-.Ltmp8, $4  }
0x266: {  	s6 =	sadd.s32 s9, s6  }
0x267: {  	[hbm4b:s6+s4] =	stream.linear.scatter [tilespmem:s23], [sflag:$0x4], $0x8000, $0x38;
	[tilespmem:$0x12A80] =	vst v63  }
0x268: {  	s5 =	sadd.s32 s10, s5  }
0x269: {  	[hbm4b:s5+s4] =	stream.linear.scatter [tilespmem:s0], [sflag:$0x4], $0x190, $0x38;
	[tilespmem:$0x12A80] =	vst v63  }
0x26a: {  	_ =	swait.ge [sflag:s3], $0x8000  }
0x26b: {  	[sflag:s3] =	ssyncset.done $0x0  }
0x26c: {  	[sflag:s3] =	ssyncadd.s32 $0xFFFF8000  }
0x26d: {  	_ =	swait.ge [sflag:s3], $0x190  }
0x26e: {  	[sflag:s3] =	ssyncset.done $0x0  }
0x26f: {  	s2 =	sadd.s32 $0x1, s2;
	[sflag:s3] =	ssyncadd.s32 $0xFFFFFE70  }
0x270: {  	p0 =	sne.s32 s2, s15;
	_ =	swait.ge [sflag:s31], $0x8000  }
.Ltmp9:
0x271: {  	[sflag:s31] =	ssyncset.done $0x0;
	(pc) =	sbr.rel @p0 .LBB2_1-.Ltmp9, $4  }
0x272: {  	[sflag:s31] =	ssyncadd.s32 $0xFFFF8000  }
0x273: {  	_ =	swait.ge [sflag:s31], $0x190  }
0x274: {  	[sflag:s31] =	ssyncset.done $0x0  }
0x275: {  	[sflag:s31] =	ssyncadd.s32 $0xFFFFFE70  }
0x276: {  	_ =	sfence.sel $0x180000  }
0x277: {  	[bflag:$0x0] =	sbarrier.arrive $0xFFFF  }
0x278: {  	_ =	strace $0x90000047  }
0x279: {  	s0 =	stileid.u32;
	[bflag:$0x2] =	sbarrier.arrive $0xFFFF  }
0x27a: {  	p0 =	sne.s32 s0, $0x0;
	s0 =	rddreg [dreg:$0x3]  }
0x27b: {  	s0 =	sadd.s32 @!p0 $0x100000, s0  }
0x27c: {  	[sflag:s0] =	ssyncadd.tile.s32 @!p0 $0x1;
	_ =	shalt  }
.Lfunc_end2:
_tile_overlayer_lowered:
.L_overlay_start_2:
0x27d: {  	(tag) =	ssettag $0x2  }
0x27e: {  	s0 =	rddreg [dreg:$0x0];
	s2 =	stileid.u32  }
0x27f: {  	s1 =	rddreg [dreg:$0x1];
	p0 =	sne.s32 s2, $0x0  }
0x280: {  	s3 =	rddreg [dreg:$0x2];
	[bflag:$0x3] =	sbarrier.arrive $0xFFFF;
	s2 =	simm.s32 @!p0 $0x1C05  }
0x281: {  	[timem:s3], [sflag:s2] =	dma.local @!p0 [hbm:s0], s1  }
0x282: {  	s0 =	simm.s32 @!p0 $0x5  }
0x283: {  	_ =	swait.ge @!p0 [sflag:s0], s1  }
0x284: {  	s1 =	ssub.s32 @!p0 $0x0, s1;
	[sflag:s0] =	ssyncset.done @!p0 $0x0  }
0x285: {  	[sflag:s0] =	ssyncadd.s32 @!p0 s1  }
0x286: {  	[bflag:$0x3] =	sbarrier.arrive $0xFFFF  }
0x287: {  	_ =	shalt  }

</sc_bundles>
